<compile_context>
chip_gen: v7x
topology: tpu7x:2x2x1
jax: 0.10.2.dev20260603
libtpu: 0.0.44.dev20260713+nightly
codegen_flags: <defaults>
</compile_context>

<pallas_src>
import functools

import jax
import jax.numpy as jnp
from jax import lax
from jax.experimental import pallas as pl
from jax.experimental.pallas import tpu as pltpu
from jax.experimental.pallas import tpu_sc as plsc



def _mm_body(x_ref, w_ref, b_ref, o_ref, *, relu):
    acc = jnp.dot(x_ref[...], w_ref[...], preferred_element_type=jnp.float32)
    acc = acc + b_ref[...]
    if relu:
        acc = jnp.maximum(acc, 0.0)
    o_ref[...] = acc


def _mm_bias(x, w, b, relu, tile_m):
    m, k = x.shape
    n = w.shape[1]
    return pl.pallas_call(
        functools.partial(_mm_body, relu=relu),
        grid=(m // tile_m,),
        in_specs=[
            pl.BlockSpec((tile_m, k), lambda i: (i, 0)),
            pl.BlockSpec((k, n), lambda i: (0, 0)),
            pl.BlockSpec((1, n), lambda i: (0, 0)),
        ],
        out_specs=pl.BlockSpec((tile_m, n), lambda i: (i, 0)),
        out_shape=jax.ShapeDtypeStruct((m, n), jnp.float32),
    )(x, w, b.reshape(1, n))



def _c1_body(w_ref, x_ref, b_ref, o_ref):
    acc = jnp.dot(w_ref[...], x_ref[0], preferred_element_type=jnp.float32)
    o_ref[0] = jnp.maximum(acc + b_ref[...], 0.0)


def _conv1_t(p1t, w1, b1, n_img):
    return pl.pallas_call(
        _c1_body,
        grid=(n_img,),
        in_specs=[
            pl.BlockSpec((64, 48), lambda i: (0, 0)),
            pl.BlockSpec((1, 48, 12544), lambda i: (i, 0, 0)),
            pl.BlockSpec((64, 1), lambda i: (0, 0)),
        ],
        out_specs=pl.BlockSpec((1, 64, 12544), lambda i: (i, 0, 0)),
        out_shape=jax.ShapeDtypeStruct((n_img, 64, 12544), jnp.float32),
    )(w1, p1t, b1.reshape(64, 1))


def _tmm_body(w_ref, x_ref, o_ref):
    o_ref[0] = jnp.dot(w_ref[...], x_ref[0],
                       preferred_element_type=jnp.float32)


def _tmm(w, x3, n_img, m, nn):
    return pl.pallas_call(
        _tmm_body,
        grid=(n_img,),
        in_specs=[
            pl.BlockSpec(w.shape, lambda i: (0, 0)),
            pl.BlockSpec((1, x3.shape[1], nn), lambda i: (i, 0, 0)),
        ],
        out_specs=pl.BlockSpec((1, m, nn), lambda i: (i, 0, 0)),
        out_shape=jax.ShapeDtypeStruct((n_img, m, nn), jnp.float32),
    )(w, x3)


def _c2vq_body(y_ref, cbt_ref, b_ref, z_ref, idx_ref):
    yf = y_ref[0]
    acc = b_ref[...].reshape(1, 1, -1)
    for a in range(2):
        for b in range(2):
            t = a * 2 + b
            acc = acc + yf[a:a + 56, b:b + 56, t * 64:(t + 1) * 64]
    z_ref[0] = acc
    zf = acc.reshape(3136, 64)
    cbt = cbt_ref[...]
    cn = jnp.sum(cbt * cbt, axis=0, keepdims=True)
    s = cn - 2.0 * jnp.dot(zf, cbt, preferred_element_type=jnp.float32)
    idx_ref[0] = jnp.argmin(s, axis=1).astype(jnp.int32).reshape(1, 3136)


def _conv2_vq(y2, cbt, b2, n_img):
    y2v = y2.reshape(n_img, 57, 64, 256)
    z, idx = pl.pallas_call(
        _c2vq_body,
        grid=(n_img,),
        in_specs=[
            pl.BlockSpec((1, 57, 64, 256), lambda i: (i, 0, 0, 0)),
            pl.BlockSpec((64, 1024), lambda i: (0, 0)),
            pl.BlockSpec((1, 64), lambda i: (0, 0)),
        ],
        out_specs=[
            pl.BlockSpec((1, 56, 56, 64), lambda i: (i, 0, 0, 0)),
            pl.BlockSpec((1, 1, 3136), lambda i: (i, 0, 0)),
        ],
        out_shape=[
            jax.ShapeDtypeStruct((n_img, 56, 56, 64), jnp.float32),
            jax.ShapeDtypeStruct((n_img, 1, 3136), jnp.int32),
        ],
    )(y2v, cbt, b2.reshape(1, 64))
    return z, idx.reshape(n_img * 3136)



def _t1_body(y_ref, b_ref, o_ref):
    yf = y_ref[0]
    bias = b_ref[...].reshape(1, 1, -1)
    for r in range(2):
        for s in range(2):
            t = r * 2 + s
            ph = yf[r:r + 56, s:s + 56, t * 64:(t + 1) * 64] + bias
            o_ref[0, t] = jnp.maximum(ph, 0.0)


def _t1_phases(y4, b3, n_img):
    y4v = y4.reshape(n_img, 57, 64, 256)
    return pl.pallas_call(
        _t1_body,
        grid=(n_img,),
        in_specs=[
            pl.BlockSpec((1, 57, 64, 256), lambda i: (i, 0, 0, 0)),
            pl.BlockSpec((1, 64), lambda i: (0, 0)),
        ],
        out_specs=pl.BlockSpec((1, 4, 56, 56, 64), lambda i: (i, 0, 0, 0, 0)),
        out_shape=jax.ShapeDtypeStruct((n_img, 4, 56, 56, 64), jnp.float32),
    )(y4v, b3.reshape(1, 64))



def _t2_body(h1_ref, h2_ref, w9_ref, b_ref, o_ref):
    x = jnp.concatenate([h1_ref[0], h2_ref[0]], axis=0).reshape(768, 64)
    acc = jnp.broadcast_to(b_ref[...], (384, 16))
    for dr in range(3):
        for dc in range(3):
            s0 = dr * 128 + dc
            acc = acc + jnp.dot(x[s0:s0 + 384, :], w9_ref[dr * 3 + dc],
                                preferred_element_type=jnp.float32)
    o_ref[0, 0] = acc


def _conv_t2(hp, w9, b16, n_img):
    return pl.pallas_call(
        _t2_body,
        grid=(n_img, 38),
        in_specs=[
            pl.BlockSpec((1, 3, 128, 64), lambda i, t: (i, t, 0, 0)),
            pl.BlockSpec((1, 3, 128, 64), lambda i, t: (i, t + 1, 0, 0)),
            pl.BlockSpec((9, 64, 16), lambda i, t: (0, 0, 0)),
            pl.BlockSpec((1, 16), lambda i, t: (0, 0)),
        ],
        out_specs=pl.BlockSpec((1, 1, 384, 16), lambda i, t: (i, t, 0, 0)),
        out_shape=jax.ShapeDtypeStruct((n_img, 38, 384, 16), jnp.float32),
    )(hp, hp, w9, b16.reshape(1, 16)).reshape(n_img, 38, 3, 128, 16).reshape(
        n_img, 114, 128, 16)



def _sc_gather(table, idx):
    nw, b_per_w = idx.shape
    b = nw * b_per_w
    k, d = table.shape
    chunk = b_per_w // 2
    groups = chunk // 16
    info = plsc.get_sparse_core_info()
    mesh = plsc.VectorSubcoreMesh(core_axis_name="c", subcore_axis_name="s")

    @functools.partial(
        pl.kernel,
        mesh=mesh,
        compiler_params=pltpu.CompilerParams(needs_layout_passes=False),
        out_type=jax.ShapeDtypeStruct((b * d,), jnp.float32),
        scratch_types=[
            pltpu.VMEM((k * d,), jnp.float32),
            pltpu.VMEM((b_per_w,), jnp.int32),
            pltpu.VMEM((chunk * d,), jnp.float32),
        ],
    )
    def gather_kernel(table_hbm, idx_hbm, out_hbm, table_v, idx_v, rows_v):
        wid = lax.axis_index("s") * info.num_cores + lax.axis_index("c")
        base = wid * b_per_w
        pltpu.sync_copy(table_hbm, table_v)
        pltpu.sync_copy(idx_hbm.at[wid], idx_v)
        lane = lax.iota(jnp.int32, 16)
        for ch in range(2):

            def body(g, carry):
                rows16 = idx_v[pl.ds(ch * chunk + g * 16, 16)] * d
                loc16 = (g * 16 + lane) * d
                for c in range(d):
                    vals = plsc.load_gather(table_v, [rows16 + c])
                    plsc.store_scatter(rows_v, [loc16 + c], vals)
                return carry

            lax.fori_loop(0, groups, body, 0)
            pltpu.sync_copy(
                rows_v,
                out_hbm.at[pl.ds((base + ch * chunk) * d, chunk * d)])

    return gather_kernel(table.reshape(k * d), idx).reshape(b, d)



def _w1_mat(enc_w1):
    w = enc_w1.reshape(64, 3, 2, 2, 2, 2)
    return w.transpose(2, 4, 3, 5, 1, 0).reshape(48, 64)


def _w2_mat(enc_w2):
    w = enc_w2.reshape(64, 64, 2, 2, 2, 2)
    return w.transpose(3, 5, 1, 2, 4, 0).reshape(256, 256)


def _w4_mat(dec_w1):
    w = dec_w1.reshape(64, 64, 2, 2, 2, 2)
    return w.transpose(2, 4, 1, 3, 5, 0).reshape(256, 256)


def _w9_mat(dec_w2):
    w9 = jnp.zeros((9, 64, 2, 2, 4), jnp.float32)
    for dr in range(3):
        for r in range(2):
            if not 0 <= dr - r <= 1:
                continue
            for dc in range(3):
                for s in range(2):
                    if not 0 <= dc - s <= 1:
                        continue
                    w9 = w9.at[dr * 3 + dc, :, r, s, :3].set(
                        dec_w2[:, :, 2 * dr - r, 2 * dc - s].T)
    return w9.reshape(9, 64, 16)



def kernel(x, x_cond, y, enc_w1, enc_b1, enc_w2, enc_b2, codebook,
           dec_w1, dec_b1, dec_w2, dec_b2):
    n = x.shape[0]
    d = codebook.shape[1]

    xn = x.transpose(0, 2, 3, 1)
    xp = jnp.pad(xn, ((0, 0), (1, 1), (1, 1), (0, 0)))
    xph = jnp.concatenate(
        [xp[:, r::2, s::2, :] for r in range(2) for s in range(2)],
        axis=-1)
    p1 = jnp.concatenate(
        [xph[:, a:a + 112, b:b + 112, :] for a in range(2) for b in range(2)],
        axis=-1)
    h1 = _mm_bias(p1.reshape(n * 112 * 112, 48), _w1_mat(enc_w1),
                  enc_b1, True, 2048)

    h1v = h1.reshape(n, 112, 112, 64)
    h1p = jnp.pad(h1v, ((0, 0), (1, 1), (1, 1), (0, 0)))
    p2 = jnp.concatenate(
        [h1p[:, r::2, s::2, :] for r in range(2) for s in range(2)],
        axis=-1)
    p2 = jnp.pad(p2, ((0, 0), (0, 0), (0, 7), (0, 0)))
    y2 = _mm_bias(p2.reshape(n * 57 * 64, 256), _w2_mat(enc_w2),
                  jnp.zeros((256,), jnp.float32), False, 1024)
    z, idx = _conv2_vq(y2, codebook.T, enc_b2, n)

    q = _sc_gather(codebook, idx.reshape(32, (n * 3136) // 32))

    qv = q.reshape(n, 56, 56, d)
    qp = jnp.pad(qv, ((0, 0), (1, 1), (1, 1), (0, 0)))
    p4 = jnp.concatenate(
        [qp[:, a:a + 57, b:b + 57, :] for a in range(2) for b in range(2)],
        axis=-1)
    p4 = jnp.pad(p4, ((0, 0), (0, 0), (0, 7), (0, 0)))
    y4 = _mm_bias(p4.reshape(n * 57 * 64, 256), _w4_mat(dec_w1),
                  jnp.zeros((256,), jnp.float32), False, 1024)
    o4 = _t1_phases(y4, dec_b1, n)

    hdec = (o4.reshape(n, 2, 2, 56, 56, 64)
            .transpose(0, 3, 1, 4, 2, 5).reshape(n, 112, 112, 64))
    hp = jnp.pad(hdec, ((0, 0), (1, 7), (1, 15), (0, 0)))
    b16 = jnp.tile(jnp.pad(dec_b2, (0, 1)), 4)
    o5 = _conv_t2(hp, _w9_mat(dec_w2), b16, n)

    x_hat = (o5.reshape(n, 114, 128, 2, 2, 4)[:, :112, :112, :, :, :3]
             .transpose(0, 5, 1, 3, 2, 4).reshape(n, 3, 224, 224))
    latent = z.transpose(0, 3, 1, 2)
    quantized = qv.transpose(0, 3, 1, 2)
    emb_idx = idx.reshape(n, 56, 56)
    return (x_hat, quantized, latent, emb_idx)

# --- scband reference (transcript-rebuilt; emitter-appended) ---
"""Pipeline reference for scband-vqvae-31404800868435 (READ-ONLY COPY).

The authoritative reference and input builder live on the scoring server;
editing this copy changes nothing except your own understanding.
"""

import jax, jax.numpy as jnp
import numpy as np
from jax import lax

_DN = ('NCHW', 'OIHW', 'NCHW')


def _encode(x, w1, b1, w2, b2):
    h = lax.conv_general_dilated(x, w1, (2, 2), ((1, 1), (1, 1)), dimension_numbers=_DN)
    h = h + b1[None, :, None, None]
    h = jax.nn.relu(h)
    h = lax.conv_general_dilated(h, w2, (2, 2), ((1, 1), (1, 1)), dimension_numbers=_DN)
    h = h + b2[None, :, None, None]
    return h


def _quantize(latent, codebook):
    B, D, H, W = latent.shape
    z = jnp.transpose(latent, (0, 2, 3, 1)).reshape(-1, D)
    d2 = (jnp.sum(z * z, axis=1, keepdims=True)
          - 2.0 * (z @ codebook.T)
          + jnp.sum(codebook * codebook, axis=1)[None, :])
    idx = jnp.argmin(d2, axis=1)
    q = jnp.take(codebook, idx, axis=0).reshape(B, H, W, D)
    q = jnp.transpose(q, (0, 3, 1, 2))
    idx = idx.reshape(B, H, W)
    quantized_with_grad = latent + lax.stop_gradient(q - latent)
    return quantized_with_grad, q, idx


def _decode(q, w1, b1, w2, b2):
    h = lax.conv_transpose(q, w1, (2, 2), 'SAME', dimension_numbers=_DN)
    h = h + b1[None, :, None, None]
    h = jax.nn.relu(h)
    h = lax.conv_transpose(h, w2, (2, 2), 'SAME', dimension_numbers=_DN)
    h = h + b2[None, :, None, None]
    return h


def setup_inputs(seed: int = 0) -> dict:
    key = jax.random.key(seed)
    ks = jax.random.split(key, 12)
    B, C, HW = 16, 3, 224
    D, K = 64, 1024
    x = jax.random.normal(ks[0], (B, C, HW, HW), dtype=jnp.float32)
    x_cond = jax.random.normal(ks[1], (B, C, HW, HW), dtype=jnp.float32)
    y = jax.random.randint(ks[2], (B,), 0, 1000, dtype=jnp.int64)
    enc_w1 = jax.random.normal(ks[3], (D, C, 4, 4), dtype=jnp.float32) * 0.05
    enc_b1 = jnp.zeros((D,), dtype=jnp.float32)
    enc_w2 = jax.random.normal(ks[4], (D, D, 4, 4), dtype=jnp.float32) * 0.05
    enc_b2 = jnp.zeros((D,), dtype=jnp.float32)
    codebook = jax.random.normal(ks[5], (K, D), dtype=jnp.float32)
    dec_w1 = jax.random.normal(ks[6], (D, D, 4, 4), dtype=jnp.float32) * 0.05
    dec_b1 = jnp.zeros((D,), dtype=jnp.float32)
    dec_w2 = jax.random.normal(ks[7], (C, D, 4, 4), dtype=jnp.float32) * 0.05
    dec_b2 = jnp.zeros((C,), dtype=jnp.float32)
    return {'x': x, 'x_cond': x_cond, 'y': y,
            'enc_w1': enc_w1, 'enc_b1': enc_b1, 'enc_w2': enc_w2, 'enc_b2': enc_b2,
            'codebook': codebook,
            'dec_w1': dec_w1, 'dec_b1': dec_b1, 'dec_w2': dec_w2, 'dec_b2': dec_b2}


def reference(x, x_cond, y, enc_w1, enc_b1, enc_w2, enc_b2, codebook,
              dec_w1, dec_b1, dec_w2, dec_b2):
    # x_cond and y are accepted by the original forward but unused
    latent = _encode(x, enc_w1, enc_b1, enc_w2, enc_b2)
    quantized_with_grad, quantized, embedding_indices = _quantize(latent, codebook)
    x_hat = _decode(quantized_with_grad, dec_w1, dec_b1, dec_w2, dec_b2)
    return (x_hat, quantized, latent, embedding_indices)

if __name__ == "__main__":
    import jax
    _d = setup_inputs()
    print(jax.jit(kernel)(*tuple(_d.values())))

</pallas_src>

<mosaic_0001>
#map = affine_map<(d0, d1) -> (0)>
#map1 = affine_map<(d0, d1) -> (0, 0)>
module attributes {stable_mosaic.version = 14 : i64} {
  func.func @gather_kernel(%arg0: i32, %arg1: i32, %arg2: memref<65536xf32, #tpu.memory_space<hbm>>, %arg3: memref<32x1568xi32, #tpu.memory_space<hbm>>, %arg4: memref<3211264xf32, #tpu.memory_space<hbm>>, %arg5: memref<65536xf32, #tpu.memory_space<vmem>>, %arg6: memref<1568xi32, #tpu.memory_space<vmem>>, %arg7: memref<50176xf32, #tpu.memory_space<vmem>>) attributes {dimension_semantics = [#tpu.dimension_semantics<core_parallel>, #tpu.dimension_semantics<subcore_parallel>], iteration_bounds = array<i64: 2, 16>, scalar_prefetch = 0 : i64, scratch_operands = 3 : i64, tpu.core_type = #tpu.core_type<sc_vector_subcore>, window_params = [{transform_indices = #map}, {transform_indices = #map1}, {transform_indices = #map}]} {
    %mul3A = arith.constant 2 : i32
    %mul3A_0 = arith.muli %arg1, %mul3A : i32
    %add3A = arith.addi %mul3A_0, %arg0 : i32
    %mul3A_1 = arith.constant 1568 : i32
    %mul3A_2 = arith.muli %add3A, %mul3A_1 : i32
    "tpu.region"() ({
      %run_scoped3A = tpu.sem_alloc : memref<!tpu.dma_semaphore, #tpu.memory_space<semaphore_mem>>
      tpu.enqueue_dma source(%arg2 : memref<65536xf32, #tpu.memory_space<hbm>>) target(%arg5 : memref<65536xf32, #tpu.memory_space<vmem>>) target_semaphore(%run_scoped3A : memref<!tpu.dma_semaphore, #tpu.memory_space<semaphore_mem>>)
      tpu.wait_dma2 semaphore(%run_scoped3A : memref<!tpu.dma_semaphore, #tpu.memory_space<semaphore_mem>>) src(%arg2 : memref<65536xf32, #tpu.memory_space<hbm>>) dst(%arg5 : memref<65536xf32, #tpu.memory_space<vmem>>)
      tpu.yield
    }) : () -> ()
    "tpu.region"() ({
      %run_scoped3A = tpu.sem_alloc : memref<!tpu.dma_semaphore, #tpu.memory_space<semaphore_mem>>
      %dma_start3A = arith.constant 0 : i32
      %dma_start3A_22 = tpu.memref_slice %arg3[%add3A, %dma_start3A] : memref<32x1568xi32, #tpu.memory_space<hbm>> -> memref<1x1568xi32, #tpu.memory_space<hbm>>
      %dma_start3A_23 = tpu.memref_squeeze %dma_start3A_22 : memref<1x1568xi32, #tpu.memory_space<hbm>> -> memref<1568xi32, #tpu.memory_space<hbm>>
      %dma_start3A_24 = arith.constant 0 : i32
      %dma_start3A_25 = tpu.memref_slice %arg3[%add3A, %dma_start3A_24] : memref<32x1568xi32, #tpu.memory_space<hbm>> -> memref<1x1568xi32, #tpu.memory_space<hbm>>
      %dma_start3A_26 = tpu.memref_squeeze %dma_start3A_25 : memref<1x1568xi32, #tpu.memory_space<hbm>> -> memref<1568xi32, #tpu.memory_space<hbm>>
      tpu.enqueue_dma source(%dma_start3A_26 : memref<1568xi32, #tpu.memory_space<hbm>>) target(%arg6 : memref<1568xi32, #tpu.memory_space<vmem>>) target_semaphore(%run_scoped3A : memref<!tpu.dma_semaphore, #tpu.memory_space<semaphore_mem>>)
      %dma_wait3A = arith.constant 0 : i32
      %dma_wait3A_27 = tpu.memref_slice %arg3[%add3A, %dma_wait3A] : memref<32x1568xi32, #tpu.memory_space<hbm>> -> memref<1x1568xi32, #tpu.memory_space<hbm>>
      %dma_wait3A_28 = tpu.memref_squeeze %dma_wait3A_27 : memref<1x1568xi32, #tpu.memory_space<hbm>> -> memref<1568xi32, #tpu.memory_space<hbm>>
      %dma_wait3A_29 = arith.constant 0 : i32
      %dma_wait3A_30 = tpu.memref_slice %arg3[%add3A, %dma_wait3A_29] : memref<32x1568xi32, #tpu.memory_space<hbm>> -> memref<1x1568xi32, #tpu.memory_space<hbm>>
      %dma_wait3A_31 = tpu.memref_squeeze %dma_wait3A_30 : memref<1x1568xi32, #tpu.memory_space<hbm>> -> memref<1568xi32, #tpu.memory_space<hbm>>
      tpu.wait_dma2 semaphore(%run_scoped3A : memref<!tpu.dma_semaphore, #tpu.memory_space<semaphore_mem>>) src(%dma_wait3A_31 : memref<1568xi32, #tpu.memory_space<hbm>>) dst(%arg6 : memref<1568xi32, #tpu.memory_space<vmem>>)
      tpu.yield
    }) : () -> ()
    %iota3A = tpu.iota {dimensions = array<i32: 0>} : vector<16xi32>
    %scan3A = arith.constant 0 : i32
    %scan3A_3 = arith.constant 0 : i32
    %scan3A_4 = arith.constant 49 : i32
    %scan3A_5 = arith.addi %scan3A_3, %scan3A_4 : i32
    %scan3A_6 = arith.constant 1 : i32
    scf.for %scan3A_22 = %scan3A_3 to %scan3A_5 step %scan3A_6  : i32 {
      %mul3A_23 = arith.constant 16 : i32
      %mul3A_24 = arith.muli %scan3A_22, %mul3A_23 : i32
      %add3A_25 = arith.constant 0 : i32
      %add3A_26 = arith.addi %add3A_25, %mul3A_24 : i32
      %get3A = arith.index_cast %add3A_26 : i32 to index
      %get3A_27 = tpu.vector_load %arg6[%get3A] {strides = array<i32>} : memref<1568xi32, #tpu.memory_space<vmem>>, vector<16xi32>,
      %mul3A_28 = arith.constant 64 : i32
      %mul3A_29 = vector.broadcast %mul3A_28 : i32 to vector<16xi32>
      %mul3A_30 = arith.muli %get3A_27, %mul3A_29 : vector<16xi32>
      %mul3A_31 = arith.constant 16 : i32
      %mul3A_32 = arith.muli %scan3A_22, %mul3A_31 : i32
      %add3A_33 = vector.broadcast %mul3A_32 : i32 to vector<16xi32>
      %add3A_34 = arith.addi %add3A_33, %iota3A : vector<16xi32>
      %mul3A_35 = arith.constant 64 : i32
      %mul3A_36 = vector.broadcast %mul3A_35 : i32 to vector<16xi32>
      %mul3A_37 = arith.muli %add3A_34, %mul3A_36 : vector<16xi32>
      %add3A_38 = arith.constant 0 : i32
      %add3A_39 = vector.broadcast %add3A_38 : i32 to vector<16xi32>
      %add3A_40 = arith.addi %mul3A_30, %add3A_39 : vector<16xi32>
      %gather3A = tpu.vector_load_idx %arg5[%add3A_40] : memref<65536xf32, #tpu.memory_space<vmem>>[vector<16xi32>], vector<16xf32>,
      %add3A_41 = arith.constant 0 : i32
      %add3A_42 = vector.broadcast %add3A_41 : i32 to vector<16xi32>
      %add3A_43 = arith.addi %mul3A_37, %add3A_42 : vector<16xi32>
      tpu.vector_store_idx %arg7[%add3A_43], %gather3A : memref<50176xf32, #tpu.memory_space<vmem>>[vector<16xi32>], vector<16xf32>,
      %add3A_44 = arith.constant 1 : i32
      %add3A_45 = vector.broadcast %add3A_44 : i32 to vector<16xi32>
      %add3A_46 = arith.addi %mul3A_30, %add3A_45 : vector<16xi32>
      %gather3A_47 = tpu.vector_load_idx %arg5[%add3A_46] : memref<65536xf32, #tpu.memory_space<vmem>>[vector<16xi32>], vector<16xf32>,
      %add3A_48 = arith.constant 1 : i32
      %add3A_49 = vector.broadcast %add3A_48 : i32 to vector<16xi32>
      %add3A_50 = arith.addi %mul3A_37, %add3A_49 : vector<16xi32>
      tpu.vector_store_idx %arg7[%add3A_50], %gather3A_47 : memref<50176xf32, #tpu.memory_space<vmem>>[vector<16xi32>], vector<16xf32>,
      %add3A_51 = arith.constant 2 : i32
      %add3A_52 = vector.broadcast %add3A_51 : i32 to vector<16xi32>
      %add3A_53 = arith.addi %mul3A_30, %add3A_52 : vector<16xi32>
      %gather3A_54 = tpu.vector_load_idx %arg5[%add3A_53] : memref<65536xf32, #tpu.memory_space<vmem>>[vector<16xi32>], vector<16xf32>,
      %add3A_55 = arith.constant 2 : i32
      %add3A_56 = vector.broadcast %add3A_55 : i32 to vector<16xi32>
      %add3A_57 = arith.addi %mul3A_37, %add3A_56 : vector<16xi32>
      tpu.vector_store_idx %arg7[%add3A_57], %gather3A_54 : memref<50176xf32, #tpu.memory_space<vmem>>[vector<16xi32>], vector<16xf32>,
      %add3A_58 = arith.constant 3 : i32
      %add3A_59 = vector.broadcast %add3A_58 : i32 to vector<16xi32>
      %add3A_60 = arith.addi %mul3A_30, %add3A_59 : vector<16xi32>
      %gather3A_61 = tpu.vector_load_idx %arg5[%add3A_60] : memref<65536xf32, #tpu.memory_space<vmem>>[vector<16xi32>], vector<16xf32>,
      %add3A_62 = arith.constant 3 : i32
      %add3A_63 = vector.broadcast %add3A_62 : i32 to vector<16xi32>
      %add3A_64 = arith.addi %mul3A_37, %add3A_63 : vector<16xi32>
      tpu.vector_store_idx %arg7[%add3A_64], %gather3A_61 : memref<50176xf32, #tpu.memory_space<vmem>>[vector<16xi32>], vector<16xf32>,
      %add3A_65 = arith.constant 4 : i32
      %add3A_66 = vector.broadcast %add3A_65 : i32 to vector<16xi32>
      %add3A_67 = arith.addi %mul3A_30, %add3A_66 : vector<16xi32>
      %gather3A_68 = tpu.vector_load_idx %arg5[%add3A_67] : memref<65536xf32, #tpu.memory_space<vmem>>[vector<16xi32>], vector<16xf32>,
      %add3A_69 = arith.constant 4 : i32
      %add3A_70 = vector.broadcast %add3A_69 : i32 to vector<16xi32>
      %add3A_71 = arith.addi %mul3A_37, %add3A_70 : vector<16xi32>
      tpu.vector_store_idx %arg7[%add3A_71], %gather3A_68 : memref<50176xf32, #tpu.memory_space<vmem>>[vector<16xi32>], vector<16xf32>,
      %add3A_72 = arith.constant 5 : i32
      %add3A_73 = vector.broadcast %add3A_72 : i32 to vector<16xi32>
      %add3A_74 = arith.addi %mul3A_30, %add3A_73 : vector<16xi32>
      %gather3A_75 = tpu.vector_load_idx %arg5[%add3A_74] : memref<65536xf32, #tpu.memory_space<vmem>>[vector<16xi32>], vector<16xf32>,
      %add3A_76 = arith.constant 5 : i32
      %add3A_77 = vector.broadcast %add3A_76 : i32 to vector<16xi32>
      %add3A_78 = arith.addi %mul3A_37, %add3A_77 : vector<16xi32>
      tpu.vector_store_idx %arg7[%add3A_78], %gather3A_75 : memref<50176xf32, #tpu.memory_space<vmem>>[vector<16xi32>], vector<16xf32>,
      %add3A_79 = arith.constant 6 : i32
      %add3A_80 = vector.broadcast %add3A_79 : i32 to vector<16xi32>
      %add3A_81 = arith.addi %mul3A_30, %add3A_80 : vector<16xi32>
      %gather3A_82 = tpu.vector_load_idx %arg5[%add3A_81] : memref<65536xf32, #tpu.memory_space<vmem>>[vector<16xi32>], vector<16xf32>,
      %add3A_83 = arith.constant 6 : i32
      %add3A_84 = vector.broadcast %add3A_83 : i32 to vector<16xi32>
      %add3A_85 = arith.addi %mul3A_37, %add3A_84 : vector<16xi32>
      tpu.vector_store_idx %arg7[%add3A_85], %gather3A_82 : memref<50176xf32, #tpu.memory_space<vmem>>[vector<16xi32>], vector<16xf32>,
      %add3A_86 = arith.constant 7 : i32
      %add3A_87 = vector.broadcast %add3A_86 : i32 to vector<16xi32>
      %add3A_88 = arith.addi %mul3A_30, %add3A_87 : vector<16xi32>
      %gather3A_89 = tpu.vector_load_idx %arg5[%add3A_88] : memref<65536xf32, #tpu.memory_space<vmem>>[vector<16xi32>], vector<16xf32>,
      %add3A_90 = arith.constant 7 : i32
      %add3A_91 = vector.broadcast %add3A_90 : i32 to vector<16xi32>
      %add3A_92 = arith.addi %mul3A_37, %add3A_91 : vector<16xi32>
      tpu.vector_store_idx %arg7[%add3A_92], %gather3A_89 : memref<50176xf32, #tpu.memory_space<vmem>>[vector<16xi32>], vector<16xf32>,
      %add3A_93 = arith.constant 8 : i32
      %add3A_94 = vector.broadcast %add3A_93 : i32 to vector<16xi32>
      %add3A_95 = arith.addi %mul3A_30, %add3A_94 : vector<16xi32>
      %gather3A_96 = tpu.vector_load_idx %arg5[%add3A_95] : memref<65536xf32, #tpu.memory_space<vmem>>[vector<16xi32>], vector<16xf32>,
      %add3A_97 = arith.constant 8 : i32
      %add3A_98 = vector.broadcast %add3A_97 : i32 to vector<16xi32>
      %add3A_99 = arith.addi %mul3A_37, %add3A_98 : vector<16xi32>
      tpu.vector_store_idx %arg7[%add3A_99], %gather3A_96 : memref<50176xf32, #tpu.memory_space<vmem>>[vector<16xi32>], vector<16xf32>,
      %add3A_100 = arith.constant 9 : i32
      %add3A_101 = vector.broadcast %add3A_100 : i32 to vector<16xi32>
      %add3A_102 = arith.addi %mul3A_30, %add3A_101 : vector<16xi32>
      %gather3A_103 = tpu.vector_load_idx %arg5[%add3A_102] : memref<65536xf32, #tpu.memory_space<vmem>>[vector<16xi32>], vector<16xf32>,
      %add3A_104 = arith.constant 9 : i32
      %add3A_105 = vector.broadcast %add3A_104 : i32 to vector<16xi32>
      %add3A_106 = arith.addi %mul3A_37, %add3A_105 : vector<16xi32>
      tpu.vector_store_idx %arg7[%add3A_106], %gather3A_103 : memref<50176xf32, #tpu.memory_space<vmem>>[vector<16xi32>], vector<16xf32>,
      %add3A_107 = arith.constant 10 : i32
      %add3A_108 = vector.broadcast %add3A_107 : i32 to vector<16xi32>
      %add3A_109 = arith.addi %mul3A_30, %add3A_108 : vector<16xi32>
      %gather3A_110 = tpu.vector_load_idx %arg5[%add3A_109] : memref<65536xf32, #tpu.memory_space<vmem>>[vector<16xi32>], vector<16xf32>,
      %add3A_111 = arith.constant 10 : i32
      %add3A_112 = vector.broadcast %add3A_111 : i32 to vector<16xi32>
      %add3A_113 = arith.addi %mul3A_37, %add3A_112 : vector<16xi32>
      tpu.vector_store_idx %arg7[%add3A_113], %gather3A_110 : memref<50176xf32, #tpu.memory_space<vmem>>[vector<16xi32>], vector<16xf32>,
      %add3A_114 = arith.constant 11 : i32
      %add3A_115 = vector.broadcast %add3A_114 : i32 to vector<16xi32>
      %add3A_116 = arith.addi %mul3A_30, %add3A_115 : vector<16xi32>
      %gather3A_117 = tpu.vector_load_idx %arg5[%add3A_116] : memref<65536xf32, #tpu.memory_space<vmem>>[vector<16xi32>], vector<16xf32>,
      %add3A_118 = arith.constant 11 : i32
      %add3A_119 = vector.broadcast %add3A_118 : i32 to vector<16xi32>
      %add3A_120 = arith.addi %mul3A_37, %add3A_119 : vector<16xi32>
      tpu.vector_store_idx %arg7[%add3A_120], %gather3A_117 : memref<50176xf32, #tpu.memory_space<vmem>>[vector<16xi32>], vector<16xf32>,
      %add3A_121 = arith.constant 12 : i32
      %add3A_122 = vector.broadcast %add3A_121 : i32 to vector<16xi32>
      %add3A_123 = arith.addi %mul3A_30, %add3A_122 : vector<16xi32>
      %gather3A_124 = tpu.vector_load_idx %arg5[%add3A_123] : memref<65536xf32, #tpu.memory_space<vmem>>[vector<16xi32>], vector<16xf32>,
      %add3A_125 = arith.constant 12 : i32
      %add3A_126 = vector.broadcast %add3A_125 : i32 to vector<16xi32>
      %add3A_127 = arith.addi %mul3A_37, %add3A_126 : vector<16xi32>
      tpu.vector_store_idx %arg7[%add3A_127], %gather3A_124 : memref<50176xf32, #tpu.memory_space<vmem>>[vector<16xi32>], vector<16xf32>,
      %add3A_128 = arith.constant 13 : i32
      %add3A_129 = vector.broadcast %add3A_128 : i32 to vector<16xi32>
      %add3A_130 = arith.addi %mul3A_30, %add3A_129 : vector<16xi32>
      %gather3A_131 = tpu.vector_load_idx %arg5[%add3A_130] : memref<65536xf32, #tpu.memory_space<vmem>>[vector<16xi32>], vector<16xf32>,
      %add3A_132 = arith.constant 13 : i32
      %add3A_133 = vector.broadcast %add3A_132 : i32 to vector<16xi32>
      %add3A_134 = arith.addi %mul3A_37, %add3A_133 : vector<16xi32>
      tpu.vector_store_idx %arg7[%add3A_134], %gather3A_131 : memref<50176xf32, #tpu.memory_space<vmem>>[vector<16xi32>], vector<16xf32>,
      %add3A_135 = arith.constant 14 : i32
      %add3A_136 = vector.broadcast %add3A_135 : i32 to vector<16xi32>
      %add3A_137 = arith.addi %mul3A_30, %add3A_136 : vector<16xi32>
      %gather3A_138 = tpu.vector_load_idx %arg5[%add3A_137] : memref<65536xf32, #tpu.memory_space<vmem>>[vector<16xi32>], vector<16xf32>,
      %add3A_139 = arith.constant 14 : i32
      %add3A_140 = vector.broadcast %add3A_139 : i32 to vector<16xi32>
      %add3A_141 = arith.addi %mul3A_37, %add3A_140 : vector<16xi32>
      tpu.vector_store_idx %arg7[%add3A_141], %gather3A_138 : memref<50176xf32, #tpu.memory_space<vmem>>[vector<16xi32>], vector<16xf32>,
      %add3A_142 = arith.constant 15 : i32
      %add3A_143 = vector.broadcast %add3A_142 : i32 to vector<16xi32>
      %add3A_144 = arith.addi %mul3A_30, %add3A_143 : vector<16xi32>
      %gather3A_145 = tpu.vector_load_idx %arg5[%add3A_144] : memref<65536xf32, #tpu.memory_space<vmem>>[vector<16xi32>], vector<16xf32>,
      %add3A_146 = arith.constant 15 : i32
      %add3A_147 = vector.broadcast %add3A_146 : i32 to vector<16xi32>
      %add3A_148 = arith.addi %mul3A_37, %add3A_147 : vector<16xi32>
      tpu.vector_store_idx %arg7[%add3A_148], %gather3A_145 : memref<50176xf32, #tpu.memory_space<vmem>>[vector<16xi32>], vector<16xf32>,
      %add3A_149 = arith.constant 16 : i32
      %add3A_150 = vector.broadcast %add3A_149 : i32 to vector<16xi32>
      %add3A_151 = arith.addi %mul3A_30, %add3A_150 : vector<16xi32>
      %gather3A_152 = tpu.vector_load_idx %arg5[%add3A_151] : memref<65536xf32, #tpu.memory_space<vmem>>[vector<16xi32>], vector<16xf32>,
      %add3A_153 = arith.constant 16 : i32
      %add3A_154 = vector.broadcast %add3A_153 : i32 to vector<16xi32>
      %add3A_155 = arith.addi %mul3A_37, %add3A_154 : vector<16xi32>
      tpu.vector_store_idx %arg7[%add3A_155], %gather3A_152 : memref<50176xf32, #tpu.memory_space<vmem>>[vector<16xi32>], vector<16xf32>,
      %add3A_156 = arith.constant 17 : i32
      %add3A_157 = vector.broadcast %add3A_156 : i32 to vector<16xi32>
      %add3A_158 = arith.addi %mul3A_30, %add3A_157 : vector<16xi32>
      %gather3A_159 = tpu.vector_load_idx %arg5[%add3A_158] : memref<65536xf32, #tpu.memory_space<vmem>>[vector<16xi32>], vector<16xf32>,
      %add3A_160 = arith.constant 17 : i32
      %add3A_161 = vector.broadcast %add3A_160 : i32 to vector<16xi32>
      %add3A_162 = arith.addi %mul3A_37, %add3A_161 : vector<16xi32>
      tpu.vector_store_idx %arg7[%add3A_162], %gather3A_159 : memref<50176xf32, #tpu.memory_space<vmem>>[vector<16xi32>], vector<16xf32>,
      %add3A_163 = arith.constant 18 : i32
      %add3A_164 = vector.broadcast %add3A_163 : i32 to vector<16xi32>
      %add3A_165 = arith.addi %mul3A_30, %add3A_164 : vector<16xi32>
      %gather3A_166 = tpu.vector_load_idx %arg5[%add3A_165] : memref<65536xf32, #tpu.memory_space<vmem>>[vector<16xi32>], vector<16xf32>,
      %add3A_167 = arith.constant 18 : i32
      %add3A_168 = vector.broadcast %add3A_167 : i32 to vector<16xi32>
      %add3A_169 = arith.addi %mul3A_37, %add3A_168 : vector<16xi32>
      tpu.vector_store_idx %arg7[%add3A_169], %gather3A_166 : memref<50176xf32, #tpu.memory_space<vmem>>[vector<16xi32>], vector<16xf32>,
      %add3A_170 = arith.constant 19 : i32
      %add3A_171 = vector.broadcast %add3A_170 : i32 to vector<16xi32>
      %add3A_172 = arith.addi %mul3A_30, %add3A_171 : vector<16xi32>
      %gather3A_173 = tpu.vector_load_idx %arg5[%add3A_172] : memref<65536xf32, #tpu.memory_space<vmem>>[vector<16xi32>], vector<16xf32>,
      %add3A_174 = arith.constant 19 : i32
      %add3A_175 = vector.broadcast %add3A_174 : i32 to vector<16xi32>
      %add3A_176 = arith.addi %mul3A_37, %add3A_175 : vector<16xi32>
      tpu.vector_store_idx %arg7[%add3A_176], %gather3A_173 : memref<50176xf32, #tpu.memory_space<vmem>>[vector<16xi32>], vector<16xf32>,
      %add3A_177 = arith.constant 20 : i32
      %add3A_178 = vector.broadcast %add3A_177 : i32 to vector<16xi32>
      %add3A_179 = arith.addi %mul3A_30, %add3A_178 : vector<16xi32>
      %gather3A_180 = tpu.vector_load_idx %arg5[%add3A_179] : memref<65536xf32, #tpu.memory_space<vmem>>[vector<16xi32>], vector<16xf32>,
      %add3A_181 = arith.constant 20 : i32
      %add3A_182 = vector.broadcast %add3A_181 : i32 to vector<16xi32>
      %add3A_183 = arith.addi %mul3A_37, %add3A_182 : vector<16xi32>
      tpu.vector_store_idx %arg7[%add3A_183], %gather3A_180 : memref<50176xf32, #tpu.memory_space<vmem>>[vector<16xi32>], vector<16xf32>,
      %add3A_184 = arith.constant 21 : i32
      %add3A_185 = vector.broadcast %add3A_184 : i32 to vector<16xi32>
      %add3A_186 = arith.addi %mul3A_30, %add3A_185 : vector<16xi32>
      %gather3A_187 = tpu.vector_load_idx %arg5[%add3A_186] : memref<65536xf32, #tpu.memory_space<vmem>>[vector<16xi32>], vector<16xf32>,
      %add3A_188 = arith.constant 21 : i32
      %add3A_189 = vector.broadcast %add3A_188 : i32 to vector<16xi32>
      %add3A_190 = arith.addi %mul3A_37, %add3A_189 : vector<16xi32>
      tpu.vector_store_idx %arg7[%add3A_190], %gather3A_187 : memref<50176xf32, #tpu.memory_space<vmem>>[vector<16xi32>], vector<16xf32>,
      %add3A_191 = arith.constant 22 : i32
      %add3A_192 = vector.broadcast %add3A_191 : i32 to vector<16xi32>
      %add3A_193 = arith.addi %mul3A_30, %add3A_192 : vector<16xi32>
      %gather3A_194 = tpu.vector_load_idx %arg5[%add3A_193] : memref<65536xf32, #tpu.memory_space<vmem>>[vector<16xi32>], vector<16xf32>,
      %add3A_195 = arith.constant 22 : i32
      %add3A_196 = vector.broadcast %add3A_195 : i32 to vector<16xi32>
      %add3A_197 = arith.addi %mul3A_37, %add3A_196 : vector<16xi32>
      tpu.vector_store_idx %arg7[%add3A_197], %gather3A_194 : memref<50176xf32, #tpu.memory_space<vmem>>[vector<16xi32>], vector<16xf32>,
      %add3A_198 = arith.constant 23 : i32
      %add3A_199 = vector.broadcast %add3A_198 : i32 to vector<16xi32>
      %add3A_200 = arith.addi %mul3A_30, %add3A_199 : vector<16xi32>
      %gather3A_201 = tpu.vector_load_idx %arg5[%add3A_200] : memref<65536xf32, #tpu.memory_space<vmem>>[vector<16xi32>], vector<16xf32>,
      %add3A_202 = arith.constant 23 : i32
      %add3A_203 = vector.broadcast %add3A_202 : i32 to vector<16xi32>
      %add3A_204 = arith.addi %mul3A_37, %add3A_203 : vector<16xi32>
      tpu.vector_store_idx %arg7[%add3A_204], %gather3A_201 : memref<50176xf32, #tpu.memory_space<vmem>>[vector<16xi32>], vector<16xf32>,
      %add3A_205 = arith.constant 24 : i32
      %add3A_206 = vector.broadcast %add3A_205 : i32 to vector<16xi32>
      %add3A_207 = arith.addi %mul3A_30, %add3A_206 : vector<16xi32>
      %gather3A_208 = tpu.vector_load_idx %arg5[%add3A_207] : memref<65536xf32, #tpu.memory_space<vmem>>[vector<16xi32>], vector<16xf32>,
      %add3A_209 = arith.constant 24 : i32
      %add3A_210 = vector.broadcast %add3A_209 : i32 to vector<16xi32>
      %add3A_211 = arith.addi %mul3A_37, %add3A_210 : vector<16xi32>
      tpu.vector_store_idx %arg7[%add3A_211], %gather3A_208 : memref<50176xf32, #tpu.memory_space<vmem>>[vector<16xi32>], vector<16xf32>,
      %add3A_212 = arith.constant 25 : i32
      %add3A_213 = vector.broadcast %add3A_212 : i32 to vector<16xi32>
      %add3A_214 = arith.addi %mul3A_30, %add3A_213 : vector<16xi32>
      %gather3A_215 = tpu.vector_load_idx %arg5[%add3A_214] : memref<65536xf32, #tpu.memory_space<vmem>>[vector<16xi32>], vector<16xf32>,
      %add3A_216 = arith.constant 25 : i32
      %add3A_217 = vector.broadcast %add3A_216 : i32 to vector<16xi32>
      %add3A_218 = arith.addi %mul3A_37, %add3A_217 : vector<16xi32>
      tpu.vector_store_idx %arg7[%add3A_218], %gather3A_215 : memref<50176xf32, #tpu.memory_space<vmem>>[vector<16xi32>], vector<16xf32>,
      %add3A_219 = arith.constant 26 : i32
      %add3A_220 = vector.broadcast %add3A_219 : i32 to vector<16xi32>
      %add3A_221 = arith.addi %mul3A_30, %add3A_220 : vector<16xi32>
      %gather3A_222 = tpu.vector_load_idx %arg5[%add3A_221] : memref<65536xf32, #tpu.memory_space<vmem>>[vector<16xi32>], vector<16xf32>,
      %add3A_223 = arith.constant 26 : i32
      %add3A_224 = vector.broadcast %add3A_223 : i32 to vector<16xi32>
      %add3A_225 = arith.addi %mul3A_37, %add3A_224 : vector<16xi32>
      tpu.vector_store_idx %arg7[%add3A_225], %gather3A_222 : memref<50176xf32, #tpu.memory_space<vmem>>[vector<16xi32>], vector<16xf32>,
      %add3A_226 = arith.constant 27 : i32
      %add3A_227 = vector.broadcast %add3A_226 : i32 to vector<16xi32>
      %add3A_228 = arith.addi %mul3A_30, %add3A_227 : vector<16xi32>
      %gather3A_229 = tpu.vector_load_idx %arg5[%add3A_228] : memref<65536xf32, #tpu.memory_space<vmem>>[vector<16xi32>], vector<16xf32>,
      %add3A_230 = arith.constant 27 : i32
      %add3A_231 = vector.broadcast %add3A_230 : i32 to vector<16xi32>
      %add3A_232 = arith.addi %mul3A_37, %add3A_231 : vector<16xi32>
      tpu.vector_store_idx %arg7[%add3A_232], %gather3A_229 : memref<50176xf32, #tpu.memory_space<vmem>>[vector<16xi32>], vector<16xf32>,
      %add3A_233 = arith.constant 28 : i32
      %add3A_234 = vector.broadcast %add3A_233 : i32 to vector<16xi32>
      %add3A_235 = arith.addi %mul3A_30, %add3A_234 : vector<16xi32>
      %gather3A_236 = tpu.vector_load_idx %arg5[%add3A_235] : memref<65536xf32, #tpu.memory_space<vmem>>[vector<16xi32>], vector<16xf32>,
      %add3A_237 = arith.constant 28 : i32
      %add3A_238 = vector.broadcast %add3A_237 : i32 to vector<16xi32>
      %add3A_239 = arith.addi %mul3A_37, %add3A_238 : vector<16xi32>
      tpu.vector_store_idx %arg7[%add3A_239], %gather3A_236 : memref<50176xf32, #tpu.memory_space<vmem>>[vector<16xi32>], vector<16xf32>,
      %add3A_240 = arith.constant 29 : i32
      %add3A_241 = vector.broadcast %add3A_240 : i32 to vector<16xi32>
      %add3A_242 = arith.addi %mul3A_30, %add3A_241 : vector<16xi32>
      %gather3A_243 = tpu.vector_load_idx %arg5[%add3A_242] : memref<65536xf32, #tpu.memory_space<vmem>>[vector<16xi32>], vector<16xf32>,
      %add3A_244 = arith.constant 29 : i32
      %add3A_245 = vector.broadcast %add3A_244 : i32 to vector<16xi32>
      %add3A_246 = arith.addi %mul3A_37, %add3A_245 : vector<16xi32>
      tpu.vector_store_idx %arg7[%add3A_246], %gather3A_243 : memref<50176xf32, #tpu.memory_space<vmem>>[vector<16xi32>], vector<16xf32>,
      %add3A_247 = arith.constant 30 : i32
      %add3A_248 = vector.broadcast %add3A_247 : i32 to vector<16xi32>
      %add3A_249 = arith.addi %mul3A_30, %add3A_248 : vector<16xi32>
      %gather3A_250 = tpu.vector_load_idx %arg5[%add3A_249] : memref<65536xf32, #tpu.memory_space<vmem>>[vector<16xi32>], vector<16xf32>,
      %add3A_251 = arith.constant 30 : i32
      %add3A_252 = vector.broadcast %add3A_251 : i32 to vector<16xi32>
      %add3A_253 = arith.addi %mul3A_37, %add3A_252 : vector<16xi32>
      tpu.vector_store_idx %arg7[%add3A_253], %gather3A_250 : memref<50176xf32, #tpu.memory_space<vmem>>[vector<16xi32>], vector<16xf32>,
      %add3A_254 = arith.constant 31 : i32
      %add3A_255 = vector.broadcast %add3A_254 : i32 to vector<16xi32>
      %add3A_256 = arith.addi %mul3A_30, %add3A_255 : vector<16xi32>
      %gather3A_257 = tpu.vector_load_idx %arg5[%add3A_256] : memref<65536xf32, #tpu.memory_space<vmem>>[vector<16xi32>], vector<16xf32>,
      %add3A_258 = arith.constant 31 : i32
      %add3A_259 = vector.broadcast %add3A_258 : i32 to vector<16xi32>
      %add3A_260 = arith.addi %mul3A_37, %add3A_259 : vector<16xi32>
      tpu.vector_store_idx %arg7[%add3A_260], %gather3A_257 : memref<50176xf32, #tpu.memory_space<vmem>>[vector<16xi32>], vector<16xf32>,
      %add3A_261 = arith.constant 32 : i32
      %add3A_262 = vector.broadcast %add3A_261 : i32 to vector<16xi32>
      %add3A_263 = arith.addi %mul3A_30, %add3A_262 : vector<16xi32>
      %gather3A_264 = tpu.vector_load_idx %arg5[%add3A_263] : memref<65536xf32, #tpu.memory_space<vmem>>[vector<16xi32>], vector<16xf32>,
      %add3A_265 = arith.constant 32 : i32
      %add3A_266 = vector.broadcast %add3A_265 : i32 to vector<16xi32>
      %add3A_267 = arith.addi %mul3A_37, %add3A_266 : vector<16xi32>
      tpu.vector_store_idx %arg7[%add3A_267], %gather3A_264 : memref<50176xf32, #tpu.memory_space<vmem>>[vector<16xi32>], vector<16xf32>,
      %add3A_268 = arith.constant 33 : i32
      %add3A_269 = vector.broadcast %add3A_268 : i32 to vector<16xi32>
      %add3A_270 = arith.addi %mul3A_30, %add3A_269 : vector<16xi32>
      %gather3A_271 = tpu.vector_load_idx %arg5[%add3A_270] : memref<65536xf32, #tpu.memory_space<vmem>>[vector<16xi32>], vector<16xf32>,
      %add3A_272 = arith.constant 33 : i32
      %add3A_273 = vector.broadcast %add3A_272 : i32 to vector<16xi32>
      %add3A_274 = arith.addi %mul3A_37, %add3A_273 : vector<16xi32>
      tpu.vector_store_idx %arg7[%add3A_274], %gather3A_271 : memref<50176xf32, #tpu.memory_space<vmem>>[vector<16xi32>], vector<16xf32>,
      %add3A_275 = arith.constant 34 : i32
      %add3A_276 = vector.broadcast %add3A_275 : i32 to vector<16xi32>
      %add3A_277 = arith.addi %mul3A_30, %add3A_276 : vector<16xi32>
      %gather3A_278 = tpu.vector_load_idx %arg5[%add3A_277] : memref<65536xf32, #tpu.memory_space<vmem>>[vector<16xi32>], vector<16xf32>,
      %add3A_279 = arith.constant 34 : i32
      %add3A_280 = vector.broadcast %add3A_279 : i32 to vector<16xi32>
      %add3A_281 = arith.addi %mul3A_37, %add3A_280 : vector<16xi32>
      tpu.vector_store_idx %arg7[%add3A_281], %gather3A_278 : memref<50176xf32, #tpu.memory_space<vmem>>[vector<16xi32>], vector<16xf32>,
      %add3A_282 = arith.constant 35 : i32
      %add3A_283 = vector.broadcast %add3A_282 : i32 to vector<16xi32>
      %add3A_284 = arith.addi %mul3A_30, %add3A_283 : vector<16xi32>
      %gather3A_285 = tpu.vector_load_idx %arg5[%add3A_284] : memref<65536xf32, #tpu.memory_space<vmem>>[vector<16xi32>], vector<16xf32>,
      %add3A_286 = arith.constant 35 : i32
      %add3A_287 = vector.broadcast %add3A_286 : i32 to vector<16xi32>
      %add3A_288 = arith.addi %mul3A_37, %add3A_287 : vector<16xi32>
      tpu.vector_store_idx %arg7[%add3A_288], %gather3A_285 : memref<50176xf32, #tpu.memory_space<vmem>>[vector<16xi32>], vector<16xf32>,
      %add3A_289 = arith.constant 36 : i32
      %add3A_290 = vector.broadcast %add3A_289 : i32 to vector<16xi32>
      %add3A_291 = arith.addi %mul3A_30, %add3A_290 : vector<16xi32>
      %gather3A_292 = tpu.vector_load_idx %arg5[%add3A_291] : memref<65536xf32, #tpu.memory_space<vmem>>[vector<16xi32>], vector<16xf32>,
      %add3A_293 = arith.constant 36 : i32
      %add3A_294 = vector.broadcast %add3A_293 : i32 to vector<16xi32>
      %add3A_295 = arith.addi %mul3A_37, %add3A_294 : vector<16xi32>
      tpu.vector_store_idx %arg7[%add3A_295], %gather3A_292 : memref<50176xf32, #tpu.memory_space<vmem>>[vector<16xi32>], vector<16xf32>,
      %add3A_296 = arith.constant 37 : i32
      %add3A_297 = vector.broadcast %add3A_296 : i32 to vector<16xi32>
      %add3A_298 = arith.addi %mul3A_30, %add3A_297 : vector<16xi32>
      %gather3A_299 = tpu.vector_load_idx %arg5[%add3A_298] : memref<65536xf32, #tpu.memory_space<vmem>>[vector<16xi32>], vector<16xf32>,
      %add3A_300 = arith.constant 37 : i32
      %add3A_301 = vector.broadcast %add3A_300 : i32 to vector<16xi32>
      %add3A_302 = arith.addi %mul3A_37, %add3A_301 : vector<16xi32>
      tpu.vector_store_idx %arg7[%add3A_302], %gather3A_299 : memref<50176xf32, #tpu.memory_space<vmem>>[vector<16xi32>], vector<16xf32>,
      %add3A_303 = arith.constant 38 : i32
      %add3A_304 = vector.broadcast %add3A_303 : i32 to vector<16xi32>
      %add3A_305 = arith.addi %mul3A_30, %add3A_304 : vector<16xi32>
      %gather3A_306 = tpu.vector_load_idx %arg5[%add3A_305] : memref<65536xf32, #tpu.memory_space<vmem>>[vector<16xi32>], vector<16xf32>,
      %add3A_307 = arith.constant 38 : i32
      %add3A_308 = vector.broadcast %add3A_307 : i32 to vector<16xi32>
      %add3A_309 = arith.addi %mul3A_37, %add3A_308 : vector<16xi32>
      tpu.vector_store_idx %arg7[%add3A_309], %gather3A_306 : memref<50176xf32, #tpu.memory_space<vmem>>[vector<16xi32>], vector<16xf32>,
      %add3A_310 = arith.constant 39 : i32
      %add3A_311 = vector.broadcast %add3A_310 : i32 to vector<16xi32>
      %add3A_312 = arith.addi %mul3A_30, %add3A_311 : vector<16xi32>
      %gather3A_313 = tpu.vector_load_idx %arg5[%add3A_312] : memref<65536xf32, #tpu.memory_space<vmem>>[vector<16xi32>], vector<16xf32>,
      %add3A_314 = arith.constant 39 : i32
      %add3A_315 = vector.broadcast %add3A_314 : i32 to vector<16xi32>
      %add3A_316 = arith.addi %mul3A_37, %add3A_315 : vector<16xi32>
      tpu.vector_store_idx %arg7[%add3A_316], %gather3A_313 : memref<50176xf32, #tpu.memory_space<vmem>>[vector<16xi32>], vector<16xf32>,
      %add3A_317 = arith.constant 40 : i32
      %add3A_318 = vector.broadcast %add3A_317 : i32 to vector<16xi32>
      %add3A_319 = arith.addi %mul3A_30, %add3A_318 : vector<16xi32>
      %gather3A_320 = tpu.vector_load_idx %arg5[%add3A_319] : memref<65536xf32, #tpu.memory_space<vmem>>[vector<16xi32>], vector<16xf32>,
      %add3A_321 = arith.constant 40 : i32
      %add3A_322 = vector.broadcast %add3A_321 : i32 to vector<16xi32>
      %add3A_323 = arith.addi %mul3A_37, %add3A_322 : vector<16xi32>
      tpu.vector_store_idx %arg7[%add3A_323], %gather3A_320 : memref<50176xf32, #tpu.memory_space<vmem>>[vector<16xi32>], vector<16xf32>,
      %add3A_324 = arith.constant 41 : i32
      %add3A_325 = vector.broadcast %add3A_324 : i32 to vector<16xi32>
      %add3A_326 = arith.addi %mul3A_30, %add3A_325 : vector<16xi32>
      %gather3A_327 = tpu.vector_load_idx %arg5[%add3A_326] : memref<65536xf32, #tpu.memory_space<vmem>>[vector<16xi32>], vector<16xf32>,
      %add3A_328 = arith.constant 41 : i32
      %add3A_329 = vector.broadcast %add3A_328 : i32 to vector<16xi32>
      %add3A_330 = arith.addi %mul3A_37, %add3A_329 : vector<16xi32>
      tpu.vector_store_idx %arg7[%add3A_330], %gather3A_327 : memref<50176xf32, #tpu.memory_space<vmem>>[vector<16xi32>], vector<16xf32>,
      %add3A_331 = arith.constant 42 : i32
      %add3A_332 = vector.broadcast %add3A_331 : i32 to vector<16xi32>
      %add3A_333 = arith.addi %mul3A_30, %add3A_332 : vector<16xi32>
      %gather3A_334 = tpu.vector_load_idx %arg5[%add3A_333] : memref<65536xf32, #tpu.memory_space<vmem>>[vector<16xi32>], vector<16xf32>,
      %add3A_335 = arith.constant 42 : i32
      %add3A_336 = vector.broadcast %add3A_335 : i32 to vector<16xi32>
      %add3A_337 = arith.addi %mul3A_37, %add3A_336 : vector<16xi32>
      tpu.vector_store_idx %arg7[%add3A_337], %gather3A_334 : memref<50176xf32, #tpu.memory_space<vmem>>[vector<16xi32>], vector<16xf32>,
      %add3A_338 = arith.constant 43 : i32
      %add3A_339 = vector.broadcast %add3A_338 : i32 to vector<16xi32>
      %add3A_340 = arith.addi %mul3A_30, %add3A_339 : vector<16xi32>
      %gather3A_341 = tpu.vector_load_idx %arg5[%add3A_340] : memref<65536xf32, #tpu.memory_space<vmem>>[vector<16xi32>], vector<16xf32>,
      %add3A_342 = arith.constant 43 : i32
      %add3A_343 = vector.broadcast %add3A_342 : i32 to vector<16xi32>
      %add3A_344 = arith.addi %mul3A_37, %add3A_343 : vector<16xi32>
      tpu.vector_store_idx %arg7[%add3A_344], %gather3A_341 : memref<50176xf32, #tpu.memory_space<vmem>>[vector<16xi32>], vector<16xf32>,
      %add3A_345 = arith.constant 44 : i32
      %add3A_346 = vector.broadcast %add3A_345 : i32 to vector<16xi32>
      %add3A_347 = arith.addi %mul3A_30, %add3A_346 : vector<16xi32>
      %gather3A_348 = tpu.vector_load_idx %arg5[%add3A_347] : memref<65536xf32, #tpu.memory_space<vmem>>[vector<16xi32>], vector<16xf32>,
      %add3A_349 = arith.constant 44 : i32
      %add3A_350 = vector.broadcast %add3A_349 : i32 to vector<16xi32>
      %add3A_351 = arith.addi %mul3A_37, %add3A_350 : vector<16xi32>
      tpu.vector_store_idx %arg7[%add3A_351], %gather3A_348 : memref<50176xf32, #tpu.memory_space<vmem>>[vector<16xi32>], vector<16xf32>,
      %add3A_352 = arith.constant 45 : i32
      %add3A_353 = vector.broadcast %add3A_352 : i32 to vector<16xi32>
      %add3A_354 = arith.addi %mul3A_30, %add3A_353 : vector<16xi32>
      %gather3A_355 = tpu.vector_load_idx %arg5[%add3A_354] : memref<65536xf32, #tpu.memory_space<vmem>>[vector<16xi32>], vector<16xf32>,
      %add3A_356 = arith.constant 45 : i32
      %add3A_357 = vector.broadcast %add3A_356 : i32 to vector<16xi32>
      %add3A_358 = arith.addi %mul3A_37, %add3A_357 : vector<16xi32>
      tpu.vector_store_idx %arg7[%add3A_358], %gather3A_355 : memref<50176xf32, #tpu.memory_space<vmem>>[vector<16xi32>], vector<16xf32>,
      %add3A_359 = arith.constant 46 : i32
      %add3A_360 = vector.broadcast %add3A_359 : i32 to vector<16xi32>
      %add3A_361 = arith.addi %mul3A_30, %add3A_360 : vector<16xi32>
      %gather3A_362 = tpu.vector_load_idx %arg5[%add3A_361] : memref<65536xf32, #tpu.memory_space<vmem>>[vector<16xi32>], vector<16xf32>,
      %add3A_363 = arith.constant 46 : i32
      %add3A_364 = vector.broadcast %add3A_363 : i32 to vector<16xi32>
      %add3A_365 = arith.addi %mul3A_37, %add3A_364 : vector<16xi32>
      tpu.vector_store_idx %arg7[%add3A_365], %gather3A_362 : memref<50176xf32, #tpu.memory_space<vmem>>[vector<16xi32>], vector<16xf32>,
      %add3A_366 = arith.constant 47 : i32
      %add3A_367 = vector.broadcast %add3A_366 : i32 to vector<16xi32>
      %add3A_368 = arith.addi %mul3A_30, %add3A_367 : vector<16xi32>
      %gather3A_369 = tpu.vector_load_idx %arg5[%add3A_368] : memref<65536xf32, #tpu.memory_space<vmem>>[vector<16xi32>], vector<16xf32>,
      %add3A_370 = arith.constant 47 : i32
      %add3A_371 = vector.broadcast %add3A_370 : i32 to vector<16xi32>
      %add3A_372 = arith.addi %mul3A_37, %add3A_371 : vector<16xi32>
      tpu.vector_store_idx %arg7[%add3A_372], %gather3A_369 : memref<50176xf32, #tpu.memory_space<vmem>>[vector<16xi32>], vector<16xf32>,
      %add3A_373 = arith.constant 48 : i32
      %add3A_374 = vector.broadcast %add3A_373 : i32 to vector<16xi32>
      %add3A_375 = arith.addi %mul3A_30, %add3A_374 : vector<16xi32>
      %gather3A_376 = tpu.vector_load_idx %arg5[%add3A_375] : memref<65536xf32, #tpu.memory_space<vmem>>[vector<16xi32>], vector<16xf32>,
      %add3A_377 = arith.constant 48 : i32
      %add3A_378 = vector.broadcast %add3A_377 : i32 to vector<16xi32>
      %add3A_379 = arith.addi %mul3A_37, %add3A_378 : vector<16xi32>
      tpu.vector_store_idx %arg7[%add3A_379], %gather3A_376 : memref<50176xf32, #tpu.memory_space<vmem>>[vector<16xi32>], vector<16xf32>,
      %add3A_380 = arith.constant 49 : i32
      %add3A_381 = vector.broadcast %add3A_380 : i32 to vector<16xi32>
      %add3A_382 = arith.addi %mul3A_30, %add3A_381 : vector<16xi32>
      %gather3A_383 = tpu.vector_load_idx %arg5[%add3A_382] : memref<65536xf32, #tpu.memory_space<vmem>>[vector<16xi32>], vector<16xf32>,
      %add3A_384 = arith.constant 49 : i32
      %add3A_385 = vector.broadcast %add3A_384 : i32 to vector<16xi32>
      %add3A_386 = arith.addi %mul3A_37, %add3A_385 : vector<16xi32>
      tpu.vector_store_idx %arg7[%add3A_386], %gather3A_383 : memref<50176xf32, #tpu.memory_space<vmem>>[vector<16xi32>], vector<16xf32>,
      %add3A_387 = arith.constant 50 : i32
      %add3A_388 = vector.broadcast %add3A_387 : i32 to vector<16xi32>
      %add3A_389 = arith.addi %mul3A_30, %add3A_388 : vector<16xi32>
      %gather3A_390 = tpu.vector_load_idx %arg5[%add3A_389] : memref<65536xf32, #tpu.memory_space<vmem>>[vector<16xi32>], vector<16xf32>,
      %add3A_391 = arith.constant 50 : i32
      %add3A_392 = vector.broadcast %add3A_391 : i32 to vector<16xi32>
      %add3A_393 = arith.addi %mul3A_37, %add3A_392 : vector<16xi32>
      tpu.vector_store_idx %arg7[%add3A_393], %gather3A_390 : memref<50176xf32, #tpu.memory_space<vmem>>[vector<16xi32>], vector<16xf32>,
      %add3A_394 = arith.constant 51 : i32
      %add3A_395 = vector.broadcast %add3A_394 : i32 to vector<16xi32>
      %add3A_396 = arith.addi %mul3A_30, %add3A_395 : vector<16xi32>
      %gather3A_397 = tpu.vector_load_idx %arg5[%add3A_396] : memref<65536xf32, #tpu.memory_space<vmem>>[vector<16xi32>], vector<16xf32>,
      %add3A_398 = arith.constant 51 : i32
      %add3A_399 = vector.broadcast %add3A_398 : i32 to vector<16xi32>
      %add3A_400 = arith.addi %mul3A_37, %add3A_399 : vector<16xi32>
      tpu.vector_store_idx %arg7[%add3A_400], %gather3A_397 : memref<50176xf32, #tpu.memory_space<vmem>>[vector<16xi32>], vector<16xf32>,
      %add3A_401 = arith.constant 52 : i32
      %add3A_402 = vector.broadcast %add3A_401 : i32 to vector<16xi32>
      %add3A_403 = arith.addi %mul3A_30, %add3A_402 : vector<16xi32>
      %gather3A_404 = tpu.vector_load_idx %arg5[%add3A_403] : memref<65536xf32, #tpu.memory_space<vmem>>[vector<16xi32>], vector<16xf32>,
      %add3A_405 = arith.constant 52 : i32
      %add3A_406 = vector.broadcast %add3A_405 : i32 to vector<16xi32>
      %add3A_407 = arith.addi %mul3A_37, %add3A_406 : vector<16xi32>
      tpu.vector_store_idx %arg7[%add3A_407], %gather3A_404 : memref<50176xf32, #tpu.memory_space<vmem>>[vector<16xi32>], vector<16xf32>,
      %add3A_408 = arith.constant 53 : i32
      %add3A_409 = vector.broadcast %add3A_408 : i32 to vector<16xi32>
      %add3A_410 = arith.addi %mul3A_30, %add3A_409 : vector<16xi32>
      %gather3A_411 = tpu.vector_load_idx %arg5[%add3A_410] : memref<65536xf32, #tpu.memory_space<vmem>>[vector<16xi32>], vector<16xf32>,
      %add3A_412 = arith.constant 53 : i32
      %add3A_413 = vector.broadcast %add3A_412 : i32 to vector<16xi32>
      %add3A_414 = arith.addi %mul3A_37, %add3A_413 : vector<16xi32>
      tpu.vector_store_idx %arg7[%add3A_414], %gather3A_411 : memref<50176xf32, #tpu.memory_space<vmem>>[vector<16xi32>], vector<16xf32>,
      %add3A_415 = arith.constant 54 : i32
      %add3A_416 = vector.broadcast %add3A_415 : i32 to vector<16xi32>
      %add3A_417 = arith.addi %mul3A_30, %add3A_416 : vector<16xi32>
      %gather3A_418 = tpu.vector_load_idx %arg5[%add3A_417] : memref<65536xf32, #tpu.memory_space<vmem>>[vector<16xi32>], vector<16xf32>,
      %add3A_419 = arith.constant 54 : i32
      %add3A_420 = vector.broadcast %add3A_419 : i32 to vector<16xi32>
      %add3A_421 = arith.addi %mul3A_37, %add3A_420 : vector<16xi32>
      tpu.vector_store_idx %arg7[%add3A_421], %gather3A_418 : memref<50176xf32, #tpu.memory_space<vmem>>[vector<16xi32>], vector<16xf32>,
      %add3A_422 = arith.constant 55 : i32
      %add3A_423 = vector.broadcast %add3A_422 : i32 to vector<16xi32>
      %add3A_424 = arith.addi %mul3A_30, %add3A_423 : vector<16xi32>
      %gather3A_425 = tpu.vector_load_idx %arg5[%add3A_424] : memref<65536xf32, #tpu.memory_space<vmem>>[vector<16xi32>], vector<16xf32>,
      %add3A_426 = arith.constant 55 : i32
      %add3A_427 = vector.broadcast %add3A_426 : i32 to vector<16xi32>
      %add3A_428 = arith.addi %mul3A_37, %add3A_427 : vector<16xi32>
      tpu.vector_store_idx %arg7[%add3A_428], %gather3A_425 : memref<50176xf32, #tpu.memory_space<vmem>>[vector<16xi32>], vector<16xf32>,
      %add3A_429 = arith.constant 56 : i32
      %add3A_430 = vector.broadcast %add3A_429 : i32 to vector<16xi32>
      %add3A_431 = arith.addi %mul3A_30, %add3A_430 : vector<16xi32>
      %gather3A_432 = tpu.vector_load_idx %arg5[%add3A_431] : memref<65536xf32, #tpu.memory_space<vmem>>[vector<16xi32>], vector<16xf32>,
      %add3A_433 = arith.constant 56 : i32
      %add3A_434 = vector.broadcast %add3A_433 : i32 to vector<16xi32>
      %add3A_435 = arith.addi %mul3A_37, %add3A_434 : vector<16xi32>
      tpu.vector_store_idx %arg7[%add3A_435], %gather3A_432 : memref<50176xf32, #tpu.memory_space<vmem>>[vector<16xi32>], vector<16xf32>,
      %add3A_436 = arith.constant 57 : i32
      %add3A_437 = vector.broadcast %add3A_436 : i32 to vector<16xi32>
      %add3A_438 = arith.addi %mul3A_30, %add3A_437 : vector<16xi32>
      %gather3A_439 = tpu.vector_load_idx %arg5[%add3A_438] : memref<65536xf32, #tpu.memory_space<vmem>>[vector<16xi32>], vector<16xf32>,
      %add3A_440 = arith.constant 57 : i32
      %add3A_441 = vector.broadcast %add3A_440 : i32 to vector<16xi32>
      %add3A_442 = arith.addi %mul3A_37, %add3A_441 : vector<16xi32>
      tpu.vector_store_idx %arg7[%add3A_442], %gather3A_439 : memref<50176xf32, #tpu.memory_space<vmem>>[vector<16xi32>], vector<16xf32>,
      %add3A_443 = arith.constant 58 : i32
      %add3A_444 = vector.broadcast %add3A_443 : i32 to vector<16xi32>
      %add3A_445 = arith.addi %mul3A_30, %add3A_444 : vector<16xi32>
      %gather3A_446 = tpu.vector_load_idx %arg5[%add3A_445] : memref<65536xf32, #tpu.memory_space<vmem>>[vector<16xi32>], vector<16xf32>,
      %add3A_447 = arith.constant 58 : i32
      %add3A_448 = vector.broadcast %add3A_447 : i32 to vector<16xi32>
      %add3A_449 = arith.addi %mul3A_37, %add3A_448 : vector<16xi32>
      tpu.vector_store_idx %arg7[%add3A_449], %gather3A_446 : memref<50176xf32, #tpu.memory_space<vmem>>[vector<16xi32>], vector<16xf32>,
      %add3A_450 = arith.constant 59 : i32
      %add3A_451 = vector.broadcast %add3A_450 : i32 to vector<16xi32>
      %add3A_452 = arith.addi %mul3A_30, %add3A_451 : vector<16xi32>
      %gather3A_453 = tpu.vector_load_idx %arg5[%add3A_452] : memref<65536xf32, #tpu.memory_space<vmem>>[vector<16xi32>], vector<16xf32>,
      %add3A_454 = arith.constant 59 : i32
      %add3A_455 = vector.broadcast %add3A_454 : i32 to vector<16xi32>
      %add3A_456 = arith.addi %mul3A_37, %add3A_455 : vector<16xi32>
      tpu.vector_store_idx %arg7[%add3A_456], %gather3A_453 : memref<50176xf32, #tpu.memory_space<vmem>>[vector<16xi32>], vector<16xf32>,
      %add3A_457 = arith.constant 60 : i32
      %add3A_458 = vector.broadcast %add3A_457 : i32 to vector<16xi32>
      %add3A_459 = arith.addi %mul3A_30, %add3A_458 : vector<16xi32>
      %gather3A_460 = tpu.vector_load_idx %arg5[%add3A_459] : memref<65536xf32, #tpu.memory_space<vmem>>[vector<16xi32>], vector<16xf32>,
      %add3A_461 = arith.constant 60 : i32
      %add3A_462 = vector.broadcast %add3A_461 : i32 to vector<16xi32>
      %add3A_463 = arith.addi %mul3A_37, %add3A_462 : vector<16xi32>
      tpu.vector_store_idx %arg7[%add3A_463], %gather3A_460 : memref<50176xf32, #tpu.memory_space<vmem>>[vector<16xi32>], vector<16xf32>,
      %add3A_464 = arith.constant 61 : i32
      %add3A_465 = vector.broadcast %add3A_464 : i32 to vector<16xi32>
      %add3A_466 = arith.addi %mul3A_30, %add3A_465 : vector<16xi32>
      %gather3A_467 = tpu.vector_load_idx %arg5[%add3A_466] : memref<65536xf32, #tpu.memory_space<vmem>>[vector<16xi32>], vector<16xf32>,
      %add3A_468 = arith.constant 61 : i32
      %add3A_469 = vector.broadcast %add3A_468 : i32 to vector<16xi32>
      %add3A_470 = arith.addi %mul3A_37, %add3A_469 : vector<16xi32>
      tpu.vector_store_idx %arg7[%add3A_470], %gather3A_467 : memref<50176xf32, #tpu.memory_space<vmem>>[vector<16xi32>], vector<16xf32>,
      %add3A_471 = arith.constant 62 : i32
      %add3A_472 = vector.broadcast %add3A_471 : i32 to vector<16xi32>
      %add3A_473 = arith.addi %mul3A_30, %add3A_472 : vector<16xi32>
      %gather3A_474 = tpu.vector_load_idx %arg5[%add3A_473] : memref<65536xf32, #tpu.memory_space<vmem>>[vector<16xi32>], vector<16xf32>,
      %add3A_475 = arith.constant 62 : i32
      %add3A_476 = vector.broadcast %add3A_475 : i32 to vector<16xi32>
      %add3A_477 = arith.addi %mul3A_37, %add3A_476 : vector<16xi32>
      tpu.vector_store_idx %arg7[%add3A_477], %gather3A_474 : memref<50176xf32, #tpu.memory_space<vmem>>[vector<16xi32>], vector<16xf32>,
      %add3A_478 = arith.constant 63 : i32
      %add3A_479 = vector.broadcast %add3A_478 : i32 to vector<16xi32>
      %add3A_480 = arith.addi %mul3A_30, %add3A_479 : vector<16xi32>
      %gather3A_481 = tpu.vector_load_idx %arg5[%add3A_480] : memref<65536xf32, #tpu.memory_space<vmem>>[vector<16xi32>], vector<16xf32>,
      %add3A_482 = arith.constant 63 : i32
      %add3A_483 = vector.broadcast %add3A_482 : i32 to vector<16xi32>
      %add3A_484 = arith.addi %mul3A_37, %add3A_483 : vector<16xi32>
      tpu.vector_store_idx %arg7[%add3A_484], %gather3A_481 : memref<50176xf32, #tpu.memory_space<vmem>>[vector<16xi32>], vector<16xf32>,
    }
    %scan3A_7 = arith.constant 49 : i32
    %add3A_8 = arith.constant 0 : i32
    %add3A_9 = arith.addi %mul3A_2, %add3A_8 : i32
    %mul3A_10 = arith.constant 64 : i32
    %mul3A_11 = arith.muli %add3A_9, %mul3A_10 : i32
    "tpu.region"() ({
      %run_scoped3A = tpu.sem_alloc : memref<!tpu.dma_semaphore, #tpu.memory_space<semaphore_mem>>
      %dma_start3A = tpu.memref_slice %arg4[%mul3A_11] : memref<3211264xf32, #tpu.memory_space<hbm>> -> memref<50176xf32, #tpu.memory_space<hbm>>
      %dma_start3A_22 = tpu.memref_slice %arg4[%mul3A_11] : memref<3211264xf32, #tpu.memory_space<hbm>> -> memref<50176xf32, #tpu.memory_space<hbm>>
      tpu.enqueue_dma source(%arg7 : memref<50176xf32, #tpu.memory_space<vmem>>) target(%dma_start3A_22 : memref<50176xf32, #tpu.memory_space<hbm>>) target_semaphore(%run_scoped3A : memref<!tpu.dma_semaphore, #tpu.memory_space<semaphore_mem>>)
      %dma_wait3A = tpu.memref_slice %arg4[%mul3A_11] : memref<3211264xf32, #tpu.memory_space<hbm>> -> memref<50176xf32, #tpu.memory_space<hbm>>
      %dma_wait3A_23 = tpu.memref_slice %arg4[%mul3A_11] : memref<3211264xf32, #tpu.memory_space<hbm>> -> memref<50176xf32, #tpu.memory_space<hbm>>
      tpu.wait_dma2 semaphore(%run_scoped3A : memref<!tpu.dma_semaphore, #tpu.memory_space<semaphore_mem>>) src(%arg7 : memref<50176xf32, #tpu.memory_space<vmem>>) dst(%dma_wait3A_23 : memref<50176xf32, #tpu.memory_space<hbm>>)
      tpu.yield
    }) : () -> ()
    %scan3A_12 = arith.constant 0 : i32
    %scan3A_13 = arith.constant 0 : i32
    %scan3A_14 = arith.constant 49 : i32
    %scan3A_15 = arith.addi %scan3A_13, %scan3A_14 : i32
    %scan3A_16 = arith.constant 1 : i32
    scf.for %scan3A_22 = %scan3A_13 to %scan3A_15 step %scan3A_16  : i32 {
      %mul3A_23 = arith.constant 16 : i32
      %mul3A_24 = arith.muli %scan3A_22, %mul3A_23 : i32
      %add3A_25 = arith.constant 784 : i32
      %add3A_26 = arith.addi %add3A_25, %mul3A_24 : i32
      %get3A = arith.index_cast %add3A_26 : i32 to index
      %get3A_27 = tpu.vector_load %arg6[%get3A] {strides = array<i32>} : memref<1568xi32, #tpu.memory_space<vmem>>, vector<16xi32>,
      %mul3A_28 = arith.constant 64 : i32
      %mul3A_29 = vector.broadcast %mul3A_28 : i32 to vector<16xi32>
      %mul3A_30 = arith.muli %get3A_27, %mul3A_29 : vector<16xi32>
      %mul3A_31 = arith.constant 16 : i32
      %mul3A_32 = arith.muli %scan3A_22, %mul3A_31 : i32
      %add3A_33 = vector.broadcast %mul3A_32 : i32 to vector<16xi32>
      %add3A_34 = arith.addi %add3A_33, %iota3A : vector<16xi32>
      %mul3A_35 = arith.constant 64 : i32
      %mul3A_36 = vector.broadcast %mul3A_35 : i32 to vector<16xi32>
      %mul3A_37 = arith.muli %add3A_34, %mul3A_36 : vector<16xi32>
      %add3A_38 = arith.constant 0 : i32
      %add3A_39 = vector.broadcast %add3A_38 : i32 to vector<16xi32>
      %add3A_40 = arith.addi %mul3A_30, %add3A_39 : vector<16xi32>
      %gather3A = tpu.vector_load_idx %arg5[%add3A_40] : memref<65536xf32, #tpu.memory_space<vmem>>[vector<16xi32>], vector<16xf32>,
      %add3A_41 = arith.constant 0 : i32
      %add3A_42 = vector.broadcast %add3A_41 : i32 to vector<16xi32>
      %add3A_43 = arith.addi %mul3A_37, %add3A_42 : vector<16xi32>
      tpu.vector_store_idx %arg7[%add3A_43], %gather3A : memref<50176xf32, #tpu.memory_space<vmem>>[vector<16xi32>], vector<16xf32>,
      %add3A_44 = arith.constant 1 : i32
      %add3A_45 = vector.broadcast %add3A_44 : i32 to vector<16xi32>
      %add3A_46 = arith.addi %mul3A_30, %add3A_45 : vector<16xi32>
      %gather3A_47 = tpu.vector_load_idx %arg5[%add3A_46] : memref<65536xf32, #tpu.memory_space<vmem>>[vector<16xi32>], vector<16xf32>,
      %add3A_48 = arith.constant 1 : i32
      %add3A_49 = vector.broadcast %add3A_48 : i32 to vector<16xi32>
      %add3A_50 = arith.addi %mul3A_37, %add3A_49 : vector<16xi32>
      tpu.vector_store_idx %arg7[%add3A_50], %gather3A_47 : memref<50176xf32, #tpu.memory_space<vmem>>[vector<16xi32>], vector<16xf32>,
      %add3A_51 = arith.constant 2 : i32
      %add3A_52 = vector.broadcast %add3A_51 : i32 to vector<16xi32>
      %add3A_53 = arith.addi %mul3A_30, %add3A_52 : vector<16xi32>
      %gather3A_54 = tpu.vector_load_idx %arg5[%add3A_53] : memref<65536xf32, #tpu.memory_space<vmem>>[vector<16xi32>], vector<16xf32>,
      %add3A_55 = arith.constant 2 : i32
      %add3A_56 = vector.broadcast %add3A_55 : i32 to vector<16xi32>
      %add3A_57 = arith.addi %mul3A_37, %add3A_56 : vector<16xi32>
      tpu.vector_store_idx %arg7[%add3A_57], %gather3A_54 : memref<50176xf32, #tpu.memory_space<vmem>>[vector<16xi32>], vector<16xf32>,
      %add3A_58 = arith.constant 3 : i32
      %add3A_59 = vector.broadcast %add3A_58 : i32 to vector<16xi32>
      %add3A_60 = arith.addi %mul3A_30, %add3A_59 : vector<16xi32>
      %gather3A_61 = tpu.vector_load_idx %arg5[%add3A_60] : memref<65536xf32, #tpu.memory_space<vmem>>[vector<16xi32>], vector<16xf32>,
      %add3A_62 = arith.constant 3 : i32
      %add3A_63 = vector.broadcast %add3A_62 : i32 to vector<16xi32>
      %add3A_64 = arith.addi %mul3A_37, %add3A_63 : vector<16xi32>
      tpu.vector_store_idx %arg7[%add3A_64], %gather3A_61 : memref<50176xf32, #tpu.memory_space<vmem>>[vector<16xi32>], vector<16xf32>,
      %add3A_65 = arith.constant 4 : i32
      %add3A_66 = vector.broadcast %add3A_65 : i32 to vector<16xi32>
      %add3A_67 = arith.addi %mul3A_30, %add3A_66 : vector<16xi32>
      %gather3A_68 = tpu.vector_load_idx %arg5[%add3A_67] : memref<65536xf32, #tpu.memory_space<vmem>>[vector<16xi32>], vector<16xf32>,
      %add3A_69 = arith.constant 4 : i32
      %add3A_70 = vector.broadcast %add3A_69 : i32 to vector<16xi32>
      %add3A_71 = arith.addi %mul3A_37, %add3A_70 : vector<16xi32>
      tpu.vector_store_idx %arg7[%add3A_71], %gather3A_68 : memref<50176xf32, #tpu.memory_space<vmem>>[vector<16xi32>], vector<16xf32>,
      %add3A_72 = arith.constant 5 : i32
      %add3A_73 = vector.broadcast %add3A_72 : i32 to vector<16xi32>
      %add3A_74 = arith.addi %mul3A_30, %add3A_73 : vector<16xi32>
      %gather3A_75 = tpu.vector_load_idx %arg5[%add3A_74] : memref<65536xf32, #tpu.memory_space<vmem>>[vector<16xi32>], vector<16xf32>,
      %add3A_76 = arith.constant 5 : i32
      %add3A_77 = vector.broadcast %add3A_76 : i32 to vector<16xi32>
      %add3A_78 = arith.addi %mul3A_37, %add3A_77 : vector<16xi32>
      tpu.vector_store_idx %arg7[%add3A_78], %gather3A_75 : memref<50176xf32, #tpu.memory_space<vmem>>[vector<16xi32>], vector<16xf32>,
      %add3A_79 = arith.constant 6 : i32
      %add3A_80 = vector.broadcast %add3A_79 : i32 to vector<16xi32>
      %add3A_81 = arith.addi %mul3A_30, %add3A_80 : vector<16xi32>
      %gather3A_82 = tpu.vector_load_idx %arg5[%add3A_81] : memref<65536xf32, #tpu.memory_space<vmem>>[vector<16xi32>], vector<16xf32>,
      %add3A_83 = arith.constant 6 : i32
      %add3A_84 = vector.broadcast %add3A_83 : i32 to vector<16xi32>
      %add3A_85 = arith.addi %mul3A_37, %add3A_84 : vector<16xi32>
      tpu.vector_store_idx %arg7[%add3A_85], %gather3A_82 : memref<50176xf32, #tpu.memory_space<vmem>>[vector<16xi32>], vector<16xf32>,
      %add3A_86 = arith.constant 7 : i32
      %add3A_87 = vector.broadcast %add3A_86 : i32 to vector<16xi32>
      %add3A_88 = arith.addi %mul3A_30, %add3A_87 : vector<16xi32>
      %gather3A_89 = tpu.vector_load_idx %arg5[%add3A_88] : memref<65536xf32, #tpu.memory_space<vmem>>[vector<16xi32>], vector<16xf32>,
      %add3A_90 = arith.constant 7 : i32
      %add3A_91 = vector.broadcast %add3A_90 : i32 to vector<16xi32>
      %add3A_92 = arith.addi %mul3A_37, %add3A_91 : vector<16xi32>
      tpu.vector_store_idx %arg7[%add3A_92], %gather3A_89 : memref<50176xf32, #tpu.memory_space<vmem>>[vector<16xi32>], vector<16xf32>,
      %add3A_93 = arith.constant 8 : i32
      %add3A_94 = vector.broadcast %add3A_93 : i32 to vector<16xi32>
      %add3A_95 = arith.addi %mul3A_30, %add3A_94 : vector<16xi32>
      %gather3A_96 = tpu.vector_load_idx %arg5[%add3A_95] : memref<65536xf32, #tpu.memory_space<vmem>>[vector<16xi32>], vector<16xf32>,
      %add3A_97 = arith.constant 8 : i32
      %add3A_98 = vector.broadcast %add3A_97 : i32 to vector<16xi32>
      %add3A_99 = arith.addi %mul3A_37, %add3A_98 : vector<16xi32>
      tpu.vector_store_idx %arg7[%add3A_99], %gather3A_96 : memref<50176xf32, #tpu.memory_space<vmem>>[vector<16xi32>], vector<16xf32>,
      %add3A_100 = arith.constant 9 : i32
      %add3A_101 = vector.broadcast %add3A_100 : i32 to vector<16xi32>
      %add3A_102 = arith.addi %mul3A_30, %add3A_101 : vector<16xi32>
      %gather3A_103 = tpu.vector_load_idx %arg5[%add3A_102] : memref<65536xf32, #tpu.memory_space<vmem>>[vector<16xi32>], vector<16xf32>,
      %add3A_104 = arith.constant 9 : i32
      %add3A_105 = vector.broadcast %add3A_104 : i32 to vector<16xi32>
      %add3A_106 = arith.addi %mul3A_37, %add3A_105 : vector<16xi32>
      tpu.vector_store_idx %arg7[%add3A_106], %gather3A_103 : memref<50176xf32, #tpu.memory_space<vmem>>[vector<16xi32>], vector<16xf32>,
      %add3A_107 = arith.constant 10 : i32
      %add3A_108 = vector.broadcast %add3A_107 : i32 to vector<16xi32>
      %add3A_109 = arith.addi %mul3A_30, %add3A_108 : vector<16xi32>
      %gather3A_110 = tpu.vector_load_idx %arg5[%add3A_109] : memref<65536xf32, #tpu.memory_space<vmem>>[vector<16xi32>], vector<16xf32>,
      %add3A_111 = arith.constant 10 : i32
      %add3A_112 = vector.broadcast %add3A_111 : i32 to vector<16xi32>
      %add3A_113 = arith.addi %mul3A_37, %add3A_112 : vector<16xi32>
      tpu.vector_store_idx %arg7[%add3A_113], %gather3A_110 : memref<50176xf32, #tpu.memory_space<vmem>>[vector<16xi32>], vector<16xf32>,
      %add3A_114 = arith.constant 11 : i32
      %add3A_115 = vector.broadcast %add3A_114 : i32 to vector<16xi32>
      %add3A_116 = arith.addi %mul3A_30, %add3A_115 : vector<16xi32>
      %gather3A_117 = tpu.vector_load_idx %arg5[%add3A_116] : memref<65536xf32, #tpu.memory_space<vmem>>[vector<16xi32>], vector<16xf32>,
      %add3A_118 = arith.constant 11 : i32
      %add3A_119 = vector.broadcast %add3A_118 : i32 to vector<16xi32>
      %add3A_120 = arith.addi %mul3A_37, %add3A_119 : vector<16xi32>
      tpu.vector_store_idx %arg7[%add3A_120], %gather3A_117 : memref<50176xf32, #tpu.memory_space<vmem>>[vector<16xi32>], vector<16xf32>,
      %add3A_121 = arith.constant 12 : i32
      %add3A_122 = vector.broadcast %add3A_121 : i32 to vector<16xi32>
      %add3A_123 = arith.addi %mul3A_30, %add3A_122 : vector<16xi32>
      %gather3A_124 = tpu.vector_load_idx %arg5[%add3A_123] : memref<65536xf32, #tpu.memory_space<vmem>>[vector<16xi32>], vector<16xf32>,
      %add3A_125 = arith.constant 12 : i32
      %add3A_126 = vector.broadcast %add3A_125 : i32 to vector<16xi32>
      %add3A_127 = arith.addi %mul3A_37, %add3A_126 : vector<16xi32>
      tpu.vector_store_idx %arg7[%add3A_127], %gather3A_124 : memref<50176xf32, #tpu.memory_space<vmem>>[vector<16xi32>], vector<16xf32>,
      %add3A_128 = arith.constant 13 : i32
      %add3A_129 = vector.broadcast %add3A_128 : i32 to vector<16xi32>
      %add3A_130 = arith.addi %mul3A_30, %add3A_129 : vector<16xi32>
      %gather3A_131 = tpu.vector_load_idx %arg5[%add3A_130] : memref<65536xf32, #tpu.memory_space<vmem>>[vector<16xi32>], vector<16xf32>,
      %add3A_132 = arith.constant 13 : i32
      %add3A_133 = vector.broadcast %add3A_132 : i32 to vector<16xi32>
      %add3A_134 = arith.addi %mul3A_37, %add3A_133 : vector<16xi32>
      tpu.vector_store_idx %arg7[%add3A_134], %gather3A_131 : memref<50176xf32, #tpu.memory_space<vmem>>[vector<16xi32>], vector<16xf32>,
      %add3A_135 = arith.constant 14 : i32
      %add3A_136 = vector.broadcast %add3A_135 : i32 to vector<16xi32>
      %add3A_137 = arith.addi %mul3A_30, %add3A_136 : vector<16xi32>
      %gather3A_138 = tpu.vector_load_idx %arg5[%add3A_137] : memref<65536xf32, #tpu.memory_space<vmem>>[vector<16xi32>], vector<16xf32>,
      %add3A_139 = arith.constant 14 : i32
      %add3A_140 = vector.broadcast %add3A_139 : i32 to vector<16xi32>
      %add3A_141 = arith.addi %mul3A_37, %add3A_140 : vector<16xi32>
      tpu.vector_store_idx %arg7[%add3A_141], %gather3A_138 : memref<50176xf32, #tpu.memory_space<vmem>>[vector<16xi32>], vector<16xf32>,
      %add3A_142 = arith.constant 15 : i32
      %add3A_143 = vector.broadcast %add3A_142 : i32 to vector<16xi32>
      %add3A_144 = arith.addi %mul3A_30, %add3A_143 : vector<16xi32>
      %gather3A_145 = tpu.vector_load_idx %arg5[%add3A_144] : memref<65536xf32, #tpu.memory_space<vmem>>[vector<16xi32>], vector<16xf32>,
      %add3A_146 = arith.constant 15 : i32
      %add3A_147 = vector.broadcast %add3A_146 : i32 to vector<16xi32>
      %add3A_148 = arith.addi %mul3A_37, %add3A_147 : vector<16xi32>
      tpu.vector_store_idx %arg7[%add3A_148], %gather3A_145 : memref<50176xf32, #tpu.memory_space<vmem>>[vector<16xi32>], vector<16xf32>,
      %add3A_149 = arith.constant 16 : i32
      %add3A_150 = vector.broadcast %add3A_149 : i32 to vector<16xi32>
      %add3A_151 = arith.addi %mul3A_30, %add3A_150 : vector<16xi32>
      %gather3A_152 = tpu.vector_load_idx %arg5[%add3A_151] : memref<65536xf32, #tpu.memory_space<vmem>>[vector<16xi32>], vector<16xf32>,
      %add3A_153 = arith.constant 16 : i32
      %add3A_154 = vector.broadcast %add3A_153 : i32 to vector<16xi32>
      %add3A_155 = arith.addi %mul3A_37, %add3A_154 : vector<16xi32>
      tpu.vector_store_idx %arg7[%add3A_155], %gather3A_152 : memref<50176xf32, #tpu.memory_space<vmem>>[vector<16xi32>], vector<16xf32>,
      %add3A_156 = arith.constant 17 : i32
      %add3A_157 = vector.broadcast %add3A_156 : i32 to vector<16xi32>
      %add3A_158 = arith.addi %mul3A_30, %add3A_157 : vector<16xi32>
      %gather3A_159 = tpu.vector_load_idx %arg5[%add3A_158] : memref<65536xf32, #tpu.memory_space<vmem>>[vector<16xi32>], vector<16xf32>,
      %add3A_160 = arith.constant 17 : i32
      %add3A_161 = vector.broadcast %add3A_160 : i32 to vector<16xi32>
      %add3A_162 = arith.addi %mul3A_37, %add3A_161 : vector<16xi32>
      tpu.vector_store_idx %arg7[%add3A_162], %gather3A_159 : memref<50176xf32, #tpu.memory_space<vmem>>[vector<16xi32>], vector<16xf32>,
      %add3A_163 = arith.constant 18 : i32
      %add3A_164 = vector.broadcast %add3A_163 : i32 to vector<16xi32>
      %add3A_165 = arith.addi %mul3A_30, %add3A_164 : vector<16xi32>
      %gather3A_166 = tpu.vector_load_idx %arg5[%add3A_165] : memref<65536xf32, #tpu.memory_space<vmem>>[vector<16xi32>], vector<16xf32>,
      %add3A_167 = arith.constant 18 : i32
      %add3A_168 = vector.broadcast %add3A_167 : i32 to vector<16xi32>
      %add3A_169 = arith.addi %mul3A_37, %add3A_168 : vector<16xi32>
      tpu.vector_store_idx %arg7[%add3A_169], %gather3A_166 : memref<50176xf32, #tpu.memory_space<vmem>>[vector<16xi32>], vector<16xf32>,
      %add3A_170 = arith.constant 19 : i32
      %add3A_171 = vector.broadcast %add3A_170 : i32 to vector<16xi32>
      %add3A_172 = arith.addi %mul3A_30, %add3A_171 : vector<16xi32>
      %gather3A_173 = tpu.vector_load_idx %arg5[%add3A_172] : memref<65536xf32, #tpu.memory_space<vmem>>[vector<16xi32>], vector<16xf32>,
      %add3A_174 = arith.constant 19 : i32
      %add3A_175 = vector.broadcast %add3A_174 : i32 to vector<16xi32>
      %add3A_176 = arith.addi %mul3A_37, %add3A_175 : vector<16xi32>
      tpu.vector_store_idx %arg7[%add3A_176], %gather3A_173 : memref<50176xf32, #tpu.memory_space<vmem>>[vector<16xi32>], vector<16xf32>,
      %add3A_177 = arith.constant 20 : i32
      %add3A_178 = vector.broadcast %add3A_177 : i32 to vector<16xi32>
      %add3A_179 = arith.addi %mul3A_30, %add3A_178 : vector<16xi32>
      %gather3A_180 = tpu.vector_load_idx %arg5[%add3A_179] : memref<65536xf32, #tpu.memory_space<vmem>>[vector<16xi32>], vector<16xf32>,
      %add3A_181 = arith.constant 20 : i32
      %add3A_182 = vector.broadcast %add3A_181 : i32 to vector<16xi32>
      %add3A_183 = arith.addi %mul3A_37, %add3A_182 : vector<16xi32>
      tpu.vector_store_idx %arg7[%add3A_183], %gather3A_180 : memref<50176xf32, #tpu.memory_space<vmem>>[vector<16xi32>], vector<16xf32>,
      %add3A_184 = arith.constant 21 : i32
      %add3A_185 = vector.broadcast %add3A_184 : i32 to vector<16xi32>
      %add3A_186 = arith.addi %mul3A_30, %add3A_185 : vector<16xi32>
      %gather3A_187 = tpu.vector_load_idx %arg5[%add3A_186] : memref<65536xf32, #tpu.memory_space<vmem>>[vector<16xi32>], vector<16xf32>,
      %add3A_188 = arith.constant 21 : i32
      %add3A_189 = vector.broadcast %add3A_188 : i32 to vector<16xi32>
      %add3A_190 = arith.addi %mul3A_37, %add3A_189 : vector<16xi32>
      tpu.vector_store_idx %arg7[%add3A_190], %gather3A_187 : memref<50176xf32, #tpu.memory_space<vmem>>[vector<16xi32>], vector<16xf32>,
      %add3A_191 = arith.constant 22 : i32
      %add3A_192 = vector.broadcast %add3A_191 : i32 to vector<16xi32>
      %add3A_193 = arith.addi %mul3A_30, %add3A_192 : vector<16xi32>
      %gather3A_194 = tpu.vector_load_idx %arg5[%add3A_193] : memref<65536xf32, #tpu.memory_space<vmem>>[vector<16xi32>], vector<16xf32>,
      %add3A_195 = arith.constant 22 : i32
      %add3A_196 = vector.broadcast %add3A_195 : i32 to vector<16xi32>
      %add3A_197 = arith.addi %mul3A_37, %add3A_196 : vector<16xi32>
      tpu.vector_store_idx %arg7[%add3A_197], %gather3A_194 : memref<50176xf32, #tpu.memory_space<vmem>>[vector<16xi32>], vector<16xf32>,
      %add3A_198 = arith.constant 23 : i32
      %add3A_199 = vector.broadcast %add3A_198 : i32 to vector<16xi32>
      %add3A_200 = arith.addi %mul3A_30, %add3A_199 : vector<16xi32>
      %gather3A_201 = tpu.vector_load_idx %arg5[%add3A_200] : memref<65536xf32, #tpu.memory_space<vmem>>[vector<16xi32>], vector<16xf32>,
      %add3A_202 = arith.constant 23 : i32
      %add3A_203 = vector.broadcast %add3A_202 : i32 to vector<16xi32>
      %add3A_204 = arith.addi %mul3A_37, %add3A_203 : vector<16xi32>
      tpu.vector_store_idx %arg7[%add3A_204], %gather3A_201 : memref<50176xf32, #tpu.memory_space<vmem>>[vector<16xi32>], vector<16xf32>,
      %add3A_205 = arith.constant 24 : i32
      %add3A_206 = vector.broadcast %add3A_205 : i32 to vector<16xi32>
      %add3A_207 = arith.addi %mul3A_30, %add3A_206 : vector<16xi32>
      %gather3A_208 = tpu.vector_load_idx %arg5[%add3A_207] : memref<65536xf32, #tpu.memory_space<vmem>>[vector<16xi32>], vector<16xf32>,
      %add3A_209 = arith.constant 24 : i32
      %add3A_210 = vector.broadcast %add3A_209 : i32 to vector<16xi32>
      %add3A_211 = arith.addi %mul3A_37, %add3A_210 : vector<16xi32>
      tpu.vector_store_idx %arg7[%add3A_211], %gather3A_208 : memref<50176xf32, #tpu.memory_space<vmem>>[vector<16xi32>], vector<16xf32>,
      %add3A_212 = arith.constant 25 : i32
      %add3A_213 = vector.broadcast %add3A_212 : i32 to vector<16xi32>
      %add3A_214 = arith.addi %mul3A_30, %add3A_213 : vector<16xi32>
      %gather3A_215 = tpu.vector_load_idx %arg5[%add3A_214] : memref<65536xf32, #tpu.memory_space<vmem>>[vector<16xi32>], vector<16xf32>,
      %add3A_216 = arith.constant 25 : i32
      %add3A_217 = vector.broadcast %add3A_216 : i32 to vector<16xi32>
      %add3A_218 = arith.addi %mul3A_37, %add3A_217 : vector<16xi32>
      tpu.vector_store_idx %arg7[%add3A_218], %gather3A_215 : memref<50176xf32, #tpu.memory_space<vmem>>[vector<16xi32>], vector<16xf32>,
      %add3A_219 = arith.constant 26 : i32
      %add3A_220 = vector.broadcast %add3A_219 : i32 to vector<16xi32>
      %add3A_221 = arith.addi %mul3A_30, %add3A_220 : vector<16xi32>
      %gather3A_222 = tpu.vector_load_idx %arg5[%add3A_221] : memref<65536xf32, #tpu.memory_space<vmem>>[vector<16xi32>], vector<16xf32>,
      %add3A_223 = arith.constant 26 : i32
      %add3A_224 = vector.broadcast %add3A_223 : i32 to vector<16xi32>
      %add3A_225 = arith.addi %mul3A_37, %add3A_224 : vector<16xi32>
      tpu.vector_store_idx %arg7[%add3A_225], %gather3A_222 : memref<50176xf32, #tpu.memory_space<vmem>>[vector<16xi32>], vector<16xf32>,
      %add3A_226 = arith.constant 27 : i32
      %add3A_227 = vector.broadcast %add3A_226 : i32 to vector<16xi32>
      %add3A_228 = arith.addi %mul3A_30, %add3A_227 : vector<16xi32>
      %gather3A_229 = tpu.vector_load_idx %arg5[%add3A_228] : memref<65536xf32, #tpu.memory_space<vmem>>[vector<16xi32>], vector<16xf32>,
      %add3A_230 = arith.constant 27 : i32
      %add3A_231 = vector.broadcast %add3A_230 : i32 to vector<16xi32>
      %add3A_232 = arith.addi %mul3A_37, %add3A_231 : vector<16xi32>
      tpu.vector_store_idx %arg7[%add3A_232], %gather3A_229 : memref<50176xf32, #tpu.memory_space<vmem>>[vector<16xi32>], vector<16xf32>,
      %add3A_233 = arith.constant 28 : i32
      %add3A_234 = vector.broadcast %add3A_233 : i32 to vector<16xi32>
      %add3A_235 = arith.addi %mul3A_30, %add3A_234 : vector<16xi32>
      %gather3A_236 = tpu.vector_load_idx %arg5[%add3A_235] : memref<65536xf32, #tpu.memory_space<vmem>>[vector<16xi32>], vector<16xf32>,
      %add3A_237 = arith.constant 28 : i32
      %add3A_238 = vector.broadcast %add3A_237 : i32 to vector<16xi32>
      %add3A_239 = arith.addi %mul3A_37, %add3A_238 : vector<16xi32>
      tpu.vector_store_idx %arg7[%add3A_239], %gather3A_236 : memref<50176xf32, #tpu.memory_space<vmem>>[vector<16xi32>], vector<16xf32>,
      %add3A_240 = arith.constant 29 : i32
      %add3A_241 = vector.broadcast %add3A_240 : i32 to vector<16xi32>
      %add3A_242 = arith.addi %mul3A_30, %add3A_241 : vector<16xi32>
      %gather3A_243 = tpu.vector_load_idx %arg5[%add3A_242] : memref<65536xf32, #tpu.memory_space<vmem>>[vector<16xi32>], vector<16xf32>,
      %add3A_244 = arith.constant 29 : i32
      %add3A_245 = vector.broadcast %add3A_244 : i32 to vector<16xi32>
      %add3A_246 = arith.addi %mul3A_37, %add3A_245 : vector<16xi32>
      tpu.vector_store_idx %arg7[%add3A_246], %gather3A_243 : memref<50176xf32, #tpu.memory_space<vmem>>[vector<16xi32>], vector<16xf32>,
      %add3A_247 = arith.constant 30 : i32
      %add3A_248 = vector.broadcast %add3A_247 : i32 to vector<16xi32>
      %add3A_249 = arith.addi %mul3A_30, %add3A_248 : vector<16xi32>
      %gather3A_250 = tpu.vector_load_idx %arg5[%add3A_249] : memref<65536xf32, #tpu.memory_space<vmem>>[vector<16xi32>], vector<16xf32>,
      %add3A_251 = arith.constant 30 : i32
      %add3A_252 = vector.broadcast %add3A_251 : i32 to vector<16xi32>
      %add3A_253 = arith.addi %mul3A_37, %add3A_252 : vector<16xi32>
      tpu.vector_store_idx %arg7[%add3A_253], %gather3A_250 : memref<50176xf32, #tpu.memory_space<vmem>>[vector<16xi32>], vector<16xf32>,
      %add3A_254 = arith.constant 31 : i32
      %add3A_255 = vector.broadcast %add3A_254 : i32 to vector<16xi32>
      %add3A_256 = arith.addi %mul3A_30, %add3A_255 : vector<16xi32>
      %gather3A_257 = tpu.vector_load_idx %arg5[%add3A_256] : memref<65536xf32, #tpu.memory_space<vmem>>[vector<16xi32>], vector<16xf32>,
      %add3A_258 = arith.constant 31 : i32
      %add3A_259 = vector.broadcast %add3A_258 : i32 to vector<16xi32>
      %add3A_260 = arith.addi %mul3A_37, %add3A_259 : vector<16xi32>
      tpu.vector_store_idx %arg7[%add3A_260], %gather3A_257 : memref<50176xf32, #tpu.memory_space<vmem>>[vector<16xi32>], vector<16xf32>,
      %add3A_261 = arith.constant 32 : i32
      %add3A_262 = vector.broadcast %add3A_261 : i32 to vector<16xi32>
      %add3A_263 = arith.addi %mul3A_30, %add3A_262 : vector<16xi32>
      %gather3A_264 = tpu.vector_load_idx %arg5[%add3A_263] : memref<65536xf32, #tpu.memory_space<vmem>>[vector<16xi32>], vector<16xf32>,
      %add3A_265 = arith.constant 32 : i32
      %add3A_266 = vector.broadcast %add3A_265 : i32 to vector<16xi32>
      %add3A_267 = arith.addi %mul3A_37, %add3A_266 : vector<16xi32>
      tpu.vector_store_idx %arg7[%add3A_267], %gather3A_264 : memref<50176xf32, #tpu.memory_space<vmem>>[vector<16xi32>], vector<16xf32>,
      %add3A_268 = arith.constant 33 : i32
      %add3A_269 = vector.broadcast %add3A_268 : i32 to vector<16xi32>
      %add3A_270 = arith.addi %mul3A_30, %add3A_269 : vector<16xi32>
      %gather3A_271 = tpu.vector_load_idx %arg5[%add3A_270] : memref<65536xf32, #tpu.memory_space<vmem>>[vector<16xi32>], vector<16xf32>,
      %add3A_272 = arith.constant 33 : i32
      %add3A_273 = vector.broadcast %add3A_272 : i32 to vector<16xi32>
      %add3A_274 = arith.addi %mul3A_37, %add3A_273 : vector<16xi32>
      tpu.vector_store_idx %arg7[%add3A_274], %gather3A_271 : memref<50176xf32, #tpu.memory_space<vmem>>[vector<16xi32>], vector<16xf32>,
      %add3A_275 = arith.constant 34 : i32
      %add3A_276 = vector.broadcast %add3A_275 : i32 to vector<16xi32>
      %add3A_277 = arith.addi %mul3A_30, %add3A_276 : vector<16xi32>
      %gather3A_278 = tpu.vector_load_idx %arg5[%add3A_277] : memref<65536xf32, #tpu.memory_space<vmem>>[vector<16xi32>], vector<16xf32>,
      %add3A_279 = arith.constant 34 : i32
      %add3A_280 = vector.broadcast %add3A_279 : i32 to vector<16xi32>
      %add3A_281 = arith.addi %mul3A_37, %add3A_280 : vector<16xi32>
      tpu.vector_store_idx %arg7[%add3A_281], %gather3A_278 : memref<50176xf32, #tpu.memory_space<vmem>>[vector<16xi32>], vector<16xf32>,
      %add3A_282 = arith.constant 35 : i32
      %add3A_283 = vector.broadcast %add3A_282 : i32 to vector<16xi32>
      %add3A_284 = arith.addi %mul3A_30, %add3A_283 : vector<16xi32>
      %gather3A_285 = tpu.vector_load_idx %arg5[%add3A_284] : memref<65536xf32, #tpu.memory_space<vmem>>[vector<16xi32>], vector<16xf32>,
      %add3A_286 = arith.constant 35 : i32
      %add3A_287 = vector.broadcast %add3A_286 : i32 to vector<16xi32>
      %add3A_288 = arith.addi %mul3A_37, %add3A_287 : vector<16xi32>
      tpu.vector_store_idx %arg7[%add3A_288], %gather3A_285 : memref<50176xf32, #tpu.memory_space<vmem>>[vector<16xi32>], vector<16xf32>,
      %add3A_289 = arith.constant 36 : i32
      %add3A_290 = vector.broadcast %add3A_289 : i32 to vector<16xi32>
      %add3A_291 = arith.addi %mul3A_30, %add3A_290 : vector<16xi32>
      %gather3A_292 = tpu.vector_load_idx %arg5[%add3A_291] : memref<65536xf32, #tpu.memory_space<vmem>>[vector<16xi32>], vector<16xf32>,
      %add3A_293 = arith.constant 36 : i32
      %add3A_294 = vector.broadcast %add3A_293 : i32 to vector<16xi32>
      %add3A_295 = arith.addi %mul3A_37, %add3A_294 : vector<16xi32>
      tpu.vector_store_idx %arg7[%add3A_295], %gather3A_292 : memref<50176xf32, #tpu.memory_space<vmem>>[vector<16xi32>], vector<16xf32>,
      %add3A_296 = arith.constant 37 : i32
      %add3A_297 = vector.broadcast %add3A_296 : i32 to vector<16xi32>
      %add3A_298 = arith.addi %mul3A_30, %add3A_297 : vector<16xi32>
      %gather3A_299 = tpu.vector_load_idx %arg5[%add3A_298] : memref<65536xf32, #tpu.memory_space<vmem>>[vector<16xi32>], vector<16xf32>,
      %add3A_300 = arith.constant 37 : i32
      %add3A_301 = vector.broadcast %add3A_300 : i32 to vector<16xi32>
      %add3A_302 = arith.addi %mul3A_37, %add3A_301 : vector<16xi32>
      tpu.vector_store_idx %arg7[%add3A_302], %gather3A_299 : memref<50176xf32, #tpu.memory_space<vmem>>[vector<16xi32>], vector<16xf32>,
      %add3A_303 = arith.constant 38 : i32
      %add3A_304 = vector.broadcast %add3A_303 : i32 to vector<16xi32>
      %add3A_305 = arith.addi %mul3A_30, %add3A_304 : vector<16xi32>
      %gather3A_306 = tpu.vector_load_idx %arg5[%add3A_305] : memref<65536xf32, #tpu.memory_space<vmem>>[vector<16xi32>], vector<16xf32>,
      %add3A_307 = arith.constant 38 : i32
      %add3A_308 = vector.broadcast %add3A_307 : i32 to vector<16xi32>
      %add3A_309 = arith.addi %mul3A_37, %add3A_308 : vector<16xi32>
      tpu.vector_store_idx %arg7[%add3A_309], %gather3A_306 : memref<50176xf32, #tpu.memory_space<vmem>>[vector<16xi32>], vector<16xf32>,
      %add3A_310 = arith.constant 39 : i32
      %add3A_311 = vector.broadcast %add3A_310 : i32 to vector<16xi32>
      %add3A_312 = arith.addi %mul3A_30, %add3A_311 : vector<16xi32>
      %gather3A_313 = tpu.vector_load_idx %arg5[%add3A_312] : memref<65536xf32, #tpu.memory_space<vmem>>[vector<16xi32>], vector<16xf32>,
      %add3A_314 = arith.constant 39 : i32
      %add3A_315 = vector.broadcast %add3A_314 : i32 to vector<16xi32>
      %add3A_316 = arith.addi %mul3A_37, %add3A_315 : vector<16xi32>
      tpu.vector_store_idx %arg7[%add3A_316], %gather3A_313 : memref<50176xf32, #tpu.memory_space<vmem>>[vector<16xi32>], vector<16xf32>,
      %add3A_317 = arith.constant 40 : i32
      %add3A_318 = vector.broadcast %add3A_317 : i32 to vector<16xi32>
      %add3A_319 = arith.addi %mul3A_30, %add3A_318 : vector<16xi32>
      %gather3A_320 = tpu.vector_load_idx %arg5[%add3A_319] : memref<65536xf32, #tpu.memory_space<vmem>>[vector<16xi32>], vector<16xf32>,
      %add3A_321 = arith.constant 40 : i32
      %add3A_322 = vector.broadcast %add3A_321 : i32 to vector<16xi32>
      %add3A_323 = arith.addi %mul3A_37, %add3A_322 : vector<16xi32>
      tpu.vector_store_idx %arg7[%add3A_323], %gather3A_320 : memref<50176xf32, #tpu.memory_space<vmem>>[vector<16xi32>], vector<16xf32>,
      %add3A_324 = arith.constant 41 : i32
      %add3A_325 = vector.broadcast %add3A_324 : i32 to vector<16xi32>
      %add3A_326 = arith.addi %mul3A_30, %add3A_325 : vector<16xi32>
      %gather3A_327 = tpu.vector_load_idx %arg5[%add3A_326] : memref<65536xf32, #tpu.memory_space<vmem>>[vector<16xi32>], vector<16xf32>,
      %add3A_328 = arith.constant 41 : i32
      %add3A_329 = vector.broadcast %add3A_328 : i32 to vector<16xi32>
      %add3A_330 = arith.addi %mul3A_37, %add3A_329 : vector<16xi32>
      tpu.vector_store_idx %arg7[%add3A_330], %gather3A_327 : memref<50176xf32, #tpu.memory_space<vmem>>[vector<16xi32>], vector<16xf32>,
      %add3A_331 = arith.constant 42 : i32
      %add3A_332 = vector.broadcast %add3A_331 : i32 to vector<16xi32>
      %add3A_333 = arith.addi %mul3A_30, %add3A_332 : vector<16xi32>
      %gather3A_334 = tpu.vector_load_idx %arg5[%add3A_333] : memref<65536xf32, #tpu.memory_space<vmem>>[vector<16xi32>], vector<16xf32>,
      %add3A_335 = arith.constant 42 : i32
      %add3A_336 = vector.broadcast %add3A_335 : i32 to vector<16xi32>
      %add3A_337 = arith.addi %mul3A_37, %add3A_336 : vector<16xi32>
      tpu.vector_store_idx %arg7[%add3A_337], %gather3A_334 : memref<50176xf32, #tpu.memory_space<vmem>>[vector<16xi32>], vector<16xf32>,
      %add3A_338 = arith.constant 43 : i32
      %add3A_339 = vector.broadcast %add3A_338 : i32 to vector<16xi32>
      %add3A_340 = arith.addi %mul3A_30, %add3A_339 : vector<16xi32>
      %gather3A_341 = tpu.vector_load_idx %arg5[%add3A_340] : memref<65536xf32, #tpu.memory_space<vmem>>[vector<16xi32>], vector<16xf32>,
      %add3A_342 = arith.constant 43 : i32
      %add3A_343 = vector.broadcast %add3A_342 : i32 to vector<16xi32>
      %add3A_344 = arith.addi %mul3A_37, %add3A_343 : vector<16xi32>
      tpu.vector_store_idx %arg7[%add3A_344], %gather3A_341 : memref<50176xf32, #tpu.memory_space<vmem>>[vector<16xi32>], vector<16xf32>,
      %add3A_345 = arith.constant 44 : i32
      %add3A_346 = vector.broadcast %add3A_345 : i32 to vector<16xi32>
      %add3A_347 = arith.addi %mul3A_30, %add3A_346 : vector<16xi32>
      %gather3A_348 = tpu.vector_load_idx %arg5[%add3A_347] : memref<65536xf32, #tpu.memory_space<vmem>>[vector<16xi32>], vector<16xf32>,
      %add3A_349 = arith.constant 44 : i32
      %add3A_350 = vector.broadcast %add3A_349 : i32 to vector<16xi32>
      %add3A_351 = arith.addi %mul3A_37, %add3A_350 : vector<16xi32>
      tpu.vector_store_idx %arg7[%add3A_351], %gather3A_348 : memref<50176xf32, #tpu.memory_space<vmem>>[vector<16xi32>], vector<16xf32>,
      %add3A_352 = arith.constant 45 : i32
      %add3A_353 = vector.broadcast %add3A_352 : i32 to vector<16xi32>
      %add3A_354 = arith.addi %mul3A_30, %add3A_353 : vector<16xi32>
      %gather3A_355 = tpu.vector_load_idx %arg5[%add3A_354] : memref<65536xf32, #tpu.memory_space<vmem>>[vector<16xi32>], vector<16xf32>,
      %add3A_356 = arith.constant 45 : i32
      %add3A_357 = vector.broadcast %add3A_356 : i32 to vector<16xi32>
      %add3A_358 = arith.addi %mul3A_37, %add3A_357 : vector<16xi32>
      tpu.vector_store_idx %arg7[%add3A_358], %gather3A_355 : memref<50176xf32, #tpu.memory_space<vmem>>[vector<16xi32>], vector<16xf32>,
      %add3A_359 = arith.constant 46 : i32
      %add3A_360 = vector.broadcast %add3A_359 : i32 to vector<16xi32>
      %add3A_361 = arith.addi %mul3A_30, %add3A_360 : vector<16xi32>
      %gather3A_362 = tpu.vector_load_idx %arg5[%add3A_361] : memref<65536xf32, #tpu.memory_space<vmem>>[vector<16xi32>], vector<16xf32>,
      %add3A_363 = arith.constant 46 : i32
      %add3A_364 = vector.broadcast %add3A_363 : i32 to vector<16xi32>
      %add3A_365 = arith.addi %mul3A_37, %add3A_364 : vector<16xi32>
      tpu.vector_store_idx %arg7[%add3A_365], %gather3A_362 : memref<50176xf32, #tpu.memory_space<vmem>>[vector<16xi32>], vector<16xf32>,
      %add3A_366 = arith.constant 47 : i32
      %add3A_367 = vector.broadcast %add3A_366 : i32 to vector<16xi32>
      %add3A_368 = arith.addi %mul3A_30, %add3A_367 : vector<16xi32>
      %gather3A_369 = tpu.vector_load_idx %arg5[%add3A_368] : memref<65536xf32, #tpu.memory_space<vmem>>[vector<16xi32>], vector<16xf32>,
      %add3A_370 = arith.constant 47 : i32
      %add3A_371 = vector.broadcast %add3A_370 : i32 to vector<16xi32>
      %add3A_372 = arith.addi %mul3A_37, %add3A_371 : vector<16xi32>
      tpu.vector_store_idx %arg7[%add3A_372], %gather3A_369 : memref<50176xf32, #tpu.memory_space<vmem>>[vector<16xi32>], vector<16xf32>,
      %add3A_373 = arith.constant 48 : i32
      %add3A_374 = vector.broadcast %add3A_373 : i32 to vector<16xi32>
      %add3A_375 = arith.addi %mul3A_30, %add3A_374 : vector<16xi32>
      %gather3A_376 = tpu.vector_load_idx %arg5[%add3A_375] : memref<65536xf32, #tpu.memory_space<vmem>>[vector<16xi32>], vector<16xf32>,
      %add3A_377 = arith.constant 48 : i32
      %add3A_378 = vector.broadcast %add3A_377 : i32 to vector<16xi32>
      %add3A_379 = arith.addi %mul3A_37, %add3A_378 : vector<16xi32>
      tpu.vector_store_idx %arg7[%add3A_379], %gather3A_376 : memref<50176xf32, #tpu.memory_space<vmem>>[vector<16xi32>], vector<16xf32>,
      %add3A_380 = arith.constant 49 : i32
      %add3A_381 = vector.broadcast %add3A_380 : i32 to vector<16xi32>
      %add3A_382 = arith.addi %mul3A_30, %add3A_381 : vector<16xi32>
      %gather3A_383 = tpu.vector_load_idx %arg5[%add3A_382] : memref<65536xf32, #tpu.memory_space<vmem>>[vector<16xi32>], vector<16xf32>,
      %add3A_384 = arith.constant 49 : i32
      %add3A_385 = vector.broadcast %add3A_384 : i32 to vector<16xi32>
      %add3A_386 = arith.addi %mul3A_37, %add3A_385 : vector<16xi32>
      tpu.vector_store_idx %arg7[%add3A_386], %gather3A_383 : memref<50176xf32, #tpu.memory_space<vmem>>[vector<16xi32>], vector<16xf32>,
      %add3A_387 = arith.constant 50 : i32
      %add3A_388 = vector.broadcast %add3A_387 : i32 to vector<16xi32>
      %add3A_389 = arith.addi %mul3A_30, %add3A_388 : vector<16xi32>
      %gather3A_390 = tpu.vector_load_idx %arg5[%add3A_389] : memref<65536xf32, #tpu.memory_space<vmem>>[vector<16xi32>], vector<16xf32>,
      %add3A_391 = arith.constant 50 : i32
      %add3A_392 = vector.broadcast %add3A_391 : i32 to vector<16xi32>
      %add3A_393 = arith.addi %mul3A_37, %add3A_392 : vector<16xi32>
      tpu.vector_store_idx %arg7[%add3A_393], %gather3A_390 : memref<50176xf32, #tpu.memory_space<vmem>>[vector<16xi32>], vector<16xf32>,
      %add3A_394 = arith.constant 51 : i32
      %add3A_395 = vector.broadcast %add3A_394 : i32 to vector<16xi32>
      %add3A_396 = arith.addi %mul3A_30, %add3A_395 : vector<16xi32>
      %gather3A_397 = tpu.vector_load_idx %arg5[%add3A_396] : memref<65536xf32, #tpu.memory_space<vmem>>[vector<16xi32>], vector<16xf32>,
      %add3A_398 = arith.constant 51 : i32
      %add3A_399 = vector.broadcast %add3A_398 : i32 to vector<16xi32>
      %add3A_400 = arith.addi %mul3A_37, %add3A_399 : vector<16xi32>
      tpu.vector_store_idx %arg7[%add3A_400], %gather3A_397 : memref<50176xf32, #tpu.memory_space<vmem>>[vector<16xi32>], vector<16xf32>,
      %add3A_401 = arith.constant 52 : i32
      %add3A_402 = vector.broadcast %add3A_401 : i32 to vector<16xi32>
      %add3A_403 = arith.addi %mul3A_30, %add3A_402 : vector<16xi32>
      %gather3A_404 = tpu.vector_load_idx %arg5[%add3A_403] : memref<65536xf32, #tpu.memory_space<vmem>>[vector<16xi32>], vector<16xf32>,
      %add3A_405 = arith.constant 52 : i32
      %add3A_406 = vector.broadcast %add3A_405 : i32 to vector<16xi32>
      %add3A_407 = arith.addi %mul3A_37, %add3A_406 : vector<16xi32>
      tpu.vector_store_idx %arg7[%add3A_407], %gather3A_404 : memref<50176xf32, #tpu.memory_space<vmem>>[vector<16xi32>], vector<16xf32>,
      %add3A_408 = arith.constant 53 : i32
      %add3A_409 = vector.broadcast %add3A_408 : i32 to vector<16xi32>
      %add3A_410 = arith.addi %mul3A_30, %add3A_409 : vector<16xi32>
      %gather3A_411 = tpu.vector_load_idx %arg5[%add3A_410] : memref<65536xf32, #tpu.memory_space<vmem>>[vector<16xi32>], vector<16xf32>,
      %add3A_412 = arith.constant 53 : i32
      %add3A_413 = vector.broadcast %add3A_412 : i32 to vector<16xi32>
      %add3A_414 = arith.addi %mul3A_37, %add3A_413 : vector<16xi32>
      tpu.vector_store_idx %arg7[%add3A_414], %gather3A_411 : memref<50176xf32, #tpu.memory_space<vmem>>[vector<16xi32>], vector<16xf32>,
      %add3A_415 = arith.constant 54 : i32
      %add3A_416 = vector.broadcast %add3A_415 : i32 to vector<16xi32>
      %add3A_417 = arith.addi %mul3A_30, %add3A_416 : vector<16xi32>
      %gather3A_418 = tpu.vector_load_idx %arg5[%add3A_417] : memref<65536xf32, #tpu.memory_space<vmem>>[vector<16xi32>], vector<16xf32>,
      %add3A_419 = arith.constant 54 : i32
      %add3A_420 = vector.broadcast %add3A_419 : i32 to vector<16xi32>
      %add3A_421 = arith.addi %mul3A_37, %add3A_420 : vector<16xi32>
      tpu.vector_store_idx %arg7[%add3A_421], %gather3A_418 : memref<50176xf32, #tpu.memory_space<vmem>>[vector<16xi32>], vector<16xf32>,
      %add3A_422 = arith.constant 55 : i32
      %add3A_423 = vector.broadcast %add3A_422 : i32 to vector<16xi32>
      %add3A_424 = arith.addi %mul3A_30, %add3A_423 : vector<16xi32>
      %gather3A_425 = tpu.vector_load_idx %arg5[%add3A_424] : memref<65536xf32, #tpu.memory_space<vmem>>[vector<16xi32>], vector<16xf32>,
      %add3A_426 = arith.constant 55 : i32
      %add3A_427 = vector.broadcast %add3A_426 : i32 to vector<16xi32>
      %add3A_428 = arith.addi %mul3A_37, %add3A_427 : vector<16xi32>
      tpu.vector_store_idx %arg7[%add3A_428], %gather3A_425 : memref<50176xf32, #tpu.memory_space<vmem>>[vector<16xi32>], vector<16xf32>,
      %add3A_429 = arith.constant 56 : i32
      %add3A_430 = vector.broadcast %add3A_429 : i32 to vector<16xi32>
      %add3A_431 = arith.addi %mul3A_30, %add3A_430 : vector<16xi32>
      %gather3A_432 = tpu.vector_load_idx %arg5[%add3A_431] : memref<65536xf32, #tpu.memory_space<vmem>>[vector<16xi32>], vector<16xf32>,
      %add3A_433 = arith.constant 56 : i32
      %add3A_434 = vector.broadcast %add3A_433 : i32 to vector<16xi32>
      %add3A_435 = arith.addi %mul3A_37, %add3A_434 : vector<16xi32>
      tpu.vector_store_idx %arg7[%add3A_435], %gather3A_432 : memref<50176xf32, #tpu.memory_space<vmem>>[vector<16xi32>], vector<16xf32>,
      %add3A_436 = arith.constant 57 : i32
      %add3A_437 = vector.broadcast %add3A_436 : i32 to vector<16xi32>
      %add3A_438 = arith.addi %mul3A_30, %add3A_437 : vector<16xi32>
      %gather3A_439 = tpu.vector_load_idx %arg5[%add3A_438] : memref<65536xf32, #tpu.memory_space<vmem>>[vector<16xi32>], vector<16xf32>,
      %add3A_440 = arith.constant 57 : i32
      %add3A_441 = vector.broadcast %add3A_440 : i32 to vector<16xi32>
      %add3A_442 = arith.addi %mul3A_37, %add3A_441 : vector<16xi32>
      tpu.vector_store_idx %arg7[%add3A_442], %gather3A_439 : memref<50176xf32, #tpu.memory_space<vmem>>[vector<16xi32>], vector<16xf32>,
      %add3A_443 = arith.constant 58 : i32
      %add3A_444 = vector.broadcast %add3A_443 : i32 to vector<16xi32>
      %add3A_445 = arith.addi %mul3A_30, %add3A_444 : vector<16xi32>
      %gather3A_446 = tpu.vector_load_idx %arg5[%add3A_445] : memref<65536xf32, #tpu.memory_space<vmem>>[vector<16xi32>], vector<16xf32>,
      %add3A_447 = arith.constant 58 : i32
      %add3A_448 = vector.broadcast %add3A_447 : i32 to vector<16xi32>
      %add3A_449 = arith.addi %mul3A_37, %add3A_448 : vector<16xi32>
      tpu.vector_store_idx %arg7[%add3A_449], %gather3A_446 : memref<50176xf32, #tpu.memory_space<vmem>>[vector<16xi32>], vector<16xf32>,
      %add3A_450 = arith.constant 59 : i32
      %add3A_451 = vector.broadcast %add3A_450 : i32 to vector<16xi32>
      %add3A_452 = arith.addi %mul3A_30, %add3A_451 : vector<16xi32>
      %gather3A_453 = tpu.vector_load_idx %arg5[%add3A_452] : memref<65536xf32, #tpu.memory_space<vmem>>[vector<16xi32>], vector<16xf32>,
      %add3A_454 = arith.constant 59 : i32
      %add3A_455 = vector.broadcast %add3A_454 : i32 to vector<16xi32>
      %add3A_456 = arith.addi %mul3A_37, %add3A_455 : vector<16xi32>
      tpu.vector_store_idx %arg7[%add3A_456], %gather3A_453 : memref<50176xf32, #tpu.memory_space<vmem>>[vector<16xi32>], vector<16xf32>,
      %add3A_457 = arith.constant 60 : i32
      %add3A_458 = vector.broadcast %add3A_457 : i32 to vector<16xi32>
      %add3A_459 = arith.addi %mul3A_30, %add3A_458 : vector<16xi32>
      %gather3A_460 = tpu.vector_load_idx %arg5[%add3A_459] : memref<65536xf32, #tpu.memory_space<vmem>>[vector<16xi32>], vector<16xf32>,
      %add3A_461 = arith.constant 60 : i32
      %add3A_462 = vector.broadcast %add3A_461 : i32 to vector<16xi32>
      %add3A_463 = arith.addi %mul3A_37, %add3A_462 : vector<16xi32>
      tpu.vector_store_idx %arg7[%add3A_463], %gather3A_460 : memref<50176xf32, #tpu.memory_space<vmem>>[vector<16xi32>], vector<16xf32>,
      %add3A_464 = arith.constant 61 : i32
      %add3A_465 = vector.broadcast %add3A_464 : i32 to vector<16xi32>
      %add3A_466 = arith.addi %mul3A_30, %add3A_465 : vector<16xi32>
      %gather3A_467 = tpu.vector_load_idx %arg5[%add3A_466] : memref<65536xf32, #tpu.memory_space<vmem>>[vector<16xi32>], vector<16xf32>,
      %add3A_468 = arith.constant 61 : i32
      %add3A_469 = vector.broadcast %add3A_468 : i32 to vector<16xi32>
      %add3A_470 = arith.addi %mul3A_37, %add3A_469 : vector<16xi32>
      tpu.vector_store_idx %arg7[%add3A_470], %gather3A_467 : memref<50176xf32, #tpu.memory_space<vmem>>[vector<16xi32>], vector<16xf32>,
      %add3A_471 = arith.constant 62 : i32
      %add3A_472 = vector.broadcast %add3A_471 : i32 to vector<16xi32>
      %add3A_473 = arith.addi %mul3A_30, %add3A_472 : vector<16xi32>
      %gather3A_474 = tpu.vector_load_idx %arg5[%add3A_473] : memref<65536xf32, #tpu.memory_space<vmem>>[vector<16xi32>], vector<16xf32>,
      %add3A_475 = arith.constant 62 : i32
      %add3A_476 = vector.broadcast %add3A_475 : i32 to vector<16xi32>
      %add3A_477 = arith.addi %mul3A_37, %add3A_476 : vector<16xi32>
      tpu.vector_store_idx %arg7[%add3A_477], %gather3A_474 : memref<50176xf32, #tpu.memory_space<vmem>>[vector<16xi32>], vector<16xf32>,
      %add3A_478 = arith.constant 63 : i32
      %add3A_479 = vector.broadcast %add3A_478 : i32 to vector<16xi32>
      %add3A_480 = arith.addi %mul3A_30, %add3A_479 : vector<16xi32>
      %gather3A_481 = tpu.vector_load_idx %arg5[%add3A_480] : memref<65536xf32, #tpu.memory_space<vmem>>[vector<16xi32>], vector<16xf32>,
      %add3A_482 = arith.constant 63 : i32
      %add3A_483 = vector.broadcast %add3A_482 : i32 to vector<16xi32>
      %add3A_484 = arith.addi %mul3A_37, %add3A_483 : vector<16xi32>
      tpu.vector_store_idx %arg7[%add3A_484], %gather3A_481 : memref<50176xf32, #tpu.memory_space<vmem>>[vector<16xi32>], vector<16xf32>,
    }
    %scan3A_17 = arith.constant 49 : i32
    %add3A_18 = arith.constant 784 : i32
    %add3A_19 = arith.addi %mul3A_2, %add3A_18 : i32
    %mul3A_20 = arith.constant 64 : i32
    %mul3A_21 = arith.muli %add3A_19, %mul3A_20 : i32
    "tpu.region"() ({
      %run_scoped3A = tpu.sem_alloc : memref<!tpu.dma_semaphore, #tpu.memory_space<semaphore_mem>>
      %dma_start3A = tpu.memref_slice %arg4[%mul3A_21] : memref<3211264xf32, #tpu.memory_space<hbm>> -> memref<50176xf32, #tpu.memory_space<hbm>>
      %dma_start3A_22 = tpu.memref_slice %arg4[%mul3A_21] : memref<3211264xf32, #tpu.memory_space<hbm>> -> memref<50176xf32, #tpu.memory_space<hbm>>
      tpu.enqueue_dma source(%arg7 : memref<50176xf32, #tpu.memory_space<vmem>>) target(%dma_start3A_22 : memref<50176xf32, #tpu.memory_space<hbm>>) target_semaphore(%run_scoped3A : memref<!tpu.dma_semaphore, #tpu.memory_space<semaphore_mem>>)
      %dma_wait3A = tpu.memref_slice %arg4[%mul3A_21] : memref<3211264xf32, #tpu.memory_space<hbm>> -> memref<50176xf32, #tpu.memory_space<hbm>>
      %dma_wait3A_23 = tpu.memref_slice %arg4[%mul3A_21] : memref<3211264xf32, #tpu.memory_space<hbm>> -> memref<50176xf32, #tpu.memory_space<hbm>>
      tpu.wait_dma2 semaphore(%run_scoped3A : memref<!tpu.dma_semaphore, #tpu.memory_space<semaphore_mem>>) src(%arg7 : memref<50176xf32, #tpu.memory_space<vmem>>) dst(%dma_wait3A_23 : memref<50176xf32, #tpu.memory_space<hbm>>)
      tpu.yield
    }) : () -> ()
    return
  }
}

module attributes {stable_mosaic.version = 14 : i64} {
  func.func @_mm_body(%arg0: i32, %arg1: memref<2048x48xf32, #tpu.memory_space<vmem>>, %arg2: memref<48x64xf32, #tpu.memory_space<vmem>>, %arg3: memref<1x64xf32, #tpu.memory_space<vmem>>, %arg4: memref<2048x64xf32, #tpu.memory_space<vmem>>) attributes {dimension_semantics = [#tpu.dimension_semantics<arbitrary>], iteration_bounds = array<i64: 98>, scalar_prefetch = 0 : i64, scratch_operands = 0 : i64, tpu.core_type = #tpu.core_type<tc>, window_params = [{transform_indices = @transform_0, window_bounds = array<i64: 2048, 48>}, {pipeline_mode = #tpu.pipeline_mode<synchronous>, transform_indices = @transform_1, window_bounds = array<i64: 48, 64>}, {pipeline_mode = #tpu.pipeline_mode<synchronous>, transform_indices = @transform_2, window_bounds = array<i64: 1, 64>}, {transform_indices = @transform_3, window_bounds = array<i64: 2048, 64>}]} {
    %get3A = arith.constant 0 : index
    %get3A_0 = arith.constant 0 : index
    %get3A_1 = vector.load %arg1[%get3A, %get3A_0] : memref<2048x48xf32, #tpu.memory_space<vmem>>, vector<2048x48xf32>
    %get3A_2 = arith.constant 0 : index
    %get3A_3 = arith.constant 0 : index
    %get3A_4 = vector.load %arg2[%get3A_2, %get3A_3] : memref<48x64xf32, #tpu.memory_space<vmem>>, vector<48x64xf32>
    %dot_general3A = arith.constant dense<0.000000e+00> : vector<2048x64xf32>
    %dot_general3A_5 = tpu.matmul %get3A_1, %get3A_4, %dot_general3A {dimension_numbers = #tpu.dot_dimension_numbers<[1], [0], [0], [1], [0, 0, 1, 1], [], []>, transpose_lhs_hint = false} : vector<2048x48xf32>, vector<48x64xf32>, vector<2048x64xf32> -> vector<2048x64xf32>
    %get3A_6 = arith.constant 0 : index
    %get3A_7 = arith.constant 0 : index
    %get3A_8 = vector.load %arg3[%get3A_6, %get3A_7] : memref<1x64xf32, #tpu.memory_space<vmem>>, vector<1x64xf32>
    %add3A = vector.broadcast %get3A_8 : vector<1x64xf32> to vector<2048x64xf32>
    %add3A_9 = arith.addf %dot_general3A_5, %add3A : vector<2048x64xf32>
    %max3A = arith.constant 0.000000e+00 : f32
    %max3A_10 = vector.broadcast %max3A : f32 to vector<2048x64xf32>
    %max3A_11 = arith.maximumf %add3A_9, %max3A_10 : vector<2048x64xf32>
    %swap3A = arith.constant 0 : index
    %swap3A_12 = arith.constant 0 : index
    %swap3A_13 = vector.load %arg4[%swap3A, %swap3A_12] : memref<2048x64xf32, #tpu.memory_space<vmem>>, vector<2048x64xf32>
    tpu.vector_store %arg4[%swap3A, %swap3A_12], %max3A_11 {strides = array<i32>} : memref<2048x64xf32, #tpu.memory_space<vmem>>, vector<2048x64xf32>,
    return
  }
  func.func @transform_0(%arg0: i32) -> (i32, i32) {
    %c0_i32 = arith.constant 0 : i32
    %c0_i32_0 = arith.constant 0 : i32
    return %arg0, %c0_i32 : i32, i32
  }
  func.func @transform_1(%arg0: i32) -> (i32, i32) {
    %c0_i32 = arith.constant 0 : i32
    %c0_i32_0 = arith.constant 0 : i32
    %c0_i32_1 = arith.constant 0 : i32
    return %c0_i32, %c0_i32_0 : i32, i32
  }
  func.func @transform_2(%arg0: i32) -> (i32, i32) {
    %c0_i32 = arith.constant 0 : i32
    %c0_i32_0 = arith.constant 0 : i32
    %c0_i32_1 = arith.constant 0 : i32
    return %c0_i32, %c0_i32_0 : i32, i32
  }
  func.func @transform_3(%arg0: i32) -> (i32, i32) {
    %c0_i32 = arith.constant 0 : i32
    %c0_i32_0 = arith.constant 0 : i32
    return %arg0, %c0_i32 : i32, i32
  }
}

module attributes {stable_mosaic.version = 14 : i64} {
  func.func @_mm_body(%arg0: i32, %arg1: memref<1024x256xf32, #tpu.memory_space<vmem>>, %arg2: memref<256x256xf32, #tpu.memory_space<vmem>>, %arg3: memref<1x256xf32, #tpu.memory_space<vmem>>, %arg4: memref<1024x256xf32, #tpu.memory_space<vmem>>) attributes {dimension_semantics = [#tpu.dimension_semantics<arbitrary>], iteration_bounds = array<i64: 57>, scalar_prefetch = 0 : i64, scratch_operands = 0 : i64, tpu.core_type = #tpu.core_type<tc>, window_params = [{transform_indices = @transform_0, window_bounds = array<i64: 1024, 256>}, {pipeline_mode = #tpu.pipeline_mode<synchronous>, transform_indices = @transform_1, window_bounds = array<i64: 256, 256>}, {pipeline_mode = #tpu.pipeline_mode<synchronous>, transform_indices = @transform_2, window_bounds = array<i64: 1, 256>}, {transform_indices = @transform_3, window_bounds = array<i64: 1024, 256>}]} {
    %get3A = arith.constant 0 : index
    %get3A_0 = arith.constant 0 : index
    %get3A_1 = vector.load %arg1[%get3A, %get3A_0] : memref<1024x256xf32, #tpu.memory_space<vmem>>, vector<1024x256xf32>
    %get3A_2 = arith.constant 0 : index
    %get3A_3 = arith.constant 0 : index
    %get3A_4 = vector.load %arg2[%get3A_2, %get3A_3] : memref<256x256xf32, #tpu.memory_space<vmem>>, vector<256x256xf32>
    %dot_general3A = arith.constant dense<0.000000e+00> : vector<1024x256xf32>
    %dot_general3A_5 = tpu.matmul %get3A_1, %get3A_4, %dot_general3A {dimension_numbers = #tpu.dot_dimension_numbers<[1], [0], [0], [1], [0, 0, 1, 1], [], []>, transpose_lhs_hint = false} : vector<1024x256xf32>, vector<256x256xf32>, vector<1024x256xf32> -> vector<1024x256xf32>
    %get3A_6 = arith.constant 0 : index
    %get3A_7 = arith.constant 0 : index
    %get3A_8 = vector.load %arg3[%get3A_6, %get3A_7] : memref<1x256xf32, #tpu.memory_space<vmem>>, vector<1x256xf32>
    %add3A = vector.broadcast %get3A_8 : vector<1x256xf32> to vector<1024x256xf32>
    %add3A_9 = arith.addf %dot_general3A_5, %add3A : vector<1024x256xf32>
    %swap3A = arith.constant 0 : index
    %swap3A_10 = arith.constant 0 : index
    %swap3A_11 = vector.load %arg4[%swap3A, %swap3A_10] : memref<1024x256xf32, #tpu.memory_space<vmem>>, vector<1024x256xf32>
    tpu.vector_store %arg4[%swap3A, %swap3A_10], %add3A_9 {strides = array<i32>} : memref<1024x256xf32, #tpu.memory_space<vmem>>, vector<1024x256xf32>,
    return
  }
  func.func @transform_0(%arg0: i32) -> (i32, i32) {
    %c0_i32 = arith.constant 0 : i32
    %c0_i32_0 = arith.constant 0 : i32
    return %arg0, %c0_i32 : i32, i32
  }
  func.func @transform_1(%arg0: i32) -> (i32, i32) {
    %c0_i32 = arith.constant 0 : i32
    %c0_i32_0 = arith.constant 0 : i32
    %c0_i32_1 = arith.constant 0 : i32
    return %c0_i32, %c0_i32_0 : i32, i32
  }
  func.func @transform_2(%arg0: i32) -> (i32, i32) {
    %c0_i32 = arith.constant 0 : i32
    %c0_i32_0 = arith.constant 0 : i32
    %c0_i32_1 = arith.constant 0 : i32
    return %c0_i32, %c0_i32_0 : i32, i32
  }
  func.func @transform_3(%arg0: i32) -> (i32, i32) {
    %c0_i32 = arith.constant 0 : i32
    %c0_i32_0 = arith.constant 0 : i32
    return %arg0, %c0_i32 : i32, i32
  }
}

module attributes {stable_mosaic.version = 14 : i64} {
  func.func @_c2vq_body(%arg0: i32, %arg1: memref<1x57x64x256xf32, #tpu.memory_space<vmem>>, %arg2: memref<64x1024xf32, #tpu.memory_space<vmem>>, %arg3: memref<1x64xf32, #tpu.memory_space<vmem>>, %arg4: memref<1x56x56x64xf32, #tpu.memory_space<vmem>>, %arg5: memref<1x1x3136xi32, #tpu.memory_space<vmem>>) attributes {dimension_semantics = [#tpu.dimension_semantics<arbitrary>], iteration_bounds = array<i64: 16>, scalar_prefetch = 0 : i64, scratch_operands = 0 : i64, tpu.core_type = #tpu.core_type<tc>, window_params = [{transform_indices = @transform_0, window_bounds = array<i64: 1, 57, 64, 256>}, {pipeline_mode = #tpu.pipeline_mode<synchronous>, transform_indices = @transform_1, window_bounds = array<i64: 64, 1024>}, {pipeline_mode = #tpu.pipeline_mode<synchronous>, transform_indices = @transform_2, window_bounds = array<i64: 1, 64>}, {transform_indices = @transform_3, window_bounds = array<i64: 1, 56, 56, 64>}, {transform_indices = @transform_4, window_bounds = array<i64: 1, 1, 3136>}]} {
    %get3A = arith.constant 0 : index
    %get3A_0 = arith.constant 0 : index
    %get3A_1 = arith.constant 0 : index
    %get3A_2 = arith.constant 0 : index
    %get3A_3 = vector.load %arg1[%get3A, %get3A_0, %get3A_1, %get3A_2] : memref<1x57x64x256xf32, #tpu.memory_space<vmem>>, vector<1x57x64x256xf32>
    %get3A_4 = vector.shape_cast %get3A_3 : vector<1x57x64x256xf32> to vector<57x64x256xf32>
    %get3A_5 = arith.constant 0 : index
    %get3A_6 = arith.constant 0 : index
    %get3A_7 = vector.load %arg3[%get3A_5, %get3A_6] : memref<1x64xf32, #tpu.memory_space<vmem>>, vector<1x64xf32>
    %reshape3A = vector.shape_cast %get3A_7 : vector<1x64xf32> to vector<1x1x64xf32>
    %slice3A = vector.extract_strided_slice %get3A_4 {offsets = [0, 0, 0], sizes = [56, 56, 64], strides = [1, 1, 1]} : vector<57x64x256xf32> to vector<56x56x64xf32>
    %add3A = vector.broadcast %reshape3A : vector<1x1x64xf32> to vector<56x56x64xf32>
    %add3A_8 = arith.addf %add3A, %slice3A : vector<56x56x64xf32>
    %slice3A_9 = vector.extract_strided_slice %get3A_4 {offsets = [0, 1, 64], sizes = [56, 56, 64], strides = [1, 1, 1]} : vector<57x64x256xf32> to vector<56x56x64xf32>
    %add3A_10 = arith.addf %add3A_8, %slice3A_9 : vector<56x56x64xf32>
    %slice3A_11 = vector.extract_strided_slice %get3A_4 {offsets = [1, 0, 128], sizes = [56, 56, 64], strides = [1, 1, 1]} : vector<57x64x256xf32> to vector<56x56x64xf32>
    %add3A_12 = arith.addf %add3A_10, %slice3A_11 : vector<56x56x64xf32>
    %slice3A_13 = vector.extract_strided_slice %get3A_4 {offsets = [1, 1, 192], sizes = [56, 56, 64], strides = [1, 1, 1]} : vector<57x64x256xf32> to vector<56x56x64xf32>
    %add3A_14 = arith.addf %add3A_12, %slice3A_13 : vector<56x56x64xf32>
    %swap3A = arith.constant 0 : index
    %swap3A_15 = arith.constant 0 : index
    %swap3A_16 = arith.constant 0 : index
    %swap3A_17 = arith.constant 0 : index
    %swap3A_18 = vector.load %arg4[%swap3A, %swap3A_15, %swap3A_16, %swap3A_17] : memref<1x56x56x64xf32, #tpu.memory_space<vmem>>, vector<1x56x56x64xf32>
    %swap3A_19 = vector.shape_cast %swap3A_18 : vector<1x56x56x64xf32> to vector<56x56x64xf32>
    %swap3A_20 = vector.shape_cast %add3A_14 : vector<56x56x64xf32> to vector<1x56x56x64xf32>
    tpu.vector_store %arg4[%swap3A, %swap3A_15, %swap3A_16, %swap3A_17], %swap3A_20 {strides = array<i32>} : memref<1x56x56x64xf32, #tpu.memory_space<vmem>>, vector<1x56x56x64xf32>,
    %reshape3A_21 = vector.shape_cast %add3A_14 : vector<56x56x64xf32> to vector<3136x64xf32>
    %get3A_22 = arith.constant 0 : index
    %get3A_23 = arith.constant 0 : index
    %get3A_24 = vector.load %arg2[%get3A_22, %get3A_23] : memref<64x1024xf32, #tpu.memory_space<vmem>>, vector<64x1024xf32>
    %mul3A = arith.mulf %get3A_24, %get3A_24 : vector<64x1024xf32>
    %reduce_sum3A = arith.constant dense<0.000000e+00> : vector<1024xf32>
    %reduce_sum3A_25 = vector.multi_reduction <add>, %mul3A, %reduce_sum3A [0] : vector<64x1024xf32> to vector<1024xf32>
    %broadcast_in_dim3A = vector.shape_cast %reduce_sum3A_25 : vector<1024xf32> to vector<1x1024xf32>
    %dot_general3A = arith.constant dense<0.000000e+00> : vector<3136x1024xf32>
    %dot_general3A_26 = tpu.matmul %reshape3A_21, %get3A_24, %dot_general3A {dimension_numbers = #tpu.dot_dimension_numbers<[1], [0], [0], [1], [0, 0, 1, 1], [], []>, transpose_lhs_hint = false} : vector<3136x64xf32>, vector<64x1024xf32>, vector<3136x1024xf32> -> vector<3136x1024xf32>
    %mul3A_27 = arith.constant 2.000000e+00 : f32
    %mul3A_28 = vector.broadcast %mul3A_27 : f32 to vector<3136x1024xf32>
    %mul3A_29 = arith.mulf %mul3A_28, %dot_general3A_26 : vector<3136x1024xf32>
    %sub3A = vector.broadcast %broadcast_in_dim3A : vector<1x1024xf32> to vector<3136x1024xf32>
    %sub3A_30 = arith.subf %sub3A, %mul3A_29 : vector<3136x1024xf32>
    %argmin3A = tpu.reduce_index %sub3A_30 {axis = 1 : i32, kind = #tpu.reduction_kind<arg_min>} : vector<3136x1024xf32> -> vector<3136xi32>
    %reshape3A_31 = vector.shape_cast %argmin3A : vector<3136xi32> to vector<1x3136xi32>
    %swap3A_32 = arith.constant 0 : index
    %swap3A_33 = arith.constant 0 : index
    %swap3A_34 = arith.constant 0 : index
    %swap3A_35 = vector.load %arg5[%swap3A_32, %swap3A_33, %swap3A_34] : memref<1x1x3136xi32, #tpu.memory_space<vmem>>, vector<1x1x3136xi32>
    %swap3A_36 = vector.shape_cast %swap3A_35 : vector<1x1x3136xi32> to vector<1x3136xi32>
    %swap3A_37 = vector.shape_cast %reshape3A_31 : vector<1x3136xi32> to vector<1x1x3136xi32>
    tpu.vector_store %arg5[%swap3A_32, %swap3A_33, %swap3A_34], %swap3A_37 {strides = array<i32>} : memref<1x1x3136xi32, #tpu.memory_space<vmem>>, vector<1x1x3136xi32>,
    return
  }
  func.func @transform_0(%arg0: i32) -> (i32, i32, i32, i32) {
    %c0_i32 = arith.constant 0 : i32
    %c0_i32_0 = arith.constant 0 : i32
    %c0_i32_1 = arith.constant 0 : i32
    %c0_i32_2 = arith.constant 0 : i32
    return %arg0, %c0_i32, %c0_i32_0, %c0_i32_1 : i32, i32, i32, i32
  }
  func.func @transform_1(%arg0: i32) -> (i32, i32) {
    %c0_i32 = arith.constant 0 : i32
    %c0_i32_0 = arith.constant 0 : i32
    %c0_i32_1 = arith.constant 0 : i32
    return %c0_i32, %c0_i32_0 : i32, i32
  }
  func.func @transform_2(%arg0: i32) -> (i32, i32) {
    %c0_i32 = arith.constant 0 : i32
    %c0_i32_0 = arith.constant 0 : i32
    %c0_i32_1 = arith.constant 0 : i32
    return %c0_i32, %c0_i32_0 : i32, i32
  }
  func.func @transform_3(%arg0: i32) -> (i32, i32, i32, i32) {
    %c0_i32 = arith.constant 0 : i32
    %c0_i32_0 = arith.constant 0 : i32
    %c0_i32_1 = arith.constant 0 : i32
    %c0_i32_2 = arith.constant 0 : i32
    return %arg0, %c0_i32, %c0_i32_0, %c0_i32_1 : i32, i32, i32, i32
  }
  func.func @transform_4(%arg0: i32) -> (i32, i32, i32) {
    %c0_i32 = arith.constant 0 : i32
    %c0_i32_0 = arith.constant 0 : i32
    %c0_i32_1 = arith.constant 0 : i32
    return %arg0, %c0_i32, %c0_i32_0 : i32, i32, i32
  }
}

module attributes {stable_mosaic.version = 14 : i64} {
  func.func @_t1_body(%arg0: i32, %arg1: memref<1x57x64x256xf32, #tpu.memory_space<vmem>>, %arg2: memref<1x64xf32, #tpu.memory_space<vmem>>, %arg3: memref<1x4x56x56x64xf32, #tpu.memory_space<vmem>>) attributes {dimension_semantics = [#tpu.dimension_semantics<arbitrary>], iteration_bounds = array<i64: 16>, scalar_prefetch = 0 : i64, scratch_operands = 0 : i64, tpu.core_type = #tpu.core_type<tc>, window_params = [{transform_indices = @transform_0, window_bounds = array<i64: 1, 57, 64, 256>}, {pipeline_mode = #tpu.pipeline_mode<synchronous>, transform_indices = @transform_1, window_bounds = array<i64: 1, 64>}, {transform_indices = @transform_2, window_bounds = array<i64: 1, 4, 56, 56, 64>}]} {
    %get3A = arith.constant 0 : index
    %get3A_0 = arith.constant 0 : index
    %get3A_1 = arith.constant 0 : index
    %get3A_2 = arith.constant 0 : index
    %get3A_3 = vector.load %arg1[%get3A, %get3A_0, %get3A_1, %get3A_2] : memref<1x57x64x256xf32, #tpu.memory_space<vmem>>, vector<1x57x64x256xf32>
    %get3A_4 = vector.shape_cast %get3A_3 : vector<1x57x64x256xf32> to vector<57x64x256xf32>
    %get3A_5 = arith.constant 0 : index
    %get3A_6 = arith.constant 0 : index
    %get3A_7 = vector.load %arg2[%get3A_5, %get3A_6] : memref<1x64xf32, #tpu.memory_space<vmem>>, vector<1x64xf32>
    %reshape3A = vector.shape_cast %get3A_7 : vector<1x64xf32> to vector<1x1x64xf32>
    %slice3A = vector.extract_strided_slice %get3A_4 {offsets = [0, 0, 0], sizes = [56, 56, 64], strides = [1, 1, 1]} : vector<57x64x256xf32> to vector<56x56x64xf32>
    %add3A = vector.broadcast %reshape3A : vector<1x1x64xf32> to vector<56x56x64xf32>
    %add3A_8 = arith.addf %slice3A, %add3A : vector<56x56x64xf32>
    %max3A = arith.constant 0.000000e+00 : f32
    %max3A_9 = vector.broadcast %max3A : f32 to vector<56x56x64xf32>
    %max3A_10 = arith.maximumf %add3A_8, %max3A_9 : vector<56x56x64xf32>
    %swap3A = arith.constant 0 : index
    %swap3A_11 = arith.constant 0 : index
    %swap3A_12 = arith.constant 0 : index
    %swap3A_13 = arith.constant 0 : index
    %swap3A_14 = arith.constant 0 : index
    %swap3A_15 = vector.load %arg3[%swap3A, %swap3A_11, %swap3A_12, %swap3A_13, %swap3A_14] : memref<1x4x56x56x64xf32, #tpu.memory_space<vmem>>, vector<1x1x56x56x64xf32>
    %swap3A_16 = vector.shape_cast %swap3A_15 : vector<1x1x56x56x64xf32> to vector<56x56x64xf32>
    %swap3A_17 = vector.shape_cast %max3A_10 : vector<56x56x64xf32> to vector<1x1x56x56x64xf32>
    tpu.vector_store %arg3[%swap3A, %swap3A_11, %swap3A_12, %swap3A_13, %swap3A_14], %swap3A_17 {strides = array<i32>} : memref<1x4x56x56x64xf32, #tpu.memory_space<vmem>>, vector<1x1x56x56x64xf32>,
    %slice3A_18 = vector.extract_strided_slice %get3A_4 {offsets = [0, 1, 64], sizes = [56, 56, 64], strides = [1, 1, 1]} : vector<57x64x256xf32> to vector<56x56x64xf32>
    %add3A_19 = vector.broadcast %reshape3A : vector<1x1x64xf32> to vector<56x56x64xf32>
    %add3A_20 = arith.addf %slice3A_18, %add3A_19 : vector<56x56x64xf32>
    %max3A_21 = arith.constant 0.000000e+00 : f32
    %max3A_22 = vector.broadcast %max3A_21 : f32 to vector<56x56x64xf32>
    %max3A_23 = arith.maximumf %add3A_20, %max3A_22 : vector<56x56x64xf32>
    %swap3A_24 = arith.constant 0 : index
    %swap3A_25 = arith.constant 1 : index
    %swap3A_26 = arith.constant 0 : index
    %swap3A_27 = arith.constant 0 : index
    %swap3A_28 = arith.constant 0 : index
    %swap3A_29 = vector.load %arg3[%swap3A_24, %swap3A_25, %swap3A_26, %swap3A_27, %swap3A_28] : memref<1x4x56x56x64xf32, #tpu.memory_space<vmem>>, vector<1x1x56x56x64xf32>
    %swap3A_30 = vector.shape_cast %swap3A_29 : vector<1x1x56x56x64xf32> to vector<56x56x64xf32>
    %swap3A_31 = vector.shape_cast %max3A_23 : vector<56x56x64xf32> to vector<1x1x56x56x64xf32>
    tpu.vector_store %arg3[%swap3A_24, %swap3A_25, %swap3A_26, %swap3A_27, %swap3A_28], %swap3A_31 {strides = array<i32>} : memref<1x4x56x56x64xf32, #tpu.memory_space<vmem>>, vector<1x1x56x56x64xf32>,
    %slice3A_32 = vector.extract_strided_slice %get3A_4 {offsets = [1, 0, 128], sizes = [56, 56, 64], strides = [1, 1, 1]} : vector<57x64x256xf32> to vector<56x56x64xf32>
    %add3A_33 = vector.broadcast %reshape3A : vector<1x1x64xf32> to vector<56x56x64xf32>
    %add3A_34 = arith.addf %slice3A_32, %add3A_33 : vector<56x56x64xf32>
    %max3A_35 = arith.constant 0.000000e+00 : f32
    %max3A_36 = vector.broadcast %max3A_35 : f32 to vector<56x56x64xf32>
    %max3A_37 = arith.maximumf %add3A_34, %max3A_36 : vector<56x56x64xf32>
    %swap3A_38 = arith.constant 0 : index
    %swap3A_39 = arith.constant 2 : index
    %swap3A_40 = arith.constant 0 : index
    %swap3A_41 = arith.constant 0 : index
    %swap3A_42 = arith.constant 0 : index
    %swap3A_43 = vector.load %arg3[%swap3A_38, %swap3A_39, %swap3A_40, %swap3A_41, %swap3A_42] : memref<1x4x56x56x64xf32, #tpu.memory_space<vmem>>, vector<1x1x56x56x64xf32>
    %swap3A_44 = vector.shape_cast %swap3A_43 : vector<1x1x56x56x64xf32> to vector<56x56x64xf32>
    %swap3A_45 = vector.shape_cast %max3A_37 : vector<56x56x64xf32> to vector<1x1x56x56x64xf32>
    tpu.vector_store %arg3[%swap3A_38, %swap3A_39, %swap3A_40, %swap3A_41, %swap3A_42], %swap3A_45 {strides = array<i32>} : memref<1x4x56x56x64xf32, #tpu.memory_space<vmem>>, vector<1x1x56x56x64xf32>,
    %slice3A_46 = vector.extract_strided_slice %get3A_4 {offsets = [1, 1, 192], sizes = [56, 56, 64], strides = [1, 1, 1]} : vector<57x64x256xf32> to vector<56x56x64xf32>
    %add3A_47 = vector.broadcast %reshape3A : vector<1x1x64xf32> to vector<56x56x64xf32>
    %add3A_48 = arith.addf %slice3A_46, %add3A_47 : vector<56x56x64xf32>
    %max3A_49 = arith.constant 0.000000e+00 : f32
    %max3A_50 = vector.broadcast %max3A_49 : f32 to vector<56x56x64xf32>
    %max3A_51 = arith.maximumf %add3A_48, %max3A_50 : vector<56x56x64xf32>
    %swap3A_52 = arith.constant 0 : index
    %swap3A_53 = arith.constant 3 : index
    %swap3A_54 = arith.constant 0 : index
    %swap3A_55 = arith.constant 0 : index
    %swap3A_56 = arith.constant 0 : index
    %swap3A_57 = vector.load %arg3[%swap3A_52, %swap3A_53, %swap3A_54, %swap3A_55, %swap3A_56] : memref<1x4x56x56x64xf32, #tpu.memory_space<vmem>>, vector<1x1x56x56x64xf32>
    %swap3A_58 = vector.shape_cast %swap3A_57 : vector<1x1x56x56x64xf32> to vector<56x56x64xf32>
    %swap3A_59 = vector.shape_cast %max3A_51 : vector<56x56x64xf32> to vector<1x1x56x56x64xf32>
    tpu.vector_store %arg3[%swap3A_52, %swap3A_53, %swap3A_54, %swap3A_55, %swap3A_56], %swap3A_59 {strides = array<i32>} : memref<1x4x56x56x64xf32, #tpu.memory_space<vmem>>, vector<1x1x56x56x64xf32>,
    return
  }
  func.func @transform_0(%arg0: i32) -> (i32, i32, i32, i32) {
    %c0_i32 = arith.constant 0 : i32
    %c0_i32_0 = arith.constant 0 : i32
    %c0_i32_1 = arith.constant 0 : i32
    %c0_i32_2 = arith.constant 0 : i32
    return %arg0, %c0_i32, %c0_i32_0, %c0_i32_1 : i32, i32, i32, i32
  }
  func.func @transform_1(%arg0: i32) -> (i32, i32) {
    %c0_i32 = arith.constant 0 : i32
    %c0_i32_0 = arith.constant 0 : i32
    %c0_i32_1 = arith.constant 0 : i32
    return %c0_i32, %c0_i32_0 : i32, i32
  }
  func.func @transform_2(%arg0: i32) -> (i32, i32, i32, i32, i32) {
    %c0_i32 = arith.constant 0 : i32
    %c0_i32_0 = arith.constant 0 : i32
    %c0_i32_1 = arith.constant 0 : i32
    %c0_i32_2 = arith.constant 0 : i32
    %c0_i32_3 = arith.constant 0 : i32
    return %arg0, %c0_i32, %c0_i32_0, %c0_i32_1, %c0_i32_2 : i32, i32, i32, i32, i32
  }
}

module attributes {stable_mosaic.version = 14 : i64} {
  func.func @_t2_body(%arg0: i32, %arg1: i32, %arg2: memref<1x3x128x64xf32, #tpu.memory_space<vmem>>, %arg3: memref<1x3x128x64xf32, #tpu.memory_space<vmem>>, %arg4: memref<9x64x16xf32, #tpu.memory_space<vmem>>, %arg5: memref<1x16xf32, #tpu.memory_space<vmem>>, %arg6: memref<1x1x384x16xf32, #tpu.memory_space<vmem>>) attributes {dimension_semantics = [#tpu.dimension_semantics<arbitrary>, #tpu.dimension_semantics<arbitrary>], iteration_bounds = array<i64: 16, 38>, scalar_prefetch = 0 : i64, scratch_operands = 0 : i64, tpu.core_type = #tpu.core_type<tc>, window_params = [{transform_indices = @transform_0, window_bounds = array<i64: 1, 3, 128, 64>}, {transform_indices = @transform_1, window_bounds = array<i64: 1, 3, 128, 64>}, {pipeline_mode = #tpu.pipeline_mode<synchronous>, transform_indices = @transform_2, window_bounds = array<i64: 9, 64, 16>}, {pipeline_mode = #tpu.pipeline_mode<synchronous>, transform_indices = @transform_3, window_bounds = array<i64: 1, 16>}, {transform_indices = @transform_4, window_bounds = array<i64: 1, 1, 384, 16>}]} {
    %get3A = arith.constant 0 : index
    %get3A_0 = arith.constant 0 : index
    %get3A_1 = arith.constant 0 : index
    %get3A_2 = arith.constant 0 : index
    %get3A_3 = vector.load %arg2[%get3A, %get3A_0, %get3A_1, %get3A_2] : memref<1x3x128x64xf32, #tpu.memory_space<vmem>>, vector<1x3x128x64xf32>
    %get3A_4 = vector.shape_cast %get3A_3 : vector<1x3x128x64xf32> to vector<3x128x64xf32>
    %get3A_5 = arith.constant 0 : index
    %get3A_6 = arith.constant 0 : index
    %get3A_7 = arith.constant 0 : index
    %get3A_8 = arith.constant 0 : index
    %get3A_9 = vector.load %arg3[%get3A_5, %get3A_6, %get3A_7, %get3A_8] : memref<1x3x128x64xf32, #tpu.memory_space<vmem>>, vector<1x3x128x64xf32>
    %get3A_10 = vector.shape_cast %get3A_9 : vector<1x3x128x64xf32> to vector<3x128x64xf32>
    %concatenate3A = tpu.concatenate %get3A_4, %get3A_10 in 0 : vector<3x128x64xf32>, vector<3x128x64xf32> -> vector<6x128x64xf32>
    %reshape3A = vector.shape_cast %concatenate3A : vector<6x128x64xf32> to vector<768x64xf32>
    %get3A_11 = arith.constant 0 : index
    %get3A_12 = arith.constant 0 : index
    %get3A_13 = vector.load %arg5[%get3A_11, %get3A_12] : memref<1x16xf32, #tpu.memory_space<vmem>>, vector<1x16xf32>
    %broadcast_in_dim3A = vector.shape_cast %get3A_13 : vector<1x16xf32> to vector<1x16xf32>
    %broadcast_in_dim3A_14 = vector.broadcast %broadcast_in_dim3A : vector<1x16xf32> to vector<384x16xf32>
    %slice3A = vector.extract_strided_slice %reshape3A {offsets = [0, 0], sizes = [384, 64], strides = [1, 1]} : vector<768x64xf32> to vector<384x64xf32>
    %get3A_15 = arith.constant 0 : index
    %get3A_16 = arith.constant 0 : index
    %get3A_17 = arith.constant 0 : index
    %get3A_18 = vector.load %arg4[%get3A_15, %get3A_16, %get3A_17] : memref<9x64x16xf32, #tpu.memory_space<vmem>>, vector<1x64x16xf32>
    %get3A_19 = vector.shape_cast %get3A_18 : vector<1x64x16xf32> to vector<64x16xf32>
    %dot_general3A = arith.constant dense<0.000000e+00> : vector<384x16xf32>
    %dot_general3A_20 = tpu.matmul %slice3A, %get3A_19, %dot_general3A {dimension_numbers = #tpu.dot_dimension_numbers<[1], [0], [0], [1], [0, 0, 1, 1], [], []>, transpose_lhs_hint = false} : vector<384x64xf32>, vector<64x16xf32>, vector<384x16xf32> -> vector<384x16xf32>
    %add3A = arith.addf %broadcast_in_dim3A_14, %dot_general3A_20 : vector<384x16xf32>
    %slice3A_21 = vector.extract_strided_slice %reshape3A {offsets = [1, 0], sizes = [384, 64], strides = [1, 1]} : vector<768x64xf32> to vector<384x64xf32>
    %get3A_22 = arith.constant 1 : index
    %get3A_23 = arith.constant 0 : index
    %get3A_24 = arith.constant 0 : index
    %get3A_25 = vector.load %arg4[%get3A_22, %get3A_23, %get3A_24] : memref<9x64x16xf32, #tpu.memory_space<vmem>>, vector<1x64x16xf32>
    %get3A_26 = vector.shape_cast %get3A_25 : vector<1x64x16xf32> to vector<64x16xf32>
    %dot_general3A_27 = arith.constant dense<0.000000e+00> : vector<384x16xf32>
    %dot_general3A_28 = tpu.matmul %slice3A_21, %get3A_26, %dot_general3A_27 {dimension_numbers = #tpu.dot_dimension_numbers<[1], [0], [0], [1], [0, 0, 1, 1], [], []>, transpose_lhs_hint = false} : vector<384x64xf32>, vector<64x16xf32>, vector<384x16xf32> -> vector<384x16xf32>
    %add3A_29 = arith.addf %add3A, %dot_general3A_28 : vector<384x16xf32>
    %slice3A_30 = vector.extract_strided_slice %reshape3A {offsets = [2, 0], sizes = [384, 64], strides = [1, 1]} : vector<768x64xf32> to vector<384x64xf32>
    %get3A_31 = arith.constant 2 : index
    %get3A_32 = arith.constant 0 : index
    %get3A_33 = arith.constant 0 : index
    %get3A_34 = vector.load %arg4[%get3A_31, %get3A_32, %get3A_33] : memref<9x64x16xf32, #tpu.memory_space<vmem>>, vector<1x64x16xf32>
    %get3A_35 = vector.shape_cast %get3A_34 : vector<1x64x16xf32> to vector<64x16xf32>
    %dot_general3A_36 = arith.constant dense<0.000000e+00> : vector<384x16xf32>
    %dot_general3A_37 = tpu.matmul %slice3A_30, %get3A_35, %dot_general3A_36 {dimension_numbers = #tpu.dot_dimension_numbers<[1], [0], [0], [1], [0, 0, 1, 1], [], []>, transpose_lhs_hint = false} : vector<384x64xf32>, vector<64x16xf32>, vector<384x16xf32> -> vector<384x16xf32>
    %add3A_38 = arith.addf %add3A_29, %dot_general3A_37 : vector<384x16xf32>
    %slice3A_39 = vector.extract_strided_slice %reshape3A {offsets = [128, 0], sizes = [384, 64], strides = [1, 1]} : vector<768x64xf32> to vector<384x64xf32>
    %get3A_40 = arith.constant 3 : index
    %get3A_41 = arith.constant 0 : index
    %get3A_42 = arith.constant 0 : index
    %get3A_43 = vector.load %arg4[%get3A_40, %get3A_41, %get3A_42] : memref<9x64x16xf32, #tpu.memory_space<vmem>>, vector<1x64x16xf32>
    %get3A_44 = vector.shape_cast %get3A_43 : vector<1x64x16xf32> to vector<64x16xf32>
    %dot_general3A_45 = arith.constant dense<0.000000e+00> : vector<384x16xf32>
    %dot_general3A_46 = tpu.matmul %slice3A_39, %get3A_44, %dot_general3A_45 {dimension_numbers = #tpu.dot_dimension_numbers<[1], [0], [0], [1], [0, 0, 1, 1], [], []>, transpose_lhs_hint = false} : vector<384x64xf32>, vector<64x16xf32>, vector<384x16xf32> -> vector<384x16xf32>
    %add3A_47 = arith.addf %add3A_38, %dot_general3A_46 : vector<384x16xf32>
    %slice3A_48 = vector.extract_strided_slice %reshape3A {offsets = [129, 0], sizes = [384, 64], strides = [1, 1]} : vector<768x64xf32> to vector<384x64xf32>
    %get3A_49 = arith.constant 4 : index
    %get3A_50 = arith.constant 0 : index
    %get3A_51 = arith.constant 0 : index
    %get3A_52 = vector.load %arg4[%get3A_49, %get3A_50, %get3A_51] : memref<9x64x16xf32, #tpu.memory_space<vmem>>, vector<1x64x16xf32>
    %get3A_53 = vector.shape_cast %get3A_52 : vector<1x64x16xf32> to vector<64x16xf32>
    %dot_general3A_54 = arith.constant dense<0.000000e+00> : vector<384x16xf32>
    %dot_general3A_55 = tpu.matmul %slice3A_48, %get3A_53, %dot_general3A_54 {dimension_numbers = #tpu.dot_dimension_numbers<[1], [0], [0], [1], [0, 0, 1, 1], [], []>, transpose_lhs_hint = false} : vector<384x64xf32>, vector<64x16xf32>, vector<384x16xf32> -> vector<384x16xf32>
    %add3A_56 = arith.addf %add3A_47, %dot_general3A_55 : vector<384x16xf32>
    %slice3A_57 = vector.extract_strided_slice %reshape3A {offsets = [130, 0], sizes = [384, 64], strides = [1, 1]} : vector<768x64xf32> to vector<384x64xf32>
    %get3A_58 = arith.constant 5 : index
    %get3A_59 = arith.constant 0 : index
    %get3A_60 = arith.constant 0 : index
    %get3A_61 = vector.load %arg4[%get3A_58, %get3A_59, %get3A_60] : memref<9x64x16xf32, #tpu.memory_space<vmem>>, vector<1x64x16xf32>
    %get3A_62 = vector.shape_cast %get3A_61 : vector<1x64x16xf32> to vector<64x16xf32>
    %dot_general3A_63 = arith.constant dense<0.000000e+00> : vector<384x16xf32>
    %dot_general3A_64 = tpu.matmul %slice3A_57, %get3A_62, %dot_general3A_63 {dimension_numbers = #tpu.dot_dimension_numbers<[1], [0], [0], [1], [0, 0, 1, 1], [], []>, transpose_lhs_hint = false} : vector<384x64xf32>, vector<64x16xf32>, vector<384x16xf32> -> vector<384x16xf32>
    %add3A_65 = arith.addf %add3A_56, %dot_general3A_64 : vector<384x16xf32>
    %slice3A_66 = vector.extract_strided_slice %reshape3A {offsets = [256, 0], sizes = [384, 64], strides = [1, 1]} : vector<768x64xf32> to vector<384x64xf32>
    %get3A_67 = arith.constant 6 : index
    %get3A_68 = arith.constant 0 : index
    %get3A_69 = arith.constant 0 : index
    %get3A_70 = vector.load %arg4[%get3A_67, %get3A_68, %get3A_69] : memref<9x64x16xf32, #tpu.memory_space<vmem>>, vector<1x64x16xf32>
    %get3A_71 = vector.shape_cast %get3A_70 : vector<1x64x16xf32> to vector<64x16xf32>
    %dot_general3A_72 = arith.constant dense<0.000000e+00> : vector<384x16xf32>
    %dot_general3A_73 = tpu.matmul %slice3A_66, %get3A_71, %dot_general3A_72 {dimension_numbers = #tpu.dot_dimension_numbers<[1], [0], [0], [1], [0, 0, 1, 1], [], []>, transpose_lhs_hint = false} : vector<384x64xf32>, vector<64x16xf32>, vector<384x16xf32> -> vector<384x16xf32>
    %add3A_74 = arith.addf %add3A_65, %dot_general3A_73 : vector<384x16xf32>
    %slice3A_75 = vector.extract_strided_slice %reshape3A {offsets = [257, 0], sizes = [384, 64], strides = [1, 1]} : vector<768x64xf32> to vector<384x64xf32>
    %get3A_76 = arith.constant 7 : index
    %get3A_77 = arith.constant 0 : index
    %get3A_78 = arith.constant 0 : index
    %get3A_79 = vector.load %arg4[%get3A_76, %get3A_77, %get3A_78] : memref<9x64x16xf32, #tpu.memory_space<vmem>>, vector<1x64x16xf32>
    %get3A_80 = vector.shape_cast %get3A_79 : vector<1x64x16xf32> to vector<64x16xf32>
    %dot_general3A_81 = arith.constant dense<0.000000e+00> : vector<384x16xf32>
    %dot_general3A_82 = tpu.matmul %slice3A_75, %get3A_80, %dot_general3A_81 {dimension_numbers = #tpu.dot_dimension_numbers<[1], [0], [0], [1], [0, 0, 1, 1], [], []>, transpose_lhs_hint = false} : vector<384x64xf32>, vector<64x16xf32>, vector<384x16xf32> -> vector<384x16xf32>
    %add3A_83 = arith.addf %add3A_74, %dot_general3A_82 : vector<384x16xf32>
    %slice3A_84 = vector.extract_strided_slice %reshape3A {offsets = [258, 0], sizes = [384, 64], strides = [1, 1]} : vector<768x64xf32> to vector<384x64xf32>
    %get3A_85 = arith.constant 8 : index
    %get3A_86 = arith.constant 0 : index
    %get3A_87 = arith.constant 0 : index
    %get3A_88 = vector.load %arg4[%get3A_85, %get3A_86, %get3A_87] : memref<9x64x16xf32, #tpu.memory_space<vmem>>, vector<1x64x16xf32>
    %get3A_89 = vector.shape_cast %get3A_88 : vector<1x64x16xf32> to vector<64x16xf32>
    %dot_general3A_90 = arith.constant dense<0.000000e+00> : vector<384x16xf32>
    %dot_general3A_91 = tpu.matmul %slice3A_84, %get3A_89, %dot_general3A_90 {dimension_numbers = #tpu.dot_dimension_numbers<[1], [0], [0], [1], [0, 0, 1, 1], [], []>, transpose_lhs_hint = false} : vector<384x64xf32>, vector<64x16xf32>, vector<384x16xf32> -> vector<384x16xf32>
    %add3A_92 = arith.addf %add3A_83, %dot_general3A_91 : vector<384x16xf32>
    %swap3A = arith.constant 0 : index
    %swap3A_93 = arith.constant 0 : index
    %swap3A_94 = arith.constant 0 : index
    %swap3A_95 = arith.constant 0 : index
    %swap3A_96 = vector.load %arg6[%swap3A, %swap3A_93, %swap3A_94, %swap3A_95] : memref<1x1x384x16xf32, #tpu.memory_space<vmem>>, vector<1x1x384x16xf32>
    %swap3A_97 = vector.shape_cast %swap3A_96 : vector<1x1x384x16xf32> to vector<384x16xf32>
    %swap3A_98 = vector.shape_cast %add3A_92 : vector<384x16xf32> to vector<1x1x384x16xf32>
    tpu.vector_store %arg6[%swap3A, %swap3A_93, %swap3A_94, %swap3A_95], %swap3A_98 {strides = array<i32>} : memref<1x1x384x16xf32, #tpu.memory_space<vmem>>, vector<1x1x384x16xf32>,
    return
  }
  func.func @transform_0(%arg0: i32, %arg1: i32) -> (i32, i32, i32, i32) {
    %c0_i32 = arith.constant 0 : i32
    %c0_i32_0 = arith.constant 0 : i32
    %c0_i32_1 = arith.constant 0 : i32
    return %arg0, %arg1, %c0_i32, %c0_i32_0 : i32, i32, i32, i32
  }
  func.func @transform_1(%arg0: i32, %arg1: i32) -> (i32, i32, i32, i32) {
    %add3A = arith.constant 1 : i32
    %add3A_0 = arith.addi %arg1, %add3A : i32
    %c0_i32 = arith.constant 0 : i32
    %c0_i32_1 = arith.constant 0 : i32
    %c0_i32_2 = arith.constant 0 : i32
    return %arg0, %add3A_0, %c0_i32, %c0_i32_1 : i32, i32, i32, i32
  }
  func.func @transform_2(%arg0: i32, %arg1: i32) -> (i32, i32, i32) {
    %c0_i32 = arith.constant 0 : i32
    %c0_i32_0 = arith.constant 0 : i32
    %c0_i32_1 = arith.constant 0 : i32
    %c0_i32_2 = arith.constant 0 : i32
    return %c0_i32, %c0_i32_0, %c0_i32_1 : i32, i32, i32
  }
  func.func @transform_3(%arg0: i32, %arg1: i32) -> (i32, i32) {
    %c0_i32 = arith.constant 0 : i32
    %c0_i32_0 = arith.constant 0 : i32
    %c0_i32_1 = arith.constant 0 : i32
    return %c0_i32, %c0_i32_0 : i32, i32
  }
  func.func @transform_4(%arg0: i32, %arg1: i32) -> (i32, i32, i32, i32) {
    %c0_i32 = arith.constant 0 : i32
    %c0_i32_0 = arith.constant 0 : i32
    %c0_i32_1 = arith.constant 0 : i32
    return %arg0, %arg1, %c0_i32, %c0_i32_0 : i32, i32, i32, i32
  }
}

</mosaic_0001>

<sc_bundles>
// kernel: kernel.9.cloned.1.call-start
scs
__scs_entry_jumppad:
0x0: {  	(pc) =	sbr.rel $0x88, $3  }
0x1: {  	(tag) =	ssettag $0x0;
	lr =	simm.s32 $0x1  }
0x2: {  	[smem:$0x3F97] =	sst lr;
	_ =	strace $0xD0000000  }
0x3: {  	_ = 	snop  }
0x4: {  	_ = 	snop  }
0x5: {  	_ = 	snop  }
0x6: {  	_ = 	snop  }
0x7: {  	_ = 	snop  }
__scs_overlays_trampoline_lowered:
0x8: {  	[smem:$0x3FA6] =	sst s0  }
0x9: {  	[smem:$0x3FA7] =	sst s1  }
0xa: {  	[smem:$0x3FA8] =	sst s2  }
0xb: {  	[smem:$0x3FA9] =	sst s3  }
0xc: {  	[smem:$0x3FAA] =	sst s4  }
0xd: {  	[smem:$0x3FAB] =	sst s5  }
0xe: {  	[smem:$0x3FAC] =	sst s6  }
0xf: {  	[smem:$0x3FAD] =	sst s7  }
0x10: {  	[smem:$0x3FAE] =	sst s8  }
0x11: {  	[smem:$0x3FAF] =	sst s9;
	s0 =	simm.s32 @!p0 $0x0  }
0x12: {  	s1 =	sld [smem:$0x3F95];
	s0 =	simm.s32 @p0 $0x1  }
0x13: {  	[smem:$0x3FB0] =	sst s0;
	s0 =	simm.s32 @!p1 $0x0  }
0x14: {  	s2 =	sld [smem:$0x3F94];
	s0 =	simm.s32 @p1 $0x1  }
0x15: {  	[smem:$0x3FB1] =	sst s0;
	s0 =	simm.s32 @!p2 $0x0  }
0x16: {  	s3 =	sld [smem:$0x3FDB];
	s0 =	simm.s32 @p2 $0x1  }
0x17: {  	s4 =	simm.s32 $0x1BF5;
	[smem:$0x3FB3] =	sst s0  }
0x18: {  	s0 =	sld [smem:$0x3F96];
	_ =	swait.ge [sflag:s4], $0x0  }
0x19: {  	s7 =	sld [smem:$0x3F97]  }
0x1a: {  	s8 =	sadd.s32 $0xFFFFE003, lr  }
0x1b: {  	s9 =	sadd.s32 $0xFFFFFEF7, lr;
	s5 =	simm.s32 $0xFFFFFFFF;
	p2 =	slt.u32 s8, $0xFFFFF086  }
0x1c: {  	p1 =	slt.u32 s9, $0xF7A;
	s5 =	simm.s32 @!p2 $0x0  }
0x1d: {  	s5 =	simm.s32 @p1 $0x1;
	p0 =	seq.s32 s7, s2  }
0x1e: {  	s7 =	smul.u32 @!p0 $0xF7A, s2;
	p2 =	seq.s32 @!p0 s5, $0x0  }
0x1f: {  	s9 =	smul.u32 $0xF7A, s1;
	s8 =	simm.s32 @!p0 $0x1BF5;
	p2 =	por !p2, p0  }
0x20: {  	[sflag:s8] =	ssyncset.s32 @!p0 $0xFFFFF086;
	s6 =	sadd.s32 @!p0 s3, s7;
	s7 =	simm.s32 @!p0 $0x108  }
0x21: {  	s3 =	sadd.s32 s3, s9;
	s6 =	sadd.s32 @!p0 $0x88, s6;
	s7 =	simm.s32 @p2 $0x1082  }
0x22: {  	[simem:s7], [sflag:s8] =	dma.local @!p0 [hbm:s6], $0xF7A  }
0x23: {  	s9 =	sor.u32 $0xD0000000, s2;
	s6 =	simm.s32 $0x108;
	_ =	swait.ge @!p0 [sflag:s8], $0x0  }
0x24: {  	s3 =	sadd.s32 $0x88, s3;
	s6 =	simm.s32 @!p1 $0x1082;
	[sflag:s4] =	ssyncset.s32 $0xFFFFF086  }
0x25: {  	[simem:s6], [sflag:s4] =	dma.local [hbm:s3], $0xF7A  }
0x26: {  	[smem:$0x3F97] =	sst s1;
	(tag) =	ssettag s2;
	_ =	strace s9  }
0x27: {  	s1 =	sld [smem:$0x3FA7]  }
0x28: {  	s2 =	sld [smem:$0x3FA8]  }
0x29: {  	s4 =	sld [smem:$0x3FAA]  }
0x2a: {  	p0 =	seq.s32 s5, $0x0;
	s5 =	sld [smem:$0x3FAB]  }
0x2b: {  	s6 =	sld [smem:$0x3FAC]  }
0x2c: {  	s7 =	sld [smem:$0x3FAD]  }
0x2d: {  	s3 =	simm.s32 $0x108;
	s8 =	sld [smem:$0x3FAE]  }
0x2e: {  	s3 =	simm.s32 @!p0 $0x1082;
	s9 =	sld [smem:$0x3FAF]  }
0x2f: {  	lr =	sadd.s32 s0, s3;
	s0 =	sld [smem:$0x3FA6]  }
0x30: {  	s3 =	sld [smem:$0x3FA9]  }
0x31: {  	[smem:$0x3FB2] =	sst s10  }
0x32: {  	s10 =	sld [smem:$0x3FB0];
	_ =	sdelay $0x3  }
0x33: {  	p0 =	seq.s32 s10, $0x1;
	s10 =	sld [smem:$0x3FB2];
	_ =	sdelay $0x3  }
0x34: {  	[smem:$0x3FB2] =	sst s10  }
0x35: {  	s10 =	sld [smem:$0x3FB1];
	_ =	sdelay $0x3  }
0x36: {  	p1 =	seq.s32 s10, $0x1;
	s10 =	sld [smem:$0x3FB2];
	_ =	sdelay $0x3  }
0x37: {  	[smem:$0x3FB2] =	sst s10  }
0x38: {  	s10 =	sld [smem:$0x3FB3]  }
0x39: {  	_ = 	snop;
	(pc) =	sbr.ind lr, $3  }
0x3a: {  	_ = 	snop  }
0x3b: {  	_ = 	snop  }
0x3c: {  	p2 =	seq.s32 s10, $0x1;
	s10 =	sld [smem:$0x3FB2]  }
0x3d: {  	_ =	shalt  }
0x3e: {  	_ =	shalt  }
0x3f: {  	_ =	shalt  }
0x40: {  	_ =	shalt  }
0x41: {  	_ =	shalt  }
0x42: {  	_ =	shalt  }
0x43: {  	_ =	shalt  }
0x44: {  	_ =	shalt  }
0x45: {  	_ =	shalt  }
0x46: {  	_ =	shalt  }
0x47: {  	_ =	shalt  }
0x48: {  	_ =	shalt  }
0x49: {  	_ =	shalt  }
0x4a: {  	_ =	shalt  }
0x4b: {  	_ =	shalt  }
0x4c: {  	_ =	shalt  }
0x4d: {  	_ =	shalt  }
0x4e: {  	_ =	shalt  }
0x4f: {  	_ =	shalt  }
0x50: {  	_ =	shalt  }
0x51: {  	_ =	shalt  }
0x52: {  	_ =	shalt  }
0x53: {  	_ =	shalt  }
0x54: {  	_ =	shalt  }
0x55: {  	_ =	shalt  }
0x56: {  	_ =	shalt  }
0x57: {  	_ =	shalt  }
0x58: {  	_ =	shalt  }
0x59: {  	_ =	shalt  }
0x5a: {  	_ =	shalt  }
0x5b: {  	_ =	shalt  }
0x5c: {  	_ =	shalt  }
0x5d: {  	_ =	shalt  }
0x5e: {  	_ =	shalt  }
0x5f: {  	_ =	shalt  }
0x60: {  	_ =	shalt  }
0x61: {  	_ =	shalt  }
0x62: {  	_ =	shalt  }
0x63: {  	_ =	shalt  }
0x64: {  	_ =	shalt  }
0x65: {  	_ =	shalt  }
0x66: {  	_ =	shalt  }
0x67: {  	_ =	shalt  }
0x68: {  	_ =	shalt  }
0x69: {  	_ =	shalt  }
0x6a: {  	_ =	shalt  }
0x6b: {  	_ =	shalt  }
0x6c: {  	_ =	shalt  }
0x6d: {  	_ =	shalt  }
0x6e: {  	_ =	shalt  }
0x6f: {  	_ =	shalt  }
0x70: {  	_ =	shalt  }
0x71: {  	_ =	shalt  }
0x72: {  	_ =	shalt  }
0x73: {  	_ =	shalt  }
0x74: {  	_ =	shalt  }
0x75: {  	_ =	shalt  }
0x76: {  	_ =	shalt  }
0x77: {  	_ =	shalt  }
0x78: {  	_ =	shalt  }
0x79: {  	_ =	shalt  }
0x7a: {  	_ =	shalt  }
0x7b: {  	_ =	shalt  }
0x7c: {  	_ =	shalt  }
0x7d: {  	_ =	shalt  }
0x7e: {  	_ =	shalt  }
0x7f: {  	_ =	shalt  }
0x80: {  	_ =	shalt  }
0x81: {  	_ =	shalt  }
0x82: {  	_ =	shalt  }
0x83: {  	_ =	shalt  }
0x84: {  	_ =	shalt  }
0x85: {  	_ =	shalt  }
0x86: {  	_ =	shalt  }
0x87: {  	_ =	shalt  }
.Lfunc_end0:
.L_simem_size_0:
called_computation.2_lowered:
.L_overlay_start_0:
0x88: {  	s2 =	sld [smem:$0x3FD9]  }
0x89: {  	s3 =	sld [smem:$0x3FFE];
	_ =	sdelay $0x1  }
0x8a: {  	s1 =	srdreg.scid  }
0x8b: {  	s0 =	sand.u32 $0x1, s1  }
0x8c: {  	s14 =	sshll.u32 s0, $0xA;
	s2 =	sadd.s32 s3, s2  }
0x8d: {  	s2 =	sadd.s32 s2, s14  }
0x8e: {  	[smem:$0x3FBE] =	sst s2  }
0x8f: {  	_ = 	snop  }
0x90: {  	s2 =	sld [smem:$0x3FD0];
	_ =	sdelay $0x2  }
0x91: {  	s15 =	simm.s32 $0xA;
	s4 =	simm.s32 $0x10  }
0x92: {  	[smem:s4], [sflag:s15] =	dma.local [hbm:s2], $0x1  }
0x93: {  	_ =	swait.eq [sflag:s15], $0x1  }
0x94: {  	[sflag:s15] =	ssyncset.done $0x0  }
0x95: {  	s16 =	sld [smem:$0x10];
	[sflag:s15] =	ssyncadd.s32 $0xFFFFFFFF  }
0x96: {  	s17 =	sld [smem:$0x13];
	(tm) =	ssettm $0x1  }
0x97: {  	s18 =	sld [smem:$0x3FFB];
	_ =	sdelay $0x3  }
0x98: {  	_ =	strace s18  }
0x99: {  	s4 =	sld [smem:$0x3FFC];
	_ =	sdelay $0x3  }
0x9a: {  	_ =	strace s4  }
0x9b: {  	s4 =	sld [smem:$0x3FFD];
	_ =	sdelay $0x3  }
0x9c: {  	_ =	strace s4  }
0x9d: {  	_ =	strace $0x8FFFFFFF  }
0x9e: {  	s19 =	sld [smem:$0x3FDB];
	_ =	sdelay $0x1  }
0x9f: {  	s5 =	simm.s32 $_scs_section_size  }
0xa0: {  	s6 =	simm.s32 $_size__tile_overlayer_lowered;
	s7 =	simm.s32 $_tile_overlayer_lowered  }
0xa1: {  	s22 =	simm.s32 $0x1BFF;
	s21 =	sshll.u32 s7, $0x1;
	s4 =	sadd.s32 s5, s19  }
0xa2: {  	s8 =	simm.s32 $0x0;
	s20 =	sshll.u32 s6, $0x1;
	s6 =	sadd.s32 s21, s4  }
0xa3: {  	[timem:s8], [sflag:s22] =	dma.local [hbm:s6], s20  }
0xa4: {  	_ =	swait.ge [sflag:s22], s20  }
0xa5: {  	s5 =	ssub.s32 $0x0, s20;
	[sflag:s22] =	ssyncset.done $0x0  }
0xa6: {  	[sflag:s22] =	ssyncadd.s32 s5;
	_ =	sdelay $0x1  }
0xa7: {  	s23 =	simm.s32 $0x1B8B  }
0xa8: {  	_ =	swait.ge [sflag:s23], $0x1  }
0xa9: {  	[sflag:s23] =	ssyncset.done $0x0  }
0xaa: {  	s25 =	simm.s32 $0x1B8E;
	s24 =	sld [smem:$0x3FFE];
	[sflag:s23] =	ssyncadd.s32 $0xFFFFFFFF  }
0xab: {  	s26 =	simm.s32 $execute0_lowered;
	[smem:$0x3FD2] =	sst s25  }
0xac: {  	s6 =	sshll.u32 s26, $0x1;
	_ =	strace $0x80000049;
	[dreg:$0x1] =	wrdreg $0xFFFFFFFF  }
0xad: {  	s28 =	simm.s32 $_size_execute0_lowered;
	s4 =	sadd.s32 s4, s6;
	[dreg:$0x0] =	wrdreg $0x0  }
0xae: {  	s6 =	sshll.u32 s28, $0x1;
	[dreg:$0x2] =	wrdreg s4  }
0xaf: {  	[dreg:$0x3] =	wrdreg s6  }
0xb0: {  	[dreg:$0x4] =	wrdreg $0xC0  }
0xb1: {  	_ =	task [dreg:s8], $0x5FFFF  }
0xb2: {  	[dreg:$0x1] =	wrdreg $0xFFFFFFFF  }
0xb3: {  	[dreg:$0x0] =	wrdreg $0x60  }
0xb4: {  	[dreg:$0x2] =	wrdreg s17  }
0xb5: {  	[dreg:$0x3] =	wrdreg s16  }
0xb6: {  	[dreg:$0x4] =	wrdreg s24  }
0xb7: {  	[dreg:$0x5] =	wrdreg $0x9  }
0xb8: {  	_ =	task.clear_ibuf [dreg:s8], $0x6FFFF;
	_ =	strace $0x90000049  }
0xb9: {  	s29 =	simm.s32 $0x9;
	_ =	strace $0x8000004B  }
0xba: {  	_ =	swait.ge [sflag:s29], $0x1  }
0xbb: {  	[sflag:s29] =	ssyncadd.s32 $0xFFFFFFFF  }
0xbc: {  	_ =	strace $0x9000004B  }
0xbd: {  	_ =	sfence  }
0xbe: {  	s30 =	sld [smem:$0x0];
	_ =	sdelay $0x2  }
0xbf: {  	s31 =	sshll.u32 s1, $0xD;
	s1 =	sshrl.u32 s1, $0x2  }
0xc0: {  	s3 =	sand.u32 $0x4000, s31;
	s1 =	sadd.s32 s1, s30  }
0xc1: {  	s0 =	sor.u32 s3, s0;
	s1 =	sshll.u32 s1, $0x11  }
0xc2: {  	s0 =	sor.u32 s1, s0  }
0xc3: {  	s0 =	sadd.s32 $0x8F2B, s0  }
0xc4: {  	[sflag:s0] =	ssyncadd.remote.s32 $0x1  }
0xc5: {  	_ =	sfence.sel $0xFFFF  }
0xc6: {  	[dreg:$0x0] =	wrdreg $0xFFFFFFFF;
	(pc) =	sbr.abs _section_cstart, $3  }
0xc7: {  	[dreg:$0x1] =	wrdreg $0xFFFFFFFF  }
0xc8: {  	_ =	task.clear_ibuf [dreg:s8], $0x2FFFF;
	_ =	strace $0x9FFFFFFF  }
0xc9: {  	(tm) =	ssettm $0x7FFFFFFF  }
tec
execute0_lowered:
.L_overlay_start_1:
0x0: {  	(tag) =	ssettag $0x1  }
0x1: {  	s1 =	rddreg [dreg:$0x0]  }
0x2: {  	s4 =	rddreg [dreg:$0x1]  }
0x3: {  	s5 =	rddreg [dreg:$0x2]  }
0x4: {  	s0 =	rddreg [dreg:$0x3];
	s3 =	simm.s32 $0x0  }
0x5: {  	s6 =	srdreg.scid;
	s2 =	stileid.u32;
	s12 =	simm.s32 $0x0  }
0x6: {  	[smem:$0x7FF] =	sst s3;
	s6 =	sand.u32 $0x1, s6;
	s7 =	sshll.u32 s2, $0x1  }
0x7: {  	s8 =	sshrl.u32 s2, $0x2;
	s5 =	sadd.s32 $0x5400, s5;
	_ =	strace $0x8000004A  }
0x8: {  	s7 =	sor.u32 s6, s7;
	s8 =	smul.u32 $0x3400, s8;
	s6 =	ssub.s32 $0x2, s6  }
0x9: {  	s9 =	sshll.u32 s7, $0x7;
	s10 =	smul.u32 $0x18800, s7;
	s11 =	sshrl.u32 s6, $0x1  }
0xa: {  	s7 =	smul.u32 $0x3100, s7;
	s9 =	sand.u32 $0x380, s9;
	s29 =	ssub.s32 s6, s11  }
0xb: {  	s11 =	simm.s32 $0x10680;
	s8 =	sor.u32 s8, s9;
	s28 =	sshrl.u32 s10, $0x3  }
0xc: {  	s9 =	simm.s32 $0x80;
	s10 =	simm.s32 $0x400;
	s30 =	sshrl.u32 s8, $0x3  }
0xd: {  	v0 =	vlaneseq.u32;
	s31 =	sadd.s32 s5, s28;
	s5 =	sadd.s32 s5, s7;
	s7 =	smax.u32 s29, $0x1  }
0xe: {  	v0 =	vmul.u32 $0x40, v0;
	s8 =	simm.s32 $0x1;
	s4 =	sadd.s32 s4, s30;
	s6 =	sadd.s32 $0x1880, s31  }
.LBB2_1:
0xf: {  	[tilespmem:s3], [sflag:$0x1] =	stream.linear.gather [hbm4b:s1+s3], $0x10000, $0x38;
	[tilespmem:$0x1CA80] =	vst v63  }
0x10: {  	_ =	swait.ge [sflag:s8], $0x10000  }
0x11: {  	[sflag:s8] =	ssyncset.done $0x0  }
0x12: {  	s13 =	simm.s32 $0x10000;
	[sflag:s8] =	ssyncadd.s32 $0xFFFF0000  }
0x13: {  	[tilespmem:s13], [sflag:$0x1] =	stream.strided.gather [hbm4b:s4+s9], $0x680, s10, s9, $0x38;
	[tilespmem:$0x1CA80] =	vst v63  }
0x14: {  	_ =	swait.ge [sflag:s8], $0x680  }
0x15: {  	[sflag:s8] =	ssyncset.done $0x0  }
0x16: {  	s14 =	simm.s32 $0x0;
	[sflag:s8] =	ssyncadd.s32 $0xFFFFF980  }
.LBB2_2:
0x17: {  	v1 =	vld [tilespmem:s13+$0x0];
	_ =	sdelay $0x4  }
0x18: {  	v1 =	vshll.u32 v1, $0x6;
	_ =	sdelay $0x2  }
0x19: {  	v2 =	vmov s14  }
0x1a: {  	v2 =	vshll.u32 v2, $0x6  }
0x1b: {  	v2 =	vor.u32 v0, v2;
	v3 =	vld.idx.msk [tilespmem:v1+s3+$0x0], $0xffff  }
0x1c: {  	v4 =	vor.u32 $0x1, v1;
	_ =	sdelay $0x3  }
0x1d: {  	[tilespmem:v2+s11+$0x0] =	vst.idx.msk $0xffff, v3  }
0x1e: {  	v54 =	vor.u32 $0x1, v2;
	v3 =	vld.idx.msk [tilespmem:v4+s3+$0x0], $0xffff  }
0x1f: {  	v5 =	vor.u32 $0x2, v1;
	_ =	sdelay $0x3  }
0x20: {  	[tilespmem:v54+s11+$0x0] =	vst.idx.msk $0xffff, v3  }
0x21: {  	v55 =	vor.u32 $0x2, v2;
	v3 =	vld.idx.msk [tilespmem:v5+s3+$0x0], $0xffff  }
0x22: {  	v56 =	vor.u32 $0x3, v1;
	_ =	sdelay $0x3  }
0x23: {  	[tilespmem:v55+s11+$0x0] =	vst.idx.msk $0xffff, v3  }
0x24: {  	v57 =	vor.u32 $0x3, v2;
	v3 =	vld.idx.msk [tilespmem:v56+s3+$0x0], $0xffff  }
0x25: {  	v58 =	vor.u32 $0x4, v1;
	_ =	sdelay $0x3  }
0x26: {  	[tilespmem:v57+s11+$0x0] =	vst.idx.msk $0xffff, v3  }
0x27: {  	v59 =	vor.u32 $0x4, v2;
	v3 =	vld.idx.msk [tilespmem:v58+s3+$0x0], $0xffff  }
0x28: {  	v60 =	vor.u32 $0x5, v1;
	_ =	sdelay $0x3  }
0x29: {  	[tilespmem:v59+s11+$0x0] =	vst.idx.msk $0xffff, v3  }
0x2a: {  	v61 =	vor.u32 $0x5, v2;
	v3 =	vld.idx.msk [tilespmem:v60+s3+$0x0], $0xffff  }
0x2b: {  	v62 =	vor.u32 $0x6, v1;
	_ =	sdelay $0x3  }
0x2c: {  	[tilespmem:v61+s11+$0x0] =	vst.idx.msk $0xffff, v3  }
0x2d: {  	v63 =	vor.u32 $0x6, v2;
	v3 =	vld.idx.msk [tilespmem:v62+s3+$0x0], $0xffff  }
0x2e: {  	v8 =	vor.u32 $0x7, v1;
	_ =	sdelay $0x3  }
0x2f: {  	[tilespmem:v63+s11+$0x0] =	vst.idx.msk $0xffff, v3  }
0x30: {  	v9 =	vor.u32 $0x7, v2;
	v3 =	vld.idx.msk [tilespmem:v8+s3+$0x0], $0xffff  }
0x31: {  	v10 =	vor.u32 $0x8, v1;
	_ =	sdelay $0x3  }
0x32: {  	[tilespmem:v9+s11+$0x0] =	vst.idx.msk $0xffff, v3  }
0x33: {  	v11 =	vor.u32 $0x8, v2;
	v3 =	vld.idx.msk [tilespmem:v10+s3+$0x0], $0xffff  }
0x34: {  	v12 =	vor.u32 $0x9, v1;
	_ =	sdelay $0x3  }
0x35: {  	[tilespmem:v11+s11+$0x0] =	vst.idx.msk $0xffff, v3  }
0x36: {  	v13 =	vor.u32 $0x9, v2;
	v3 =	vld.idx.msk [tilespmem:v12+s3+$0x0], $0xffff  }
0x37: {  	v14 =	vor.u32 $0xA, v1;
	_ =	sdelay $0x3  }
0x38: {  	[tilespmem:v13+s11+$0x0] =	vst.idx.msk $0xffff, v3  }
0x39: {  	v15 =	vor.u32 $0xA, v2;
	v3 =	vld.idx.msk [tilespmem:v14+s3+$0x0], $0xffff  }
0x3a: {  	v16 =	vor.u32 $0xB, v1;
	_ =	sdelay $0x3  }
0x3b: {  	[tilespmem:v15+s11+$0x0] =	vst.idx.msk $0xffff, v3  }
0x3c: {  	v17 =	vor.u32 $0xB, v2;
	v3 =	vld.idx.msk [tilespmem:v16+s3+$0x0], $0xffff  }
0x3d: {  	v18 =	vor.u32 $0xC, v1;
	_ =	sdelay $0x3  }
0x3e: {  	[tilespmem:v17+s11+$0x0] =	vst.idx.msk $0xffff, v3  }
0x3f: {  	v19 =	vor.u32 $0xC, v2;
	v3 =	vld.idx.msk [tilespmem:v18+s3+$0x0], $0xffff  }
0x40: {  	v20 =	vor.u32 $0xD, v1;
	_ =	sdelay $0x3  }
0x41: {  	[tilespmem:v19+s11+$0x0] =	vst.idx.msk $0xffff, v3  }
0x42: {  	v21 =	vor.u32 $0xD, v2;
	v3 =	vld.idx.msk [tilespmem:v20+s3+$0x0], $0xffff  }
0x43: {  	v22 =	vor.u32 $0xE, v1;
	_ =	sdelay $0x3  }
0x44: {  	[tilespmem:v21+s11+$0x0] =	vst.idx.msk $0xffff, v3  }
0x45: {  	v23 =	vor.u32 $0xE, v2;
	v3 =	vld.idx.msk [tilespmem:v22+s3+$0x0], $0xffff  }
0x46: {  	v24 =	vor.u32 $0xF, v1;
	_ =	sdelay $0x3  }
0x47: {  	[tilespmem:v23+s11+$0x0] =	vst.idx.msk $0xffff, v3  }
0x48: {  	v25 =	vor.u32 $0xF, v2;
	v3 =	vld.idx.msk [tilespmem:v24+s3+$0x0], $0xffff  }
0x49: {  	v26 =	vor.u32 $0x10, v1;
	_ =	sdelay $0x3  }
0x4a: {  	[tilespmem:v25+s11+$0x0] =	vst.idx.msk $0xffff, v3  }
0x4b: {  	v27 =	vor.u32 $0x10, v2;
	v3 =	vld.idx.msk [tilespmem:v26+s3+$0x0], $0xffff  }
0x4c: {  	v28 =	vor.u32 $0x11, v1;
	_ =	sdelay $0x3  }
0x4d: {  	[tilespmem:v27+s11+$0x0] =	vst.idx.msk $0xffff, v3  }
0x4e: {  	v29 =	vor.u32 $0x11, v2;
	v3 =	vld.idx.msk [tilespmem:v28+s3+$0x0], $0xffff  }
0x4f: {  	v30 =	vor.u32 $0x12, v1;
	_ =	sdelay $0x3  }
0x50: {  	[tilespmem:v29+s11+$0x0] =	vst.idx.msk $0xffff, v3  }
0x51: {  	v31 =	vor.u32 $0x12, v2;
	v3 =	vld.idx.msk [tilespmem:v30+s3+$0x0], $0xffff  }
0x52: {  	v32 =	vor.u32 $0x13, v1;
	_ =	sdelay $0x3  }
0x53: {  	[tilespmem:v31+s11+$0x0] =	vst.idx.msk $0xffff, v3  }
0x54: {  	v33 =	vor.u32 $0x13, v2;
	v3 =	vld.idx.msk [tilespmem:v32+s3+$0x0], $0xffff  }
0x55: {  	v34 =	vor.u32 $0x14, v1;
	_ =	sdelay $0x3  }
0x56: {  	[tilespmem:v33+s11+$0x0] =	vst.idx.msk $0xffff, v3  }
0x57: {  	v35 =	vor.u32 $0x14, v2;
	v3 =	vld.idx.msk [tilespmem:v34+s3+$0x0], $0xffff  }
0x58: {  	v36 =	vor.u32 $0x15, v1;
	_ =	sdelay $0x3  }
0x59: {  	[tilespmem:v35+s11+$0x0] =	vst.idx.msk $0xffff, v3  }
0x5a: {  	v37 =	vor.u32 $0x15, v2;
	v3 =	vld.idx.msk [tilespmem:v36+s3+$0x0], $0xffff  }
0x5b: {  	v38 =	vor.u32 $0x16, v1;
	_ =	sdelay $0x3  }
0x5c: {  	[tilespmem:v37+s11+$0x0] =	vst.idx.msk $0xffff, v3  }
0x5d: {  	v39 =	vor.u32 $0x16, v2;
	v3 =	vld.idx.msk [tilespmem:v38+s3+$0x0], $0xffff  }
0x5e: {  	v40 =	vor.u32 $0x17, v1;
	_ =	sdelay $0x3  }
0x5f: {  	[tilespmem:v39+s11+$0x0] =	vst.idx.msk $0xffff, v3  }
0x60: {  	v41 =	vor.u32 $0x17, v2;
	v3 =	vld.idx.msk [tilespmem:v40+s3+$0x0], $0xffff  }
0x61: {  	v42 =	vor.u32 $0x18, v1;
	_ =	sdelay $0x3  }
0x62: {  	[tilespmem:v41+s11+$0x0] =	vst.idx.msk $0xffff, v3  }
0x63: {  	v43 =	vor.u32 $0x18, v2;
	v3 =	vld.idx.msk [tilespmem:v42+s3+$0x0], $0xffff  }
0x64: {  	v44 =	vor.u32 $0x19, v1;
	_ =	sdelay $0x3  }
0x65: {  	[tilespmem:v43+s11+$0x0] =	vst.idx.msk $0xffff, v3  }
0x66: {  	v45 =	vor.u32 $0x19, v2;
	v3 =	vld.idx.msk [tilespmem:v44+s3+$0x0], $0xffff  }
0x67: {  	v46 =	vor.u32 $0x1A, v1;
	_ =	sdelay $0x3  }
0x68: {  	[tilespmem:v45+s11+$0x0] =	vst.idx.msk $0xffff, v3  }
0x69: {  	v47 =	vor.u32 $0x1A, v2;
	v3 =	vld.idx.msk [tilespmem:v46+s3+$0x0], $0xffff  }
0x6a: {  	v48 =	vor.u32 $0x1B, v1;
	_ =	sdelay $0x3  }
0x6b: {  	[tilespmem:v47+s11+$0x0] =	vst.idx.msk $0xffff, v3  }
0x6c: {  	v49 =	vor.u32 $0x1B, v2;
	v3 =	vld.idx.msk [tilespmem:v48+s3+$0x0], $0xffff  }
0x6d: {  	v50 =	vor.u32 $0x1C, v1;
	_ =	sdelay $0x3  }
0x6e: {  	[tilespmem:v49+s11+$0x0] =	vst.idx.msk $0xffff, v3  }
0x6f: {  	v51 =	vor.u32 $0x1C, v2;
	v3 =	vld.idx.msk [tilespmem:v50+s3+$0x0], $0xffff  }
0x70: {  	v52 =	vor.u32 $0x1D, v1;
	_ =	sdelay $0x3  }
0x71: {  	[tilespmem:v51+s11+$0x0] =	vst.idx.msk $0xffff, v3  }
0x72: {  	v53 =	vor.u32 $0x1D, v2;
	v3 =	vld.idx.msk [tilespmem:v52+s3+$0x0], $0xffff  }
0x73: {  	v54 =	vor.u32 $0x1E, v1;
	_ =	sdelay $0x3  }
0x74: {  	[tilespmem:v53+s11+$0x0] =	vst.idx.msk $0xffff, v3  }
0x75: {  	v55 =	vor.u32 $0x1E, v2;
	v3 =	vld.idx.msk [tilespmem:v54+s3+$0x0], $0xffff  }
0x76: {  	v56 =	vor.u32 $0x1F, v1;
	_ =	sdelay $0x3  }
0x77: {  	[tilespmem:v55+s11+$0x0] =	vst.idx.msk $0xffff, v3  }
0x78: {  	v57 =	vor.u32 $0x1F, v2;
	v3 =	vld.idx.msk [tilespmem:v56+s3+$0x0], $0xffff  }
0x79: {  	v58 =	vor.u32 $0x20, v1;
	_ =	sdelay $0x3  }
0x7a: {  	[tilespmem:v57+s11+$0x0] =	vst.idx.msk $0xffff, v3  }
0x7b: {  	v59 =	vor.u32 $0x20, v2;
	v3 =	vld.idx.msk [tilespmem:v58+s3+$0x0], $0xffff  }
0x7c: {  	v60 =	vor.u32 $0x21, v1;
	_ =	sdelay $0x3  }
0x7d: {  	[tilespmem:v59+s11+$0x0] =	vst.idx.msk $0xffff, v3  }
0x7e: {  	v61 =	vor.u32 $0x21, v2;
	v3 =	vld.idx.msk [tilespmem:v60+s3+$0x0], $0xffff  }
0x7f: {  	v62 =	vor.u32 $0x22, v1;
	_ =	sdelay $0x3  }
0x80: {  	[tilespmem:v61+s11+$0x0] =	vst.idx.msk $0xffff, v3  }
0x81: {  	v63 =	vor.u32 $0x22, v2;
	v3 =	vld.idx.msk [tilespmem:v62+s3+$0x0], $0xffff  }
0x82: {  	v8 =	vor.u32 $0x23, v1;
	_ =	sdelay $0x3  }
0x83: {  	[tilespmem:v63+s11+$0x0] =	vst.idx.msk $0xffff, v3  }
0x84: {  	v9 =	vor.u32 $0x23, v2;
	v3 =	vld.idx.msk [tilespmem:v8+s3+$0x0], $0xffff  }
0x85: {  	v10 =	vor.u32 $0x24, v1;
	_ =	sdelay $0x3  }
0x86: {  	[tilespmem:v9+s11+$0x0] =	vst.idx.msk $0xffff, v3  }
0x87: {  	v11 =	vor.u32 $0x24, v2;
	v3 =	vld.idx.msk [tilespmem:v10+s3+$0x0], $0xffff  }
0x88: {  	v12 =	vor.u32 $0x25, v1;
	_ =	sdelay $0x3  }
0x89: {  	[tilespmem:v11+s11+$0x0] =	vst.idx.msk $0xffff, v3  }
0x8a: {  	v13 =	vor.u32 $0x25, v2;
	v3 =	vld.idx.msk [tilespmem:v12+s3+$0x0], $0xffff  }
0x8b: {  	v14 =	vor.u32 $0x26, v1;
	_ =	sdelay $0x3  }
0x8c: {  	[tilespmem:v13+s11+$0x0] =	vst.idx.msk $0xffff, v3  }
0x8d: {  	v15 =	vor.u32 $0x26, v2;
	v3 =	vld.idx.msk [tilespmem:v14+s3+$0x0], $0xffff  }
0x8e: {  	v16 =	vor.u32 $0x27, v1;
	_ =	sdelay $0x3  }
0x8f: {  	[tilespmem:v15+s11+$0x0] =	vst.idx.msk $0xffff, v3  }
0x90: {  	v17 =	vor.u32 $0x27, v2;
	v3 =	vld.idx.msk [tilespmem:v16+s3+$0x0], $0xffff  }
0x91: {  	v18 =	vor.u32 $0x28, v1;
	_ =	sdelay $0x3  }
0x92: {  	[tilespmem:v17+s11+$0x0] =	vst.idx.msk $0xffff, v3  }
0x93: {  	v19 =	vor.u32 $0x28, v2;
	v3 =	vld.idx.msk [tilespmem:v18+s3+$0x0], $0xffff  }
0x94: {  	v20 =	vor.u32 $0x29, v1;
	_ =	sdelay $0x3  }
0x95: {  	[tilespmem:v19+s11+$0x0] =	vst.idx.msk $0xffff, v3  }
0x96: {  	v21 =	vor.u32 $0x29, v2;
	v3 =	vld.idx.msk [tilespmem:v20+s3+$0x0], $0xffff  }
0x97: {  	v22 =	vor.u32 $0x2A, v1;
	_ =	sdelay $0x3  }
0x98: {  	[tilespmem:v21+s11+$0x0] =	vst.idx.msk $0xffff, v3  }
0x99: {  	v23 =	vor.u32 $0x2A, v2;
	v3 =	vld.idx.msk [tilespmem:v22+s3+$0x0], $0xffff  }
0x9a: {  	v24 =	vor.u32 $0x2B, v1;
	_ =	sdelay $0x3  }
0x9b: {  	[tilespmem:v23+s11+$0x0] =	vst.idx.msk $0xffff, v3  }
0x9c: {  	v25 =	vor.u32 $0x2B, v2;
	v3 =	vld.idx.msk [tilespmem:v24+s3+$0x0], $0xffff  }
0x9d: {  	v26 =	vor.u32 $0x2C, v1;
	_ =	sdelay $0x3  }
0x9e: {  	[tilespmem:v25+s11+$0x0] =	vst.idx.msk $0xffff, v3  }
0x9f: {  	v27 =	vor.u32 $0x2C, v2;
	v3 =	vld.idx.msk [tilespmem:v26+s3+$0x0], $0xffff  }
0xa0: {  	v28 =	vor.u32 $0x2D, v1;
	_ =	sdelay $0x3  }
0xa1: {  	[tilespmem:v27+s11+$0x0] =	vst.idx.msk $0xffff, v3  }
0xa2: {  	v29 =	vor.u32 $0x2D, v2;
	v3 =	vld.idx.msk [tilespmem:v28+s3+$0x0], $0xffff  }
0xa3: {  	v30 =	vor.u32 $0x2E, v1;
	_ =	sdelay $0x3  }
0xa4: {  	[tilespmem:v29+s11+$0x0] =	vst.idx.msk $0xffff, v3  }
0xa5: {  	v31 =	vor.u32 $0x2E, v2;
	v3 =	vld.idx.msk [tilespmem:v30+s3+$0x0], $0xffff  }
0xa6: {  	v32 =	vor.u32 $0x2F, v1;
	_ =	sdelay $0x3  }
0xa7: {  	[tilespmem:v31+s11+$0x0] =	vst.idx.msk $0xffff, v3  }
0xa8: {  	v33 =	vor.u32 $0x2F, v2;
	v3 =	vld.idx.msk [tilespmem:v32+s3+$0x0], $0xffff  }
0xa9: {  	v34 =	vor.u32 $0x30, v1;
	_ =	sdelay $0x3  }
0xaa: {  	[tilespmem:v33+s11+$0x0] =	vst.idx.msk $0xffff, v3  }
0xab: {  	v35 =	vor.u32 $0x30, v2;
	v3 =	vld.idx.msk [tilespmem:v34+s3+$0x0], $0xffff  }
0xac: {  	v36 =	vor.u32 $0x31, v1;
	_ =	sdelay $0x3  }
0xad: {  	[tilespmem:v35+s11+$0x0] =	vst.idx.msk $0xffff, v3  }
0xae: {  	v37 =	vor.u32 $0x31, v2;
	v3 =	vld.idx.msk [tilespmem:v36+s3+$0x0], $0xffff  }
0xaf: {  	v38 =	vor.u32 $0x32, v1;
	_ =	sdelay $0x3  }
0xb0: {  	[tilespmem:v37+s11+$0x0] =	vst.idx.msk $0xffff, v3  }
0xb1: {  	v39 =	vor.u32 $0x32, v2;
	v3 =	vld.idx.msk [tilespmem:v38+s3+$0x0], $0xffff  }
0xb2: {  	v40 =	vor.u32 $0x33, v1;
	_ =	sdelay $0x3  }
0xb3: {  	[tilespmem:v39+s11+$0x0] =	vst.idx.msk $0xffff, v3  }
0xb4: {  	v41 =	vor.u32 $0x33, v2;
	v3 =	vld.idx.msk [tilespmem:v40+s3+$0x0], $0xffff  }
0xb5: {  	v42 =	vor.u32 $0x34, v1;
	_ =	sdelay $0x3  }
0xb6: {  	[tilespmem:v41+s11+$0x0] =	vst.idx.msk $0xffff, v3  }
0xb7: {  	v43 =	vor.u32 $0x34, v2;
	v3 =	vld.idx.msk [tilespmem:v42+s3+$0x0], $0xffff  }
0xb8: {  	v44 =	vor.u32 $0x35, v1;
	_ =	sdelay $0x3  }
0xb9: {  	[tilespmem:v43+s11+$0x0] =	vst.idx.msk $0xffff, v3  }
0xba: {  	v45 =	vor.u32 $0x35, v2;
	v3 =	vld.idx.msk [tilespmem:v44+s3+$0x0], $0xffff  }
0xbb: {  	v46 =	vor.u32 $0x36, v1;
	_ =	sdelay $0x3  }
0xbc: {  	[tilespmem:v45+s11+$0x0] =	vst.idx.msk $0xffff, v3  }
0xbd: {  	v47 =	vor.u32 $0x36, v2;
	v3 =	vld.idx.msk [tilespmem:v46+s3+$0x0], $0xffff  }
0xbe: {  	v48 =	vor.u32 $0x37, v1;
	_ =	sdelay $0x3  }
0xbf: {  	[tilespmem:v47+s11+$0x0] =	vst.idx.msk $0xffff, v3  }
0xc0: {  	v49 =	vor.u32 $0x37, v2;
	v3 =	vld.idx.msk [tilespmem:v48+s3+$0x0], $0xffff  }
0xc1: {  	v50 =	vor.u32 $0x38, v1;
	_ =	sdelay $0x3  }
0xc2: {  	[tilespmem:v49+s11+$0x0] =	vst.idx.msk $0xffff, v3  }
0xc3: {  	v51 =	vor.u32 $0x38, v2;
	v3 =	vld.idx.msk [tilespmem:v50+s3+$0x0], $0xffff  }
0xc4: {  	v52 =	vor.u32 $0x39, v1;
	_ =	sdelay $0x3  }
0xc5: {  	[tilespmem:v51+s11+$0x0] =	vst.idx.msk $0xffff, v3  }
0xc6: {  	v53 =	vor.u32 $0x39, v2;
	v3 =	vld.idx.msk [tilespmem:v52+s3+$0x0], $0xffff  }
0xc7: {  	v54 =	vor.u32 $0x3A, v1;
	_ =	sdelay $0x3  }
0xc8: {  	[tilespmem:v53+s11+$0x0] =	vst.idx.msk $0xffff, v3  }
0xc9: {  	v55 =	vor.u32 $0x3A, v2;
	v3 =	vld.idx.msk [tilespmem:v54+s3+$0x0], $0xffff  }
0xca: {  	v56 =	vor.u32 $0x3B, v1;
	_ =	sdelay $0x3  }
0xcb: {  	[tilespmem:v55+s11+$0x0] =	vst.idx.msk $0xffff, v3  }
0xcc: {  	v57 =	vor.u32 $0x3B, v2;
	v3 =	vld.idx.msk [tilespmem:v56+s3+$0x0], $0xffff  }
0xcd: {  	v58 =	vor.u32 $0x3C, v1;
	_ =	sdelay $0x3  }
0xce: {  	[tilespmem:v57+s11+$0x0] =	vst.idx.msk $0xffff, v3  }
0xcf: {  	v59 =	vor.u32 $0x3C, v2;
	v3 =	vld.idx.msk [tilespmem:v58+s3+$0x0], $0xffff  }
0xd0: {  	v60 =	vor.u32 $0x3D, v1;
	_ =	sdelay $0x3  }
0xd1: {  	[tilespmem:v59+s11+$0x0] =	vst.idx.msk $0xffff, v3  }
0xd2: {  	v61 =	vor.u32 $0x3D, v2;
	v3 =	vld.idx.msk [tilespmem:v60+s3+$0x0], $0xffff  }
0xd3: {  	v62 =	vor.u32 $0x3E, v1;
	_ =	sdelay $0x3  }
0xd4: {  	[tilespmem:v61+s11+$0x0] =	vst.idx.msk $0xffff, v3  }
0xd5: {  	v63 =	vor.u32 $0x3E, v2;
	v3 =	vld.idx.msk [tilespmem:v62+s3+$0x0], $0xffff  }
0xd6: {  	v1 =	vor.u32 $0x3F, v1;
	_ =	sdelay $0x3  }
0xd7: {  	[tilespmem:v63+s11+$0x0] =	vst.idx.msk $0xffff, v3  }
0xd8: {  	p0 =	sne.s32 s14, $0x300;
	v2 =	vor.u32 $0x3F, v2;
	v1 =	vld.idx.msk [tilespmem:v1+s3+$0x0], $0xffff  }
.Ltmp0:
0xd9: {  	_ = 	snop;
	(pc) =	sbr.rel @p0 .LBB2_2-.Ltmp0, $2  }
0xda: {  	_ =	sdelay $0x2  }
0xdb: {  	s13 =	sadd.s32 $0x10, s13;
	s14 =	sadd.s32 $0x10, s14;
	[tilespmem:v2+s11+$0x0] =	vst.idx.msk $0xffff, v1  }
0xdc: {  	s13 =	simm.s32 $0x0  }
0xdd: {  	[hbm4b:s5+s13] =	stream.linear.scatter [tilespmem:s11], [sflag:$0x1], $0xC400, $0x38;
	[tilespmem:$0x1CA80] =	vst v63  }
0xde: {  	_ =	swait.ge [sflag:s8], $0xC400  }
0xdf: {  	[sflag:s8] =	ssyncset.done $0x0  }
0xe0: {  	s14 =	simm.s32 $0x10310;
	[sflag:s8] =	ssyncadd.s32 $0xFFFF3C00  }
.LBB2_4:
0xe1: {  	v1 =	vld [tilespmem:s14+$0x0];
	_ =	sdelay $0x4  }
0xe2: {  	v1 =	vshll.u32 v1, $0x6;
	_ =	sdelay $0x2  }
0xe3: {  	v2 =	vmov s13  }
0xe4: {  	v2 =	vshll.u32 v2, $0x6  }
0xe5: {  	v2 =	vor.u32 v0, v2;
	v3 =	vld.idx.msk [tilespmem:v1+s3+$0x0], $0xffff  }
0xe6: {  	v4 =	vor.u32 $0x1, v1;
	_ =	sdelay $0x3  }
0xe7: {  	[tilespmem:v2+s11+$0x0] =	vst.idx.msk $0xffff, v3  }
0xe8: {  	v54 =	vor.u32 $0x1, v2;
	v3 =	vld.idx.msk [tilespmem:v4+s3+$0x0], $0xffff  }
0xe9: {  	v5 =	vor.u32 $0x2, v1;
	_ =	sdelay $0x3  }
0xea: {  	[tilespmem:v54+s11+$0x0] =	vst.idx.msk $0xffff, v3  }
0xeb: {  	v55 =	vor.u32 $0x2, v2;
	v3 =	vld.idx.msk [tilespmem:v5+s3+$0x0], $0xffff  }
0xec: {  	v56 =	vor.u32 $0x3, v1;
	_ =	sdelay $0x3  }
0xed: {  	[tilespmem:v55+s11+$0x0] =	vst.idx.msk $0xffff, v3  }
0xee: {  	v57 =	vor.u32 $0x3, v2;
	v3 =	vld.idx.msk [tilespmem:v56+s3+$0x0], $0xffff  }
0xef: {  	v58 =	vor.u32 $0x4, v1;
	_ =	sdelay $0x3  }
0xf0: {  	[tilespmem:v57+s11+$0x0] =	vst.idx.msk $0xffff, v3  }
0xf1: {  	v59 =	vor.u32 $0x4, v2;
	v3 =	vld.idx.msk [tilespmem:v58+s3+$0x0], $0xffff  }
0xf2: {  	v60 =	vor.u32 $0x5, v1;
	_ =	sdelay $0x3  }
0xf3: {  	[tilespmem:v59+s11+$0x0] =	vst.idx.msk $0xffff, v3  }
0xf4: {  	v61 =	vor.u32 $0x5, v2;
	v3 =	vld.idx.msk [tilespmem:v60+s3+$0x0], $0xffff  }
0xf5: {  	v62 =	vor.u32 $0x6, v1;
	_ =	sdelay $0x3  }
0xf6: {  	[tilespmem:v61+s11+$0x0] =	vst.idx.msk $0xffff, v3  }
0xf7: {  	v63 =	vor.u32 $0x6, v2;
	v3 =	vld.idx.msk [tilespmem:v62+s3+$0x0], $0xffff  }
0xf8: {  	v8 =	vor.u32 $0x7, v1;
	_ =	sdelay $0x3  }
0xf9: {  	[tilespmem:v63+s11+$0x0] =	vst.idx.msk $0xffff, v3  }
0xfa: {  	v9 =	vor.u32 $0x7, v2;
	v3 =	vld.idx.msk [tilespmem:v8+s3+$0x0], $0xffff  }
0xfb: {  	v10 =	vor.u32 $0x8, v1;
	_ =	sdelay $0x3  }
0xfc: {  	[tilespmem:v9+s11+$0x0] =	vst.idx.msk $0xffff, v3  }
0xfd: {  	v11 =	vor.u32 $0x8, v2;
	v3 =	vld.idx.msk [tilespmem:v10+s3+$0x0], $0xffff  }
0xfe: {  	v12 =	vor.u32 $0x9, v1;
	_ =	sdelay $0x3  }
0xff: {  	[tilespmem:v11+s11+$0x0] =	vst.idx.msk $0xffff, v3  }
0x100: {  	v13 =	vor.u32 $0x9, v2;
	v3 =	vld.idx.msk [tilespmem:v12+s3+$0x0], $0xffff  }
0x101: {  	v14 =	vor.u32 $0xA, v1;
	_ =	sdelay $0x3  }
0x102: {  	[tilespmem:v13+s11+$0x0] =	vst.idx.msk $0xffff, v3  }
0x103: {  	v15 =	vor.u32 $0xA, v2;
	v3 =	vld.idx.msk [tilespmem:v14+s3+$0x0], $0xffff  }
0x104: {  	v16 =	vor.u32 $0xB, v1;
	_ =	sdelay $0x3  }
0x105: {  	[tilespmem:v15+s11+$0x0] =	vst.idx.msk $0xffff, v3  }
0x106: {  	v17 =	vor.u32 $0xB, v2;
	v3 =	vld.idx.msk [tilespmem:v16+s3+$0x0], $0xffff  }
0x107: {  	v18 =	vor.u32 $0xC, v1;
	_ =	sdelay $0x3  }
0x108: {  	[tilespmem:v17+s11+$0x0] =	vst.idx.msk $0xffff, v3  }
0x109: {  	v19 =	vor.u32 $0xC, v2;
	v3 =	vld.idx.msk [tilespmem:v18+s3+$0x0], $0xffff  }
0x10a: {  	v20 =	vor.u32 $0xD, v1;
	_ =	sdelay $0x3  }
0x10b: {  	[tilespmem:v19+s11+$0x0] =	vst.idx.msk $0xffff, v3  }
0x10c: {  	v21 =	vor.u32 $0xD, v2;
	v3 =	vld.idx.msk [tilespmem:v20+s3+$0x0], $0xffff  }
0x10d: {  	v22 =	vor.u32 $0xE, v1;
	_ =	sdelay $0x3  }
0x10e: {  	[tilespmem:v21+s11+$0x0] =	vst.idx.msk $0xffff, v3  }
0x10f: {  	v23 =	vor.u32 $0xE, v2;
	v3 =	vld.idx.msk [tilespmem:v22+s3+$0x0], $0xffff  }
0x110: {  	v24 =	vor.u32 $0xF, v1;
	_ =	sdelay $0x3  }
0x111: {  	[tilespmem:v23+s11+$0x0] =	vst.idx.msk $0xffff, v3  }
0x112: {  	v25 =	vor.u32 $0xF, v2;
	v3 =	vld.idx.msk [tilespmem:v24+s3+$0x0], $0xffff  }
0x113: {  	v26 =	vor.u32 $0x10, v1;
	_ =	sdelay $0x3  }
0x114: {  	[tilespmem:v25+s11+$0x0] =	vst.idx.msk $0xffff, v3  }
0x115: {  	v27 =	vor.u32 $0x10, v2;
	v3 =	vld.idx.msk [tilespmem:v26+s3+$0x0], $0xffff  }
0x116: {  	v28 =	vor.u32 $0x11, v1;
	_ =	sdelay $0x3  }
0x117: {  	[tilespmem:v27+s11+$0x0] =	vst.idx.msk $0xffff, v3  }
0x118: {  	v29 =	vor.u32 $0x11, v2;
	v3 =	vld.idx.msk [tilespmem:v28+s3+$0x0], $0xffff  }
0x119: {  	v30 =	vor.u32 $0x12, v1;
	_ =	sdelay $0x3  }
0x11a: {  	[tilespmem:v29+s11+$0x0] =	vst.idx.msk $0xffff, v3  }
0x11b: {  	v31 =	vor.u32 $0x12, v2;
	v3 =	vld.idx.msk [tilespmem:v30+s3+$0x0], $0xffff  }
0x11c: {  	v32 =	vor.u32 $0x13, v1;
	_ =	sdelay $0x3  }
0x11d: {  	[tilespmem:v31+s11+$0x0] =	vst.idx.msk $0xffff, v3  }
0x11e: {  	v33 =	vor.u32 $0x13, v2;
	v3 =	vld.idx.msk [tilespmem:v32+s3+$0x0], $0xffff  }
0x11f: {  	v34 =	vor.u32 $0x14, v1;
	_ =	sdelay $0x3  }
0x120: {  	[tilespmem:v33+s11+$0x0] =	vst.idx.msk $0xffff, v3  }
0x121: {  	v35 =	vor.u32 $0x14, v2;
	v3 =	vld.idx.msk [tilespmem:v34+s3+$0x0], $0xffff  }
0x122: {  	v36 =	vor.u32 $0x15, v1;
	_ =	sdelay $0x3  }
0x123: {  	[tilespmem:v35+s11+$0x0] =	vst.idx.msk $0xffff, v3  }
0x124: {  	v37 =	vor.u32 $0x15, v2;
	v3 =	vld.idx.msk [tilespmem:v36+s3+$0x0], $0xffff  }
0x125: {  	v38 =	vor.u32 $0x16, v1;
	_ =	sdelay $0x3  }
0x126: {  	[tilespmem:v37+s11+$0x0] =	vst.idx.msk $0xffff, v3  }
0x127: {  	v39 =	vor.u32 $0x16, v2;
	v3 =	vld.idx.msk [tilespmem:v38+s3+$0x0], $0xffff  }
0x128: {  	v40 =	vor.u32 $0x17, v1;
	_ =	sdelay $0x3  }
0x129: {  	[tilespmem:v39+s11+$0x0] =	vst.idx.msk $0xffff, v3  }
0x12a: {  	v41 =	vor.u32 $0x17, v2;
	v3 =	vld.idx.msk [tilespmem:v40+s3+$0x0], $0xffff  }
0x12b: {  	v42 =	vor.u32 $0x18, v1;
	_ =	sdelay $0x3  }
0x12c: {  	[tilespmem:v41+s11+$0x0] =	vst.idx.msk $0xffff, v3  }
0x12d: {  	v43 =	vor.u32 $0x18, v2;
	v3 =	vld.idx.msk [tilespmem:v42+s3+$0x0], $0xffff  }
0x12e: {  	v44 =	vor.u32 $0x19, v1;
	_ =	sdelay $0x3  }
0x12f: {  	[tilespmem:v43+s11+$0x0] =	vst.idx.msk $0xffff, v3  }
0x130: {  	v45 =	vor.u32 $0x19, v2;
	v3 =	vld.idx.msk [tilespmem:v44+s3+$0x0], $0xffff  }
0x131: {  	v46 =	vor.u32 $0x1A, v1;
	_ =	sdelay $0x3  }
0x132: {  	[tilespmem:v45+s11+$0x0] =	vst.idx.msk $0xffff, v3  }
0x133: {  	v47 =	vor.u32 $0x1A, v2;
	v3 =	vld.idx.msk [tilespmem:v46+s3+$0x0], $0xffff  }
0x134: {  	v48 =	vor.u32 $0x1B, v1;
	_ =	sdelay $0x3  }
0x135: {  	[tilespmem:v47+s11+$0x0] =	vst.idx.msk $0xffff, v3  }
0x136: {  	v49 =	vor.u32 $0x1B, v2;
	v3 =	vld.idx.msk [tilespmem:v48+s3+$0x0], $0xffff  }
0x137: {  	v50 =	vor.u32 $0x1C, v1;
	_ =	sdelay $0x3  }
0x138: {  	[tilespmem:v49+s11+$0x0] =	vst.idx.msk $0xffff, v3  }
0x139: {  	v51 =	vor.u32 $0x1C, v2;
	v3 =	vld.idx.msk [tilespmem:v50+s3+$0x0], $0xffff  }
0x13a: {  	v52 =	vor.u32 $0x1D, v1;
	_ =	sdelay $0x3  }
0x13b: {  	[tilespmem:v51+s11+$0x0] =	vst.idx.msk $0xffff, v3  }
0x13c: {  	v53 =	vor.u32 $0x1D, v2;
	v3 =	vld.idx.msk [tilespmem:v52+s3+$0x0], $0xffff  }
0x13d: {  	v54 =	vor.u32 $0x1E, v1;
	_ =	sdelay $0x3  }
0x13e: {  	[tilespmem:v53+s11+$0x0] =	vst.idx.msk $0xffff, v3  }
0x13f: {  	v55 =	vor.u32 $0x1E, v2;
	v3 =	vld.idx.msk [tilespmem:v54+s3+$0x0], $0xffff  }
0x140: {  	v56 =	vor.u32 $0x1F, v1;
	_ =	sdelay $0x3  }
0x141: {  	[tilespmem:v55+s11+$0x0] =	vst.idx.msk $0xffff, v3  }
0x142: {  	v57 =	vor.u32 $0x1F, v2;
	v3 =	vld.idx.msk [tilespmem:v56+s3+$0x0], $0xffff  }
0x143: {  	v58 =	vor.u32 $0x20, v1;
	_ =	sdelay $0x3  }
0x144: {  	[tilespmem:v57+s11+$0x0] =	vst.idx.msk $0xffff, v3  }
0x145: {  	v59 =	vor.u32 $0x20, v2;
	v3 =	vld.idx.msk [tilespmem:v58+s3+$0x0], $0xffff  }
0x146: {  	v60 =	vor.u32 $0x21, v1;
	_ =	sdelay $0x3  }
0x147: {  	[tilespmem:v59+s11+$0x0] =	vst.idx.msk $0xffff, v3  }
0x148: {  	v61 =	vor.u32 $0x21, v2;
	v3 =	vld.idx.msk [tilespmem:v60+s3+$0x0], $0xffff  }
0x149: {  	v62 =	vor.u32 $0x22, v1;
	_ =	sdelay $0x3  }
0x14a: {  	[tilespmem:v61+s11+$0x0] =	vst.idx.msk $0xffff, v3  }
0x14b: {  	v63 =	vor.u32 $0x22, v2;
	v3 =	vld.idx.msk [tilespmem:v62+s3+$0x0], $0xffff  }
0x14c: {  	v8 =	vor.u32 $0x23, v1;
	_ =	sdelay $0x3  }
0x14d: {  	[tilespmem:v63+s11+$0x0] =	vst.idx.msk $0xffff, v3  }
0x14e: {  	v9 =	vor.u32 $0x23, v2;
	v3 =	vld.idx.msk [tilespmem:v8+s3+$0x0], $0xffff  }
0x14f: {  	v10 =	vor.u32 $0x24, v1;
	_ =	sdelay $0x3  }
0x150: {  	[tilespmem:v9+s11+$0x0] =	vst.idx.msk $0xffff, v3  }
0x151: {  	v11 =	vor.u32 $0x24, v2;
	v3 =	vld.idx.msk [tilespmem:v10+s3+$0x0], $0xffff  }
0x152: {  	v12 =	vor.u32 $0x25, v1;
	_ =	sdelay $0x3  }
0x153: {  	[tilespmem:v11+s11+$0x0] =	vst.idx.msk $0xffff, v3  }
0x154: {  	v13 =	vor.u32 $0x25, v2;
	v3 =	vld.idx.msk [tilespmem:v12+s3+$0x0], $0xffff  }
0x155: {  	v14 =	vor.u32 $0x26, v1;
	_ =	sdelay $0x3  }
0x156: {  	[tilespmem:v13+s11+$0x0] =	vst.idx.msk $0xffff, v3  }
0x157: {  	v15 =	vor.u32 $0x26, v2;
	v3 =	vld.idx.msk [tilespmem:v14+s3+$0x0], $0xffff  }
0x158: {  	v16 =	vor.u32 $0x27, v1;
	_ =	sdelay $0x3  }
0x159: {  	[tilespmem:v15+s11+$0x0] =	vst.idx.msk $0xffff, v3  }
0x15a: {  	v17 =	vor.u32 $0x27, v2;
	v3 =	vld.idx.msk [tilespmem:v16+s3+$0x0], $0xffff  }
0x15b: {  	v18 =	vor.u32 $0x28, v1;
	_ =	sdelay $0x3  }
0x15c: {  	[tilespmem:v17+s11+$0x0] =	vst.idx.msk $0xffff, v3  }
0x15d: {  	v19 =	vor.u32 $0x28, v2;
	v3 =	vld.idx.msk [tilespmem:v18+s3+$0x0], $0xffff  }
0x15e: {  	v20 =	vor.u32 $0x29, v1;
	_ =	sdelay $0x3  }
0x15f: {  	[tilespmem:v19+s11+$0x0] =	vst.idx.msk $0xffff, v3  }
0x160: {  	v21 =	vor.u32 $0x29, v2;
	v3 =	vld.idx.msk [tilespmem:v20+s3+$0x0], $0xffff  }
0x161: {  	v22 =	vor.u32 $0x2A, v1;
	_ =	sdelay $0x3  }
0x162: {  	[tilespmem:v21+s11+$0x0] =	vst.idx.msk $0xffff, v3  }
0x163: {  	v23 =	vor.u32 $0x2A, v2;
	v3 =	vld.idx.msk [tilespmem:v22+s3+$0x0], $0xffff  }
0x164: {  	v24 =	vor.u32 $0x2B, v1;
	_ =	sdelay $0x3  }
0x165: {  	[tilespmem:v23+s11+$0x0] =	vst.idx.msk $0xffff, v3  }
0x166: {  	v25 =	vor.u32 $0x2B, v2;
	v3 =	vld.idx.msk [tilespmem:v24+s3+$0x0], $0xffff  }
0x167: {  	v26 =	vor.u32 $0x2C, v1;
	_ =	sdelay $0x3  }
0x168: {  	[tilespmem:v25+s11+$0x0] =	vst.idx.msk $0xffff, v3  }
0x169: {  	v27 =	vor.u32 $0x2C, v2;
	v3 =	vld.idx.msk [tilespmem:v26+s3+$0x0], $0xffff  }
0x16a: {  	v28 =	vor.u32 $0x2D, v1;
	_ =	sdelay $0x3  }
0x16b: {  	[tilespmem:v27+s11+$0x0] =	vst.idx.msk $0xffff, v3  }
0x16c: {  	v29 =	vor.u32 $0x2D, v2;
	v3 =	vld.idx.msk [tilespmem:v28+s3+$0x0], $0xffff  }
0x16d: {  	v30 =	vor.u32 $0x2E, v1;
	_ =	sdelay $0x3  }
0x16e: {  	[tilespmem:v29+s11+$0x0] =	vst.idx.msk $0xffff, v3  }
0x16f: {  	v31 =	vor.u32 $0x2E, v2;
	v3 =	vld.idx.msk [tilespmem:v30+s3+$0x0], $0xffff  }
0x170: {  	v32 =	vor.u32 $0x2F, v1;
	_ =	sdelay $0x3  }
0x171: {  	[tilespmem:v31+s11+$0x0] =	vst.idx.msk $0xffff, v3  }
0x172: {  	v33 =	vor.u32 $0x2F, v2;
	v3 =	vld.idx.msk [tilespmem:v32+s3+$0x0], $0xffff  }
0x173: {  	v34 =	vor.u32 $0x30, v1;
	_ =	sdelay $0x3  }
0x174: {  	[tilespmem:v33+s11+$0x0] =	vst.idx.msk $0xffff, v3  }
0x175: {  	v35 =	vor.u32 $0x30, v2;
	v3 =	vld.idx.msk [tilespmem:v34+s3+$0x0], $0xffff  }
0x176: {  	v36 =	vor.u32 $0x31, v1;
	_ =	sdelay $0x3  }
0x177: {  	[tilespmem:v35+s11+$0x0] =	vst.idx.msk $0xffff, v3  }
0x178: {  	v37 =	vor.u32 $0x31, v2;
	v3 =	vld.idx.msk [tilespmem:v36+s3+$0x0], $0xffff  }
0x179: {  	v38 =	vor.u32 $0x32, v1;
	_ =	sdelay $0x3  }
0x17a: {  	[tilespmem:v37+s11+$0x0] =	vst.idx.msk $0xffff, v3  }
0x17b: {  	v39 =	vor.u32 $0x32, v2;
	v3 =	vld.idx.msk [tilespmem:v38+s3+$0x0], $0xffff  }
0x17c: {  	v40 =	vor.u32 $0x33, v1;
	_ =	sdelay $0x3  }
0x17d: {  	[tilespmem:v39+s11+$0x0] =	vst.idx.msk $0xffff, v3  }
0x17e: {  	v41 =	vor.u32 $0x33, v2;
	v3 =	vld.idx.msk [tilespmem:v40+s3+$0x0], $0xffff  }
0x17f: {  	v42 =	vor.u32 $0x34, v1;
	_ =	sdelay $0x3  }
0x180: {  	[tilespmem:v41+s11+$0x0] =	vst.idx.msk $0xffff, v3  }
0x181: {  	v43 =	vor.u32 $0x34, v2;
	v3 =	vld.idx.msk [tilespmem:v42+s3+$0x0], $0xffff  }
0x182: {  	v44 =	vor.u32 $0x35, v1;
	_ =	sdelay $0x3  }
0x183: {  	[tilespmem:v43+s11+$0x0] =	vst.idx.msk $0xffff, v3  }
0x184: {  	v45 =	vor.u32 $0x35, v2;
	v3 =	vld.idx.msk [tilespmem:v44+s3+$0x0], $0xffff  }
0x185: {  	v46 =	vor.u32 $0x36, v1;
	_ =	sdelay $0x3  }
0x186: {  	[tilespmem:v45+s11+$0x0] =	vst.idx.msk $0xffff, v3  }
0x187: {  	v47 =	vor.u32 $0x36, v2;
	v3 =	vld.idx.msk [tilespmem:v46+s3+$0x0], $0xffff  }
0x188: {  	v48 =	vor.u32 $0x37, v1;
	_ =	sdelay $0x3  }
0x189: {  	[tilespmem:v47+s11+$0x0] =	vst.idx.msk $0xffff, v3  }
0x18a: {  	v49 =	vor.u32 $0x37, v2;
	v3 =	vld.idx.msk [tilespmem:v48+s3+$0x0], $0xffff  }
0x18b: {  	v50 =	vor.u32 $0x38, v1;
	_ =	sdelay $0x3  }
0x18c: {  	[tilespmem:v49+s11+$0x0] =	vst.idx.msk $0xffff, v3  }
0x18d: {  	v51 =	vor.u32 $0x38, v2;
	v3 =	vld.idx.msk [tilespmem:v50+s3+$0x0], $0xffff  }
0x18e: {  	v52 =	vor.u32 $0x39, v1;
	_ =	sdelay $0x3  }
0x18f: {  	[tilespmem:v51+s11+$0x0] =	vst.idx.msk $0xffff, v3  }
0x190: {  	v53 =	vor.u32 $0x39, v2;
	v3 =	vld.idx.msk [tilespmem:v52+s3+$0x0], $0xffff  }
0x191: {  	v54 =	vor.u32 $0x3A, v1;
	_ =	sdelay $0x3  }
0x192: {  	[tilespmem:v53+s11+$0x0] =	vst.idx.msk $0xffff, v3  }
0x193: {  	v55 =	vor.u32 $0x3A, v2;
	v3 =	vld.idx.msk [tilespmem:v54+s3+$0x0], $0xffff  }
0x194: {  	v56 =	vor.u32 $0x3B, v1;
	_ =	sdelay $0x3  }
0x195: {  	[tilespmem:v55+s11+$0x0] =	vst.idx.msk $0xffff, v3  }
0x196: {  	v57 =	vor.u32 $0x3B, v2;
	v3 =	vld.idx.msk [tilespmem:v56+s3+$0x0], $0xffff  }
0x197: {  	v58 =	vor.u32 $0x3C, v1;
	_ =	sdelay $0x3  }
0x198: {  	[tilespmem:v57+s11+$0x0] =	vst.idx.msk $0xffff, v3  }
0x199: {  	v59 =	vor.u32 $0x3C, v2;
	v3 =	vld.idx.msk [tilespmem:v58+s3+$0x0], $0xffff  }
0x19a: {  	v60 =	vor.u32 $0x3D, v1;
	_ =	sdelay $0x3  }
0x19b: {  	[tilespmem:v59+s11+$0x0] =	vst.idx.msk $0xffff, v3  }
0x19c: {  	v61 =	vor.u32 $0x3D, v2;
	v3 =	vld.idx.msk [tilespmem:v60+s3+$0x0], $0xffff  }
0x19d: {  	v62 =	vor.u32 $0x3E, v1;
	_ =	sdelay $0x3  }
0x19e: {  	[tilespmem:v61+s11+$0x0] =	vst.idx.msk $0xffff, v3  }
0x19f: {  	v63 =	vor.u32 $0x3E, v2;
	v3 =	vld.idx.msk [tilespmem:v62+s3+$0x0], $0xffff  }
0x1a0: {  	v1 =	vor.u32 $0x3F, v1;
	_ =	sdelay $0x3  }
0x1a1: {  	[tilespmem:v63+s11+$0x0] =	vst.idx.msk $0xffff, v3  }
0x1a2: {  	p0 =	sne.s32 s13, $0x300;
	v2 =	vor.u32 $0x3F, v2;
	v1 =	vld.idx.msk [tilespmem:v1+s3+$0x0], $0xffff  }
.Ltmp1:
0x1a3: {  	_ = 	snop;
	(pc) =	sbr.rel @p0 .LBB2_4-.Ltmp1, $2  }
0x1a4: {  	_ =	sdelay $0x2  }
0x1a5: {  	s14 =	sadd.s32 $0x10, s14;
	s13 =	sadd.s32 $0x10, s13;
	[tilespmem:v2+s11+$0x0] =	vst.idx.msk $0xffff, v1  }
0x1a6: {  	s12 =	sadd.s32 $0x1, s12  }
0x1a7: {  	p0 =	sne.s32 s12, s7  }
.Ltmp2:
0x1a8: {  	_ = 	snop;
	(pc) =	sbr.rel @p0 .LBB2_1-.Ltmp2, $4  }
0x1a9: {  	[hbm4b:s6+s3] =	stream.linear.scatter [tilespmem:s11], [sflag:$0x1], $0xC400, $0x38;
	[tilespmem:$0x1CA80] =	vst v63  }
0x1aa: {  	_ =	swait.ge [sflag:s8], $0xC400  }
0x1ab: {  	[sflag:s8] =	ssyncset.done $0x0  }
0x1ac: {  	[sflag:s8] =	ssyncadd.s32 $0xFFFF3C00  }
0x1ad: {  	_ =	sfence.sel $0x180000  }
0x1ae: {  	[bflag:$0x0] =	sbarrier.arrive $0xFFFF  }
0x1af: {  	p0 =	sne.s32 s2, $0x0;
	_ =	strace $0x9000004A  }
0x1b0: {  	s0 =	sadd.s32 @!p0 $0x100000, s0;
	[bflag:$0x2] =	sbarrier.arrive $0xFFFF  }
0x1b1: {  	[sflag:s0] =	ssyncadd.tile.s32 @!p0 $0x1;
	_ =	shalt  }
.Lfunc_end2:
_tile_overlayer_lowered:
.L_overlay_start_2:
0x1b2: {  	(tag) =	ssettag $0x2  }
0x1b3: {  	s0 =	rddreg [dreg:$0x0];
	s2 =	stileid.u32  }
0x1b4: {  	s1 =	rddreg [dreg:$0x1];
	p0 =	sne.s32 s2, $0x0  }
0x1b5: {  	s3 =	rddreg [dreg:$0x2];
	[bflag:$0x3] =	sbarrier.arrive $0xFFFF;
	s2 =	simm.s32 @!p0 $0x1C01  }
0x1b6: {  	[timem:s3], [sflag:s2] =	dma.local @!p0 [hbm:s0], s1  }
0x1b7: {  	s0 =	simm.s32 @!p0 $0x1  }
0x1b8: {  	_ =	swait.ge @!p0 [sflag:s0], s1  }
0x1b9: {  	s1 =	ssub.s32 @!p0 $0x0, s1;
	[sflag:s0] =	ssyncset.done @!p0 $0x0  }
0x1ba: {  	[sflag:s0] =	ssyncadd.s32 @!p0 s1  }
0x1bb: {  	[bflag:$0x3] =	sbarrier.arrive $0xFFFF  }
0x1bc: {  	_ =	shalt  }

// kernel: sparse-core-data-format-call.1.cloned.1.call-start
scs
called_computation.1_lowered:
.L_overlay_start_0:
0x0: {  	s1 =	sld [smem:$0x3FD9]  }
0x1: {  	s2 =	sld [smem:$0x3FFE];
	_ =	sdelay $0x1  }
0x2: {  	s3 =	srdreg.scid  }
0x3: {  	s0 =	sand.u32 $0x1, s3  }
0x4: {  	s17 =	sshll.u32 s0, $0xA;
	s1 =	sadd.s32 s2, s1  }
0x5: {  	s1 =	sadd.s32 s1, s17  }
0x6: {  	[smem:$0x3FBE] =	sst s1  }
0x7: {  	_ = 	snop  }
0x8: {  	(tm) =	ssettm $0x1  }
0x9: {  	s18 =	sld [smem:$0x3FFB];
	_ =	sdelay $0x3  }
0xa: {  	_ =	strace s18  }
0xb: {  	s1 =	sld [smem:$0x3FFC];
	_ =	sdelay $0x3  }
0xc: {  	_ =	strace s1  }
0xd: {  	s1 =	sld [smem:$0x3FFD];
	_ =	sdelay $0x3  }
0xe: {  	_ =	strace s1  }
0xf: {  	_ =	strace $0x8FFFFFFF  }
0x10: {  	s19 =	sld [smem:$0x3FDB];
	_ =	sdelay $0x1  }
0x11: {  	s20 =	simm.s32 $_scs_section_size  }
0x12: {  	s4 =	simm.s32 $_size__tile_overlayer_lowered;
	s5 =	simm.s32 $_tile_overlayer_lowered  }
0x13: {  	s23 =	simm.s32 $0x1BFF;
	s22 =	sshll.u32 s5, $0x1;
	s1 =	sadd.s32 s20, s19  }
0x14: {  	s6 =	simm.s32 $0x0;
	s21 =	sshll.u32 s4, $0x1;
	s4 =	sadd.s32 s22, s1  }
0x15: {  	[timem:s6], [sflag:s23] =	dma.local [hbm:s4], s21  }
0x16: {  	_ =	swait.ge [sflag:s23], s21  }
0x17: {  	s2 =	ssub.s32 $0x0, s21;
	[sflag:s23] =	ssyncset.done $0x0  }
0x18: {  	[sflag:s23] =	ssyncadd.s32 s2;
	_ =	sdelay $0x1  }
0x19: {  	s24 =	simm.s32 $0x1B8B  }
0x1a: {  	_ =	swait.ge [sflag:s24], $0x1  }
0x1b: {  	[sflag:s24] =	ssyncset.done $0x0  }
0x1c: {  	s26 =	simm.s32 $0x1B8E;
	s25 =	sld [smem:$0x3FFE];
	[sflag:s24] =	ssyncadd.s32 $0xFFFFFFFF  }
0x1d: {  	s27 =	simm.s32 $execute0_lowered;
	[smem:$0x3FD2] =	sst s26  }
0x1e: {  	s4 =	sshll.u32 s27, $0x1;
	_ =	strace $0x80000046;
	[dreg:$0x1] =	wrdreg $0xFFFFFFFF  }
0x1f: {  	s28 =	simm.s32 $_size_execute0_lowered;
	s1 =	sadd.s32 s1, s4;
	[dreg:$0x0] =	wrdreg $0x0  }
0x20: {  	s4 =	sshll.u32 s28, $0x1;
	[dreg:$0x2] =	wrdreg s1  }
0x21: {  	[dreg:$0x3] =	wrdreg s4  }
0x22: {  	[dreg:$0x4] =	wrdreg $0xC0  }
0x23: {  	_ =	task [dreg:s6], $0x5FFFF  }
0x24: {  	[dreg:$0x1] =	wrdreg $0xFFFFFFFF  }
0x25: {  	[dreg:$0x0] =	wrdreg $0x60  }
0x26: {  	[dreg:$0x2] =	wrdreg s25  }
0x27: {  	[dreg:$0x3] =	wrdreg $0x9  }
0x28: {  	_ =	task.clear_ibuf [dreg:s6], $0x4FFFF;
	_ =	strace $0x90000046  }
0x29: {  	s29 =	simm.s32 $0x9;
	_ =	strace $0x80000048  }
0x2a: {  	_ =	swait.ge [sflag:s29], $0x1  }
0x2b: {  	[sflag:s29] =	ssyncadd.s32 $0xFFFFFFFF  }
0x2c: {  	_ =	strace $0x90000048  }
0x2d: {  	_ =	sfence  }
0x2e: {  	s30 =	sld [smem:$0x0];
	_ =	sdelay $0x2  }
0x2f: {  	s31 =	sshll.u32 s3, $0xD;
	s3 =	sshrl.u32 s3, $0x2  }
0x30: {  	s2 =	sand.u32 $0x4000, s31;
	s1 =	sadd.s32 s3, s30  }
0x31: {  	s0 =	sor.u32 s2, s0;
	s1 =	sshll.u32 s1, $0x11  }
0x32: {  	s0 =	sor.u32 s1, s0  }
0x33: {  	s0 =	sadd.s32 $0x8F2B, s0  }
0x34: {  	[sflag:s0] =	ssyncadd.remote.s32 $0x1  }
0x35: {  	_ =	sfence.sel $0xFFFF  }
0x36: {  	[dreg:$0x0] =	wrdreg $0xFFFFFFFF;
	(pc) =	sbr.abs _section_cstart, $3  }
0x37: {  	[dreg:$0x1] =	wrdreg $0xFFFFFFFF  }
0x38: {  	_ =	task.clear_ibuf [dreg:s6], $0x2FFFF;
	_ =	strace $0x9FFFFFFF  }
0x39: {  	(tm) =	ssettm $0x7FFFFFFF  }
tec
execute0_lowered:
.L_overlay_start_1:
0x0: {  	(tag) =	ssettag $0x1  }
0x1: {  	s0 =	rddreg [dreg:$0x0];
	s1 =	srdreg.scid  }
0x2: {  	_ =	strace $0x80000047;
	s29 =	simm.s32 $0x1;
	s31 =	simm.s32 $0x2  }
0x3: {  	s6 =	stileid.u32;
	s18 =	simm.s32 $0x0;
	p0 =	por $0x0, $0x0  }
0x4: {  	s19 =	simm.s32 $0x0;
	s20 =	simm.s32 $0x0;
	s11 =	simm.s32 $0x0  }
0x5: {  	s12 =	simm.s32 $0x0;
	s13 =	simm.s32 $0x0;
	s15 =	simm.s32 $0x0  }
0x6: {  	s7 =	sadd.s32 $0x3A00, s0;
	s8 =	sand.u32 $0x1, s1;
	s0 =	sadd.s32 $0x153A00, s0  }
.Ltmp0:
0x7: {  	[dreg:$0x4] =	wrdreg s0;
	s30 =	ssub.s32 $0x70, s8;
	(pc) =	sbr.rel .LBB1_1-.Ltmp0, $4  }
0x8: {  	s16 =	stileid.u32;
	[dreg:$0x2] =	wrdreg s7;
	s2 =	sshrl.u32 s30, $0x1  }
0x9: {  	s17 =	simm.s32 $0x0;
	[dreg:$0x3] =	wrdreg s8;
	s9 =	ssub.s32 s30, s2  }
0xa: {  	[sflag:s29] =	ssyncpa.u1 $0x0;
	s10 =	sadd.s32 $0x1, s9;
	[dreg:$0x5] =	wrdreg s9  }
0xb: {  	[sflag:s31] =	ssyncpa.u1 $0x0;
	s14 =	smov.u32 s8;
	[dreg:$0x6] =	wrdreg s10  }
.LBB1_14:
0xc: {  	s12 =	rddreg [dreg:$0x8]  }
0xd: {  	s1 =	rddreg [dreg:$0x13]  }
0xe: {  	s25 =	rddreg [dreg:$0x15]  }
0xf: {  	s3 =	rddreg [dreg:$0x11]  }
0x10: {  	s4 =	rddreg [dreg:$0x12]  }
0x11: {  	s13 =	rddreg [dreg:$0x9]  }
0x12: {  	s11 =	rddreg [dreg:$0x7]  }
0x13: {  	s6 =	rddreg [dreg:$0x4]  }
0x14: {  	s7 =	rddreg [dreg:$0x2]  }
0x15: {  	s8 =	rddreg [dreg:$0x3]  }
0x16: {  	s9 =	rddreg [dreg:$0x5]  }
0x17: {  	s10 =	rddreg [dreg:$0x6]  }
0x18: {  	s14 =	rddreg [dreg:$0xa]  }
0x19: {  	s15 =	rddreg [dreg:$0xb]  }
0x1a: {  	s16 =	rddreg [dreg:$0xc];
	p1 =	sgt.s32 s12, $0x40;
	s0 =	smov.u32 s12  }
0x1b: {  	s17 =	rddreg [dreg:$0xd];
	s0 =	simm.s32 @!p1 $0x40  }
0x1c: {  	s2 =	sshrl.u32 s12, $0x4;
	s27 =	smul.u32 $0x31000, s13;
	s0 =	sadd.s32 s1, s0  }
0x1d: {  	s28 =	smul.u32 $0x700, s11;
	s2 =	sand.u32 $0x1FFFFF8, s2;
	s1 =	sadd.s32 $0xFFFFFFC0, s0  }
0x1e: {  	s26 =	smulhi.u32 $0x2492493, s2;
	s0 =	ssub.s32 $0x80, s0;
	p1 =	sgt.s32 s1, $0x3F  }
0x1f: {  	s18 =	rddreg [dreg:$0xe];
	s1 =	smul.u32 $0x2080, s25;
	s0 =	simm.s32 @p1 $0x0  }
0x20: {  	s31 =	simm.s32 $0x80;
	s19 =	rddreg [dreg:$0xf];
	s0 =	smul.u32 s0, s3  }
0x21: {  	s20 =	rddreg [dreg:$0x10];
	s5 =	sshrl.u32 s12, $0x3;
	s3 =	smul.u32 $0x70, s26  }
0x22: {  	s29 =	sand.u32 $0x7, s12;
	s5 =	sand.u32 $0xF, s5;
	s0 =	smul.u32 s4, s0  }
0x23: {  	s1 =	sor.u32 $0x4000, s1;
	s2 =	ssub.s32 s2, s3;
	s4 =	sadd.s32 s6, s27  }
0x24: {  	s6 =	stileid.u32;
	s3 =	sadd.s32 s28, s4;
	s0 =	smul.u32 $0x70, s0  }
0x25: {  	s2 =	sshll.u32 s2, $0x4;
	s4 =	sshll.u32 s29, $0x12;
	s3 =	sadd.s32 s5, s3  }
0x26: {  	s30 =	sor.u32 $0x40, s4;
	s2 =	sadd.s32 s2, s3;
	s0 =	sand.u32 $0x3FFFFFF0, s0  }
0x27: {  	[hbm4b:s2+s30] =	stream.strided.scatter [tilespmem:s1], [sflag:$0x2], s0, s31, s30, $0x18;
	[tilespmem:$0x8100] =	vst v63  }
.LBB1_15:
0x28: {  	p1 =	slt.u32 s17, $0x2  }
0x29: {  	p2 =	sgt.s32 @!p1 s20, $0xF  }
0x2a: {  	s0 =	smov.u32 s20;
	s1 =	sshra.s32 @!p1 s20, $0x1F;
	p2 =	por !p2, p1  }
0x2b: {  	s1 =	sand.u32 @!p1 s1, s20;
	s0 =	simm.s32 @p2 $0xF  }
0x2c: {  	s0 =	ssub.s32 @!p1 s0, s1  }
0x2d: {  	s3 =	smov.u32 s18;
	p3 =	sgt.s32 @!p1 s19, $0x40;
	s1 =	sadd.s32 @!p1 $0xFFFFFFF1, s0  }
0x2e: {  	p3 =	por !p3, p1;
	p2 =	sgt.s32 @!p1 s1, $0x0;
	s1 =	smov.u32 s19  }
0x2f: {  	s2 =	sshra.s32 @!p1 s19, $0x1F;
	s1 =	simm.s32 @p3 $0x40;
	p3 =	sgt.s32 @!p1 s18, $0x6F  }
0x30: {  	s4 =	sshra.s32 @!p1 s18, $0x1F;
	s2 =	sand.u32 @!p1 s2, s19;
	p3 =	por !p3, p1  }
0x31: {  	s4 =	sand.u32 @!p1 s4, s18;
	s1 =	ssub.s32 @!p1 s1, s2;
	s3 =	simm.s32 @p3 $0x6F  }
0x32: {  	s0 =	ssub.s32 @!p1 $0x10, s0;
	s2 =	ssub.s32 @!p1 s3, s4;
	s3 =	sadd.s32 @!p1 $0xFFFFFFC0, s1  }
0x33: {  	s0 =	smul.u32 @!p1 $0x70, s0;
	p2 =	por !p2, p1;
	p3 =	sgt.s32 @!p1 s3, $0x3F  }
0x34: {  	s1 =	ssub.s32 @!p1 $0x80, s1;
	s4 =	sadd.s32 @!p1 $0xFFFFFF91, s2;
	p3 =	por !p3, p1  }
0x35: {  	s0 =	simm.s32 @!p2 $0x0;
	s1 =	simm.s32 @!p3 $0x0;
	p3 =	sgt.s32 @!p1 s4, $0x0  }
0x36: {  	s2 =	ssub.s32 @!p1 $0x70, s2;
	p2 =	por !p3, p1;
	s0 =	smul.u32 @!p1 s1, s0  }
0x37: {  	s3 =	smov.u32 s15;
	s1 =	sadd.s32 $0x2, s14;
	s2 =	simm.s32 @!p2 $0x0  }
0x38: {  	p2 =	sgt.s32 s1, $0x6F;
	s0 =	smul.u32 @!p1 s2, s0;
	s2 =	sadd.s32 $0x40, s15  }
0x39: {  	s3 =	smov.u32 @p2 s2  }
0x3a: {  	s5 =	smov.u32 s16;
	s2 =	sadd.s32 $0x10, s16;
	p3 =	sgt.s32 s3, $0x2F  }
0x3b: {  	p0 =	por !p0, !p0;
	s20 =	smov.u32 s13;
	s5 =	smov.u32 @p3 s2  }
0x3c: {  	s13 =	smov.u32 s16;
	s1 =	smov.u32 @p2 s8;
	p2 =	sgt.s32 s5, $0xF  }
0x3d: {  	s19 =	smov.u32 s12;
	s5 =	smov.u32 @p2 s6;
	p2 =	sne.s32 s17, s10  }
.Ltmp1:
0x3e: {  	s12 =	smov.u32 s15;
	s18 =	smov.u32 s11;
	(pc) =	sbr.rel @!p2 .LBB1_16-.Ltmp1, $4  }
0x3f: {  	s11 =	smov.u32 s14;
	s4 =	simm.s32 @!p1 $0x2;
	s0 =	sand.u32 @!p1 $0x3FFFFFF0, s0  }
0x40: {  	s14 =	smov.u32 s1;
	_ =	swait.ge @!p1 [sflag:s4], s0;
	s3 =	simm.s32 @p3 $0x0  }
0x41: {  	s0 =	ssub.s32 @!p1 $0x0, s0;
	[sflag:s4] =	ssyncset.done @!p1 $0x0;
	s15 =	smov.u32 s3  }
0x42: {  	s17 =	sadd.s32 $0x1, s17;
	[sflag:s4] =	ssyncadd.s32 @!p1 s0;
	s16 =	smov.u32 s5  }
.LBB1_1:
0x43: {  	p1 =	sge.u32 s17, s9  }
0x44: {  	s1 =	smov.u32 s16;
	s4 =	smov.u32 s15;
	p2 =	sgt.s32 @!p1 s16, $0xF  }
0x45: {  	s0 =	sand.u32 @!p1 $0x1FFFFFF, s14;
	s3 =	sshra.s32 @!p1 s16, $0x1F;
	p2 =	por !p2, p1  }
0x46: {  	s5 =	sshra.s32 @!p1 s15, $0x1F;
	s1 =	simm.s32 @p2 $0xF;
	p2 =	sgt.s32 @!p1 s15, $0xFFFFFFF0  }
0x47: {  	s2 =	smulhi.u32 @!p1 $0x2492493, s0;
	s3 =	sand.u32 @!p1 s3, s16;
	p2 =	por !p2, p1  }
0x48: {  	s5 =	sand.u32 @!p1 s5, s15;
	s1 =	ssub.s32 @!p1 s1, s3;
	s4 =	simm.s32 @p2 $0xFFFFFFF0  }
0x49: {  	p2 =	sgt.s32 @!p1 s14, $0x6F;
	s1 =	sadd.s32 @!p1 $0xFFFFFFF1, s1;
	s3 =	ssub.s32 @!p1 s4, s5  }
0x4a: {  	p2 =	por !p2, p1;
	s5 =	smov.u32 s14;
	s4 =	sadd.s32 @!p1 $0x10, s3  }
0x4b: {  	s5 =	simm.s32 @p2 $0x6F;
	p3 =	sgt.s32 @!p1 s4, $0x3F;
	s4 =	sshra.s32 @!p1 s14, $0x1F  }
0x4c: {  	p2 =	sgt.s32 @!p1 s1, $0x0;
	s1 =	sshll.u32 @!p1 s1, $0x7;
	s4 =	sand.u32 @!p1 s4, s14  }
0x4d: {  	s3 =	ssub.s32 @!p1 $0x30, s3;
	s1 =	ssub.s32 @!p1 $0x80, s1;
	s4 =	ssub.s32 @!p1 s5, s4  }
0x4e: {  	p2 =	por !p2, p1;
	p3 =	por !p3, p1;
	s5 =	sadd.s32 @!p1 $0xFFFFFF91, s4  }
0x4f: {  	s1 =	simm.s32 @!p2 $0x0;
	s3 =	simm.s32 @!p3 $0x0;
	p3 =	sgt.s32 @!p1 s5, $0x0  }
0x50: {  	s4 =	ssub.s32 @!p1 $0x70, s4;
	s1 =	smul.u32 @!p1 s3, s1;
	p2 =	por !p3, p1  }
0x51: {  	s2 =	smul.u32 @!p1 $0x70, s2;
	s4 =	simm.s32 @!p2 $0x0  }
0x52: {  	s1 =	smul.u32 @!p1 s4, s1  }
0x53: {  	s31 =	sadd.s32 $0xFFFFFFFF, s17;
	s4 =	smul.u32 @!p1 $0x15000, s16  }
0x54: {  	s0 =	ssub.s32 @!p1 s0, s2;
	s3 =	sxor.u32 @!p1 $0xFFFFFFFF, s17;
	s5 =	smul.u32 @!p1 $0x700, s15  }
0x55: {  	s0 =	sshll.u32 @!p1 s0, $0x4;
	s3 =	sshll.u32 @!p1 s3, $0xD;
	s2 =	sadd.s32 @!p1 s7, s4  }
0x56: {  	s3 =	sand.u32 @!p1 $0x2000, s3;
	s1 =	sand.u32 @!p1 $0x3FFFFF80, s1;
	s2 =	sadd.s32 @!p1 s5, s2  }
0x57: {  	s4 =	simm.s32 @!p1 $0x3800;
	s0 =	sadd.s32 @!p1 s0, s2;
	s2 =	simm.s32 @!p1 $0x80  }
0x58: {  	[tilespmem:s3], [sflag:$0x1] =	stream.strided.gather @!p1 [hbm4b:s0+s2], s1, s4, s2, $0x38;
	[tilespmem:$0x8100] =	vst v63  }
0x59: {  	p1 =	sge.u32 s31, s9  }
.Ltmp2:
0x5a: {  	_ = 	snop;
	(pc) =	sbr.rel @p1 .LBB1_15-.Ltmp2, $1  }
0x5b: {  	_ =	sdelay $0x3  }
0x5c: {  	[dreg:$0x10] =	wrdreg s20  }
0x5d: {  	[dreg:$0xf] =	wrdreg s19  }
0x5e: {  	[dreg:$0xe] =	wrdreg s18  }
0x5f: {  	[dreg:$0xc] =	wrdreg s16  }
0x60: {  	[dreg:$0xb] =	wrdreg s15;
	p1 =	sgt.s32 s13, $0xF  }
0x61: {  	s0 =	smov.u32 s13;
	s1 =	sshra.s32 s13, $0x1F;
	s25 =	ssub.s32 $0x0, s12  }
0x62: {  	s2 =	sshra.s32 s12, $0x1F;
	p2 =	sgt.s32 s11, $0x6F;
	s3 =	smov.u32 s11  }
0x63: {  	s4 =	sshra.s32 s11, $0x1F;
	p3 =	sgt.s32 s12, $0xFFFFFFF0;
	s5 =	smov.u32 s12  }
0x64: {  	s0 =	simm.s32 @!p1 $0xF;
	s1 =	sand.u32 s1, s13;
	s3 =	simm.s32 @!p2 $0x6F  }
0x65: {  	s4 =	sand.u32 s4, s11;
	s2 =	sand.u32 s25, s2;
	s5 =	simm.s32 @!p3 $0xFFFFFFF0  }
0x66: {  	s0 =	ssub.s32 s0, s1;
	s26 =	ssub.s32 s3, s4;
	[dreg:$0x13] =	wrdreg s2  }
0x67: {  	s27 =	sadd.s32 s2, s5;
	s2 =	sadd.s32 $0x1, s13;
	s1 =	sadd.s32 $0xFFFFFFF1, s0  }
0x68: {  	s4 =	ssub.s32 $0x10, s0;
	s28 =	sadd.s32 $0xFFFFFF91, s26;
	s29 =	sadd.s32 $0x10, s27  }
0x69: {  	p1 =	sgt.s32 s1, $0x0;
	p2 =	sgt.s32 s28, $0x0;
	s1 =	ssub.s32 $0x70, s26  }
0x6a: {  	s0 =	ssub.s32 $0x30, s27;
	s4 =	simm.s32 @p1 $0x0;
	s1 =	simm.s32 @p2 $0x0  }
0x6b: {  	p1 =	sgt.s32 s29, $0x3F;
	[dreg:$0x12] =	wrdreg s1;
	s1 =	smul.u32 s4, s1  }
0x6c: {  	s3 =	sadd.s32 $0x40, s12;
	s0 =	simm.s32 @p1 $0x0;
	p1 =	slt.s32 s2, $0x10  }
0x6d: {  	s2 =	simm.s32 @!p1 $0x10;
	p1 =	slt.s32 s3, $0x30;
	s0 =	smul.u32 s0, s1  }
0x6e: {  	s2 =	ssub.s32 s2, s13;
	s3 =	simm.s32 @!p1 $0x30;
	s1 =	sadd.s32 $0x1, s11  }
0x6f: {  	s23 =	ssub.s32 s3, s12;
	p2 =	slt.s32 s1, $0x70;
	p1 =	slt.s32 s2, $0x1  }
0x70: {  	[dreg:$0xa] =	wrdreg s14;
	s1 =	simm.s32 @!p2 $0x70;
	p2 =	slt.s32 @!p1 s23, $0x1  }
0x71: {  	[dreg:$0x9] =	wrdreg s13;
	s25 =	ssub.s32 s1, s11;
	p2 =	por p1, p2  }
0x72: {  	[dreg:$0x8] =	wrdreg s12;
	p3 =	slt.s32 @!p2 s25, $0x1  }
0x73: {  	[dreg:$0x7] =	wrdreg s11;
	p2 =	por p2, p3  }
.Ltmp3:
0x74: {  	[dreg:$0x11] =	wrdreg s4;
	s0 =	sshll.u32 s0, $0x7;
	(pc) =	sbr.rel @p2 .LBB1_14-.Ltmp3, $4  }
0x75: {  	s30 =	simm.s32 $0x1;
	[dreg:$0x14] =	wrdreg s2;
	s0 =	sand.u32 $0x3FFFFF80, s0  }
0x76: {  	s31 =	sand.u32 $0x1, s17;
	_ =	swait.ge [sflag:s30], s0  }
0x77: {  	s0 =	ssub.s32 $0x0, s0;
	[dreg:$0xd] =	wrdreg s17;
	[sflag:s30] =	ssyncset.done $0x0  }
0x78: {  	[dreg:$0x15] =	wrdreg s31;
	[sflag:s30] =	ssyncadd.s32 s0  }
0x79: {  	s0 =	simm.s32 $0x1  }
0x7a: {  	s0 =	simm.s32 @!p0 $0x0  }
0x7b: {  	s0 =	smul.u32 $0x8200, s0  }
.Ltmp4:
0x7c: {  	_ = 	snop;
	(pc) =	sbr.rel .LBB1_4-.Ltmp4, $4  }
0x7d: {  	s0 =	sshrl.u32 s0, $0x2  }
0x7e: {  	s26 =	sor.u32 $0x4000, s0;
	s0 =	rddreg [dreg:$0x15]  }
0x7f: {  	s0 =	sshll.u32 @!p1 s0, $0xD  }
0x80: {  	s1 =	simm.s32 $0x0;
	[dreg:$0x16] =	wrdreg s0  }
.LBB1_13:
0x81: {  	s1 =	rddreg [dreg:$0x17]  }
0x82: {  	s0 =	rddreg [dreg:$0x14];
	s1 =	sadd.s32 $0x1, s1  }
0x83: {  	p1 =	sne.s32 s1, s0  }
.Ltmp5:
0x84: {  	_ = 	snop;
	(pc) =	sbr.rel @!p1 .LBB1_14-.Ltmp5, $2  }
0x85: {  	_ =	sdelay $0x2  }
0x86: {  	s26 =	sadd.s32 $0x2080, s26  }
.LBB1_4:
0x87: {  	[dreg:$0x17] =	wrdreg s1  }
0x88: {  	s0 =	sshll.u32 s1, $0xF;
	s28 =	rddreg [dreg:$0x16];
	s30 =	simm.s32 $0x800  }
0x89: {  	s31 =	simm.s32 $0x1000;
	s8 =	simm.s32 $0x2800;
	s1 =	simm.s32 $0x3000  }
0x8a: {  	s4 =	simm.s32 $0x0;
	s5 =	simm.s32 $0x0;
	s0 =	sshra.s32 s0, $0x2  }
0x8b: {  	s2 =	simm.s32 $0x0;
	s29 =	sadd.s32 s0, s28;
	s0 =	simm.s32 $0x1800  }
.LBB1_5:
0x8c: {  	s3 =	sshrl.u32 s4, $0xA  }
0x8d: {  	s6 =	sshrl.u32 s30, $0xA;
	s7 =	sshrl.u32 s31, $0xA;
	s9 =	sand.u32 $0x7F, s5  }
0x8e: {  	s15 =	sshrl.u32 s0, $0xA;
	s18 =	sshrl.u32 s8, $0xA;
	s19 =	sshrl.u32 s1, $0xA  }
0x8f: {  	s12 =	sshrl.u32 s2, $0x4;
	s24 =	sshll.u32 s2, $0x9;
	s3 =	sand.u32 $0xF, s3  }
0x90: {  	p3 =	sne.s32 s25, $0x1;
	s6 =	sand.u32 $0xF, s6;
	s3 =	smul.u32 $0x820, s3  }
0x91: {  	s7 =	sand.u32 $0xF, s7;
	s14 =	sshll.u32 s9, $0x2;
	s6 =	smul.u32 $0x820, s6  }
0x92: {  	s12 =	sand.u32 $0x78, s12;
	s27 =	sshra.s32 s24, $0x2;
	s7 =	smul.u32 $0x820, s7  }
0x93: {  	s3 =	sshrl.u32 s3, $0x2;
	s13 =	sshrl.u32 s6, $0x2;
	s6 =	sand.u32 $0xF, s15  }
0x94: {  	s16 =	sshrl.u32 s7, $0x2;
	s7 =	sand.u32 $0xF, s19;
	s17 =	smul.u32 $0x820, s6  }
0x95: {  	s11 =	sadd.s32 s3, s26;
	s9 =	sadd.s32 s13, s26;
	s6 =	sand.u32 $0xF, s18  }
0x96: {  	s7 =	smul.u32 $0x820, s7;
	s13 =	sxor.u32 $0x40, s12;
	s3 =	sshrl.u32 s17, $0x2  }
0x97: {  	s6 =	smul.u32 $0x820, s6;
	s12 =	sadd.s32 s3, s26;
	s3 =	sadd.s32 s27, s29  }
.Ltmp6:
0x98: {  	s28 =	simm.s32 $0x0;
	p1 =	por $0x0, $0x0;
	v0 =	vmov s3;
	(pc) =	sbr.rel @!p3 .LBB1_6-.Ltmp6, $4  }
0x99: {  	p2 =	por $0x0, $0x0;
	s10 =	sadd.s32 s16, s26;
	s21 =	smul.u32 $0x104, s13  }
0x9a: {  	s22 =	sshrl.u32 s7, $0x2;
	s17 =	sand.u32 $0x380, s28;
	s20 =	sshrl.u32 s6, $0x2  }
0x9b: {  	s18 =	sadd.s32 s22, s26;
	s6 =	sshrl.u32 s21, $0x2;
	s15 =	sadd.s32 s20, s26  }
0x9c: {  	s13 =	sadd.s32 s6, s26;
	s20 =	sshrl.u32 s14, $0x2;
	s3 =	sadd.s32 $0xFFFFFFFF, s25  }
0x9d: {  	_ =	sdelay $0x3  }
0x9e: {  	v7 =	vld.idx.msk [tilespmem:v0+s17+$0x60 ss:$0x1], $0xffff  }
0x9f: {  	v5 =	vld.idx.msk [tilespmem:v0+s17+$0x0 ss:$0x1], $0xffff;
	p3 =	sne.s32 s3, $0x1  }
.Ltmp7:
0xa0: {  	v4 =	vld.idx.msk [tilespmem:v0+s17+$0x10 ss:$0x1], $0xffff;
	(pc) =	sbr.rel @!p3 .LBB1_8-.Ltmp7, $4  }
0xa1: {  	v3 =	vld.idx.msk [tilespmem:v0+s17+$0x20 ss:$0x1], $0xffff  }
0xa2: {  	v1 =	vld.idx.msk [tilespmem:v0+s17+$0x30 ss:$0x1], $0xffff  }
0xa3: {  	s6 =	simm.s32 $0x80;
	v2 =	vld.idx.msk [tilespmem:v0+s17+$0x40 ss:$0x1], $0xffff;
	s16 =	sadd.s32 s20, s18;
	s7 =	sadd.s32 $0xFFFFFFFF, s3  }
0xa4: {  	s14 =	sadd.s32 s20, s11;
	v6 =	vld.idx.msk [tilespmem:v0+s17+$0x50 ss:$0x1], $0xffff;
	p1 =	por $0x1, $0x1;
	s6 =	sand.u32 $0x380, s6;
	[tilespmem:s16+$0x0 ss:$0x41] =	vst.msk $0xffff, v7  }
0xa5: {  	_ =	sdelay $0x3  }
0xa6: {  	v7 =	vld.idx.msk [tilespmem:v0+s6+$0x60 ss:$0x1], $0xffff;
	[tilespmem:s14+$0x0 ss:$0x41] =	vst.msk $0xffff, v5;
	s3 =	sadd.s32 s20, s9;
	s21 =	sadd.s32 s20, s10  }
0xa7: {  	v5 =	vld.idx.msk [tilespmem:v0+s6+$0x0 ss:$0x1], $0xffff;
	s22 =	sadd.s32 s20, s12;
	p3 =	sne.s32 s7, $0x1;
	s24 =	sadd.s32 s20, s13;
	[tilespmem:s3+$0x0 ss:$0x41] =	vst.msk $0xffff, v4  }
.Ltmp8:
0xa8: {  	s28 =	sadd.s32 s20, s15;
	s16 =	sadd.s32 $0x2080, s18;
	v4 =	vld.idx.msk [tilespmem:v0+s6+$0x10 ss:$0x1], $0xffff;
	[tilespmem:s21+$0x0 ss:$0x41] =	vst.msk $0xffff, v3;
	(pc) =	sbr.rel @!p3 .LBB1_10-.Ltmp8, $4  }
0xa9: {  	s27 =	sadd.s32 $0xFFFFFFFF, s7;
	p2 =	por $0x1, $0x1;
	s7 =	smov.u32 s10;
	v3 =	vld.idx.msk [tilespmem:v0+s6+$0x20 ss:$0x1], $0xffff;
	[tilespmem:s22+$0x0 ss:$0x41] =	vst.msk $0xffff, v1  }
0xaa: {  	s19 =	sadd.s32 s20, s16;
	s3 =	sadd.s32 $0x2080, s9;
	v1 =	vld.idx.msk [tilespmem:v0+s6+$0x30 ss:$0x1], $0xffff;
	s22 =	simm.s32 $0x100;
	[tilespmem:s24+$0x0 ss:$0x41] =	vst.msk $0xffff, v2  }
0xab: {  	s21 =	smov.u32 s15;
	s24 =	sadd.s32 $0x2080, s11;
	v2 =	vld.idx.msk [tilespmem:v0+s6+$0x40 ss:$0x1], $0xffff;
	s17 =	sand.u32 $0x380, s22;
	[tilespmem:s28+$0x0 ss:$0x41] =	vst.msk $0xffff, v6  }
0xac: {  	s14 =	sadd.s32 s20, s24;
	v6 =	vld.idx.msk [tilespmem:v0+s6+$0x50 ss:$0x1], $0xffff;
	s6 =	smov.u32 s12;
	[tilespmem:s19+$0x0 ss:$0x41] =	vst.msk $0xffff, v7;
	s19 =	smov.u32 s13  }
.LBB1_11:
0xad: {  	p3 =	sne.s32 s27, $0x1;
	v7 =	vld.idx.msk [tilespmem:v0+s17+$0x60 ss:$0x1], $0xffff;
	[tilespmem:s14+$0x0 ss:$0x41] =	vst.msk $0xffff, v5;
	s14 =	sadd.s32 s20, s3;
	s7 =	sadd.s32 $0x2080, s7  }
0xae: {  	s6 =	sadd.s32 $0x2080, s6;
	v5 =	vld.idx.msk [tilespmem:v0+s17+$0x0 ss:$0x1], $0xffff;
	[tilespmem:s14+$0x0 ss:$0x41] =	vst.msk $0xffff, v4;
	s14 =	sadd.s32 s20, s7  }
.Ltmp9:
0xaf: {  	s19 =	sadd.s32 $0x2080, s19;
	v4 =	vld.idx.msk [tilespmem:v0+s17+$0x10 ss:$0x1], $0xffff;
	[tilespmem:s14+$0x0 ss:$0x41] =	vst.msk $0xffff, v3;
	s14 =	sadd.s32 s20, s6;
	(pc) =	sbr.rel @p3 .LBB1_11-.Ltmp9, $4  }
0xb0: {  	s21 =	sadd.s32 $0x2080, s21;
	v3 =	vld.idx.msk [tilespmem:v0+s17+$0x20 ss:$0x1], $0xffff;
	[tilespmem:s14+$0x0 ss:$0x41] =	vst.msk $0xffff, v1;
	s14 =	sadd.s32 s20, s19  }
0xb1: {  	s24 =	sadd.s32 $0x2080, s24;
	s16 =	sadd.s32 $0x2080, s16;
	v1 =	vld.idx.msk [tilespmem:v0+s17+$0x30 ss:$0x1], $0xffff;
	[tilespmem:s14+$0x0 ss:$0x41] =	vst.msk $0xffff, v2;
	s14 =	sadd.s32 s20, s21  }
0xb2: {  	s22 =	sadd.s32 $0x80, s22;
	s3 =	sadd.s32 $0x2080, s3;
	s28 =	sadd.s32 s20, s16;
	v2 =	vld.idx.msk [tilespmem:v0+s17+$0x40 ss:$0x1], $0xffff;
	[tilespmem:s14+$0x0 ss:$0x41] =	vst.msk $0xffff, v6  }
0xb3: {  	s27 =	sadd.s32 $0xFFFFFFFF, s27;
	s14 =	sadd.s32 s20, s24;
	v6 =	vld.idx.msk [tilespmem:v0+s17+$0x50 ss:$0x1], $0xffff;
	s17 =	sand.u32 $0x380, s22;
	[tilespmem:s28+$0x0 ss:$0x41] =	vst.msk $0xffff, v7  }
.LBB1_12:
0xb4: {  	s7 =	sadd.s32 @p2 $0x2080, s7;
	s22 =	smov.u32 s10;
	s27 =	sadd.s32 @p1 s20, s3  }
0xb5: {  	s6 =	sadd.s32 @p2 $0x2080, s6;
	s3 =	sadd.s32 @p1 $0x2080, s3;
	s2 =	sadd.s32 $0x1, s2  }
0xb6: {  	s22 =	smov.u32 @p2 s7;
	s7 =	smov.u32 s12;
	s9 =	smov.u32 @p1 s3  }
0xb7: {  	[tilespmem:s14+$0x0 ss:$0x41] =	vst.msk @p1 $0xffff, v5;
	s14 =	sadd.s32 @p1 s20, s22;
	s7 =	smov.u32 @p2 s6;
	s6 =	sadd.s32 @p2 $0x2080, s19  }
0xb8: {  	v59 =	vld.idx.msk [tilespmem:v0+s17+$0x10 ss:$0x1], $0xffff;
	s19 =	smov.u32 s13;
	s3 =	sadd.s32 @p1 $0x2080, s22;
	s22 =	sadd.s32 s20, s9  }
0xb9: {  	v60 =	vld.idx.msk [tilespmem:v0+s17+$0x20 ss:$0x1], $0xffff;
	[tilespmem:s27+$0x0 ss:$0x41] =	vst.msk @p1 $0xffff, v4;
	s27 =	sadd.s32 @p1 s20, s7;
	s19 =	smov.u32 @p2 s6;
	s6 =	sadd.s32 @p2 $0x2080, s21  }
0xba: {  	s21 =	smov.u32 s15;
	[tilespmem:s14+$0x0 ss:$0x41] =	vst.msk @p1 $0xffff, v3;
	s14 =	sadd.s32 @p1 $0x2080, s16;
	s16 =	sadd.s32 @p1 $0x2080, s24  }
0xbb: {  	v57 =	vld.idx.msk [tilespmem:v0+s17+$0x60 ss:$0x1], $0xffff;
	s10 =	smov.u32 @p1 s3;
	s21 =	smov.u32 @p2 s6;
	s6 =	sadd.s32 @p1 s20, s19;
	[tilespmem:s27+$0x0 ss:$0x41] =	vst.msk @p1 $0xffff, v1  }
0xbc: {  	v58 =	vld.idx.msk [tilespmem:v0+s17+$0x0 ss:$0x1], $0xffff;
	s3 =	sadd.s32 @p1 $0x2080, s7;
	s18 =	smov.u32 @p1 s14;
	s11 =	smov.u32 @p1 s16;
	[tilespmem:s6+$0x0 ss:$0x41] =	vst.msk @p1 $0xffff, v2  }
0xbd: {  	v61 =	vld.idx.msk [tilespmem:v0+s17+$0x30 ss:$0x1], $0xffff;
	s12 =	smov.u32 @p1 s3;
	s3 =	sadd.s32 @p1 $0x2080, s19;
	s24 =	sadd.s32 s20, s10;
	[tilespmem:s22+$0x0 ss:$0x41] =	vst.msk $0xffff, v59  }
0xbe: {  	v62 =	vld.idx.msk [tilespmem:v0+s17+$0x40 ss:$0x1], $0xffff;
	s14 =	sadd.s32 @p1 s20, s21;
	s18 =	sadd.s32 s20, s18;
	s7 =	sadd.s32 @p1 $0x2080, s21;
	[tilespmem:s24+$0x0 ss:$0x41] =	vst.msk $0xffff, v60  }
0xbf: {  	v63 =	vld.idx.msk [tilespmem:v0+s17+$0x50 ss:$0x1], $0xffff;
	s13 =	smov.u32 @p1 s3;
	[tilespmem:s14+$0x0 ss:$0x41] =	vst.msk @p1 $0xffff, v6;
	s15 =	smov.u32 @p1 s7;
	p1 =	sne.s32 s2, s23  }
.Ltmp10:
0xc0: {  	s11 =	sadd.s32 s20, s11;
	[tilespmem:s18+$0x0 ss:$0x41] =	vst.msk $0xffff, v57;
	(pc) =	sbr.rel @p1 .LBB1_5-.Ltmp10, $4  }
.Ltmp11:
0xc1: {  	s27 =	sadd.s32 s20, s12;
	[tilespmem:s11+$0x0 ss:$0x41] =	vst.msk $0xffff, v58;
	(pc) =	sbr.rel @!p1 .LBB1_13-.Ltmp11, $4  }
0xc2: {  	s5 =	sadd.s32 $0x1, s5;
	s4 =	sadd.s32 $0x8, s4;
	s28 =	sadd.s32 s20, s13;
	[tilespmem:s27+$0x0 ss:$0x41] =	vst.msk $0xffff, v61  }
0xc3: {  	s30 =	sadd.s32 $0x8, s30;
	s31 =	sadd.s32 $0x8, s31;
	s7 =	sadd.s32 s20, s15;
	[tilespmem:s28+$0x0 ss:$0x41] =	vst.msk $0xffff, v62  }
0xc4: {  	s0 =	sadd.s32 $0x8, s0;
	s8 =	sadd.s32 $0x8, s8;
	s1 =	sadd.s32 $0x8, s1;
	[tilespmem:s7+$0x0 ss:$0x41] =	vst.msk $0xffff, v63  }
0xc5: {  	_ = 	snop  }
.LBB1_6:
.Ltmp12:
0xc6: {  	(pc) =	sbr.rel .LBB1_12-.Ltmp12, $4  }
0xc7: {  	_ = 	snop  }
0xc8: {  	s3 =	smov.u32 s9  }
0xc9: {  	s7 =	smov.u32 s10;
	s6 =	smov.u32 s12;
	s19 =	smov.u32 s13  }
0xca: {  	s21 =	smov.u32 s15;
	s24 =	smov.u32 s11;
	s16 =	smov.u32 s18  }
.LBB1_8:
.Ltmp13:
0xcb: {  	(pc) =	sbr.rel .LBB1_12-.Ltmp13, $4  }
0xcc: {  	_ = 	snop  }
0xcd: {  	s17 =	smov.u32 s6;
	s3 =	smov.u32 s9  }
0xce: {  	s7 =	smov.u32 s10;
	s6 =	smov.u32 s12;
	s19 =	smov.u32 s13  }
0xcf: {  	s21 =	smov.u32 s15;
	s24 =	smov.u32 s11;
	s16 =	smov.u32 s18  }
.LBB1_10:
.Ltmp14:
0xd0: {  	(pc) =	sbr.rel .LBB1_12-.Ltmp14, $3  }
0xd1: {  	_ =	sdelay $0x1  }
0xd2: {  	s7 =	smov.u32 s10  }
0xd3: {  	s6 =	smov.u32 s12;
	s19 =	smov.u32 s13;
	s21 =	smov.u32 s15  }
.LBB1_16:
0xd4: {  	_ =	sfence.sel $0x180000  }
0xd5: {  	s0 =	simm.s32 $0x1;
	[bflag:$0x0] =	sbarrier.arrive $0xFFFF  }
0xd6: {  	s31 =	simm.s32 $0x2;
	[sflag:s0] =	ssyncpa.u1 $0x1  }
0xd7: {  	[sflag:s31] =	ssyncpa.u1 $0x1  }
0xd8: {  	_ =	strace $0x90000047  }
0xd9: {  	[bflag:$0x2] =	sbarrier.arrive $0xFFFF  }
0xda: {  	p0 =	sne.s32 s6, $0x0;
	s0 =	rddreg [dreg:$0x1]  }
0xdb: {  	s0 =	sadd.s32 @!p0 $0x100000, s0  }
0xdc: {  	[sflag:s0] =	ssyncadd.tile.s32 @!p0 $0x1;
	_ =	shalt  }
.Lfunc_end1:
_tile_overlayer_lowered:
.L_overlay_start_2:
0xdd: {  	(tag) =	ssettag $0x2  }
0xde: {  	s0 =	rddreg [dreg:$0x0];
	s2 =	stileid.u32  }
0xdf: {  	s1 =	rddreg [dreg:$0x1];
	p0 =	sne.s32 s2, $0x0  }
0xe0: {  	s3 =	rddreg [dreg:$0x2];
	[bflag:$0x3] =	sbarrier.arrive $0xFFFF;
	s2 =	simm.s32 @!p0 $0x1C01  }
0xe1: {  	[timem:s3], [sflag:s2] =	dma.local @!p0 [hbm:s0], s1  }
0xe2: {  	s0 =	simm.s32 @!p0 $0x1  }
0xe3: {  	_ =	swait.ge @!p0 [sflag:s0], s1  }
0xe4: {  	s1 =	ssub.s32 @!p0 $0x0, s1;
	[sflag:s0] =	ssyncset.done @!p0 $0x0  }
0xe5: {  	[sflag:s0] =	ssyncadd.s32 @!p0 s1  }
0xe6: {  	[bflag:$0x3] =	sbarrier.arrive $0xFFFF  }
0xe7: {  	_ =	shalt  }

// kernel: sparse-core-data-format-call.cloned.1.call-start
scs
called_computation_lowered:
.L_overlay_start_0:
0x0: {  	s1 =	sld [smem:$0x3FD9]  }
0x1: {  	s2 =	sld [smem:$0x3FFE];
	_ =	sdelay $0x1  }
0x2: {  	s3 =	srdreg.scid  }
0x3: {  	s0 =	sand.u32 $0x1, s3  }
0x4: {  	s17 =	sshll.u32 s0, $0xA;
	s1 =	sadd.s32 s2, s1  }
0x5: {  	s1 =	sadd.s32 s1, s17  }
0x6: {  	[smem:$0x3FBE] =	sst s1  }
0x7: {  	_ = 	snop  }
0x8: {  	(tm) =	ssettm $0x1  }
0x9: {  	s18 =	sld [smem:$0x3FFB];
	_ =	sdelay $0x3  }
0xa: {  	_ =	strace s18  }
0xb: {  	s1 =	sld [smem:$0x3FFC];
	_ =	sdelay $0x3  }
0xc: {  	_ =	strace s1  }
0xd: {  	s1 =	sld [smem:$0x3FFD];
	_ =	sdelay $0x3  }
0xe: {  	_ =	strace s1  }
0xf: {  	_ =	strace $0x8FFFFFFF  }
0x10: {  	s19 =	sld [smem:$0x3FDB];
	_ =	sdelay $0x1  }
0x11: {  	s20 =	simm.s32 $_scs_section_size  }
0x12: {  	s4 =	simm.s32 $_size__tile_overlayer_lowered;
	s5 =	simm.s32 $_tile_overlayer_lowered  }
0x13: {  	s23 =	simm.s32 $0x1BFF;
	s22 =	sshll.u32 s5, $0x1;
	s1 =	sadd.s32 s20, s19  }
0x14: {  	s6 =	simm.s32 $0x0;
	s21 =	sshll.u32 s4, $0x1;
	s4 =	sadd.s32 s22, s1  }
0x15: {  	[timem:s6], [sflag:s23] =	dma.local [hbm:s4], s21  }
0x16: {  	_ =	swait.ge [sflag:s23], s21  }
0x17: {  	s2 =	ssub.s32 $0x0, s21;
	[sflag:s23] =	ssyncset.done $0x0  }
0x18: {  	[sflag:s23] =	ssyncadd.s32 s2;
	_ =	sdelay $0x1  }
0x19: {  	s24 =	simm.s32 $0x1B8B  }
0x1a: {  	_ =	swait.ge [sflag:s24], $0x1  }
0x1b: {  	[sflag:s24] =	ssyncset.done $0x0  }
0x1c: {  	s26 =	simm.s32 $0x1B8E;
	s25 =	sld [smem:$0x3FFE];
	[sflag:s24] =	ssyncadd.s32 $0xFFFFFFFF  }
0x1d: {  	s27 =	simm.s32 $execute0_lowered;
	[smem:$0x3FD2] =	sst s26  }
0x1e: {  	s4 =	sshll.u32 s27, $0x1;
	_ =	strace $0x8000004C;
	[dreg:$0x1] =	wrdreg $0xFFFFFFFF  }
0x1f: {  	s28 =	simm.s32 $_size_execute0_lowered;
	s1 =	sadd.s32 s1, s4;
	[dreg:$0x0] =	wrdreg $0x0  }
0x20: {  	s4 =	sshll.u32 s28, $0x1;
	[dreg:$0x2] =	wrdreg s1  }
0x21: {  	[dreg:$0x3] =	wrdreg s4  }
0x22: {  	[dreg:$0x4] =	wrdreg $0xC0  }
0x23: {  	_ =	task [dreg:s6], $0x5FFFF  }
0x24: {  	[dreg:$0x1] =	wrdreg $0xFFFFFFFF  }
0x25: {  	[dreg:$0x0] =	wrdreg $0x60  }
0x26: {  	[dreg:$0x2] =	wrdreg s25  }
0x27: {  	[dreg:$0x3] =	wrdreg $0x9  }
0x28: {  	_ =	task.clear_ibuf [dreg:s6], $0x4FFFF;
	_ =	strace $0x9000004C  }
0x29: {  	s29 =	simm.s32 $0x9;
	_ =	strace $0x8000004E  }
0x2a: {  	_ =	swait.ge [sflag:s29], $0x1  }
0x2b: {  	[sflag:s29] =	ssyncadd.s32 $0xFFFFFFFF  }
0x2c: {  	_ =	strace $0x9000004E  }
0x2d: {  	_ =	sfence  }
0x2e: {  	s30 =	sld [smem:$0x0];
	_ =	sdelay $0x2  }
0x2f: {  	s31 =	sshll.u32 s3, $0xD;
	s3 =	sshrl.u32 s3, $0x2  }
0x30: {  	s2 =	sand.u32 $0x4000, s31;
	s1 =	sadd.s32 s3, s30  }
0x31: {  	s0 =	sor.u32 s2, s0;
	s1 =	sshll.u32 s1, $0x11  }
0x32: {  	s0 =	sor.u32 s1, s0  }
0x33: {  	s0 =	sadd.s32 $0x8F2B, s0  }
0x34: {  	[sflag:s0] =	ssyncadd.remote.s32 $0x1  }
0x35: {  	_ =	sfence.sel $0xFFFF  }
0x36: {  	[dreg:$0x0] =	wrdreg $0xFFFFFFFF;
	(pc) =	sbr.abs _section_cstart, $3  }
0x37: {  	[dreg:$0x1] =	wrdreg $0xFFFFFFFF  }
0x38: {  	_ =	task.clear_ibuf [dreg:s6], $0x2FFFF;
	_ =	strace $0x9FFFFFFF  }
0x39: {  	(tm) =	ssettm $0x7FFFFFFF  }
tec
execute0_lowered:
.L_overlay_start_1:
0x0: {  	(tag) =	ssettag $0x1  }
0x1: {  	s0 =	srdreg.scid  }
0x2: {  	s1 =	stileid.u32;
	s12 =	rddreg [dreg:$0x0];
	_ =	strace $0x8000004D  }
0x3: {  	s26 =	simm.s32 $0x2;
	s8 =	simm.s32 $0x0;
	s15 =	sadd.s32 $0x4DD400, s12  }
0x4: {  	s9 =	simm.s32 $0x0;
	s16 =	sadd.s32 $0x50E400, s12;
	[dreg:$0x2] =	wrdreg s15  }
0x5: {  	s7 =	simm.s32 $0x0;
	s17 =	sadd.s32 $0x53F400, s12;
	[dreg:$0x3] =	wrdreg s16  }
0x6: {  	s29 =	simm.s32 $0x0;
	s18 =	sadd.s32 $0x570400, s12;
	[dreg:$0x4] =	wrdreg s17  }
0x7: {  	s30 =	simm.s32 $0x0;
	s19 =	sadd.s32 $0x5A1400, s12;
	[dreg:$0x5] =	wrdreg s18  }
0x8: {  	s31 =	simm.s32 $0x0;
	s20 =	sadd.s32 $0x5D2400, s12;
	[dreg:$0x6] =	wrdreg s19  }
0x9: {  	s0 =	sshll.u32 s0, $0x4;
	s21 =	sadd.s32 $0x603400, s12;
	[dreg:$0x7] =	wrdreg s20  }
0xa: {  	s2 =	sand.u32 $0x1, s1;
	s22 =	sadd.s32 $0x634400, s12;
	[dreg:$0x8] =	wrdreg s21  }
0xb: {  	s23 =	sadd.s32 $0x665400, s12;
	s24 =	sadd.s32 $0x696400, s12;
	[dreg:$0x9] =	wrdreg s22  }
0xc: {  	s25 =	sadd.s32 $0x6C7400, s12;
	s0 =	sand.u32 $0x10, s0;
	[dreg:$0xa] =	wrdreg s23  }
0xd: {  	s13 =	ssub.s32 $0x2, s2;
	[dreg:$0xb] =	wrdreg s24;
	s0 =	sor.u32 s1, s0  }
0xe: {  	[dreg:$0xc] =	wrdreg s25;
	s18 =	sadd.s32 $0x6F8400, s12;
	s3 =	sshrl.u32 s0, $0x1  }
0xf: {  	s4 =	sshrl.u32 s13, $0x1;
	s0 =	sand.u32 $0x1, s13;
	s5 =	ssub.s32 $0x47, s3  }
0x10: {  	s19 =	sadd.s32 $0x729400, s12;
	s0 =	sadd.s32 s0, s4;
	s14 =	sshrl.u32 s5, $0x4  }
0x11: {  	s20 =	sadd.s32 $0x75A400, s12;
	s21 =	sadd.s32 $0x78B400, s12;
	s0 =	smul.u32 s14, s0  }
.Ltmp0:
0x12: {  	s22 =	sadd.s32 $0x7BC400, s12;
	s24 =	simm.s32 $0x40;
	(pc) =	sbr.rel .LBB1_1-.Ltmp0, $4  }
0x13: {  	s25 =	simm.s32 $0x3800;
	s28 =	smov.u32 s2;
	s14 =	simm.s32 $0x1  }
0x14: {  	s4 =	sadd.s32 $0x1CD400, s12;
	[sflag:s14] =	ssyncpa.u1 $0x0;
	s6 =	smul.u32 $0x38, s0  }
0x15: {  	s27 =	smov.u32 s3;
	s5 =	simm.s32 $0x0;
	[sflag:s26] =	ssyncpa.u1 $0x0  }
0x16: {  	s0 =	simm.s32 $0x0;
	s26 =	simm.s32 $0x0;
	s23 =	sor.u32 $0x1, s6  }
.LBB1_7:
0x17: {  	s1 =	sadd.s32 $0x1, s26  }
0x18: {  	s0 =	sadd.s32 $0x10, s27;
	s10 =	smov.u32 s27;
	p1 =	sgt.s32 s1, $0x37  }
0x19: {  	s10 =	smov.u32 @p1 s0  }
0x1a: {  	s11 =	smov.u32 s28;
	s0 =	sadd.s32 $0x2, s28;
	p2 =	sgt.s32 s10, $0x37  }
0x1b: {  	s11 =	smov.u32 @p2 s0  }
0x1c: {  	s12 =	smov.u32 s29;
	s0 =	sadd.s32 $0x2, s29;
	p3 =	sgt.s32 s11, $0x1  }
0x1d: {  	p0 =	slt.u32 s31, $0x2;
	s12 =	smov.u32 @p3 s0  }
0x1e: {  	s13 =	smov.u32 s30;
	s0 =	sadd.s32 $0x10, s30;
	p4 =	sgt.s32 s12, $0x1  }
0x1f: {  	s8 =	smov.u32 s26;
	s5 =	smov.u32 s27;
	s13 =	smov.u32 @p4 s0  }
0x20: {  	s9 =	smov.u32 s28;
	s1 =	simm.s32 @p1 $0x0;
	p1 =	sgt.s32 s13, $0xF  }
0x21: {  	s15 =	simm.s32 @!p0 $0x2;
	s13 =	simm.s32 @p1 $0x0;
	p1 =	sne.s32 s31, s23  }
.Ltmp1:
0x22: {  	s7 =	smov.u32 s29;
	_ =	swait.ge @!p0 [sflag:s15], $0x800;
	(pc) =	sbr.rel @!p1 .LBB1_8-.Ltmp1, $4  }
0x23: {  	[sflag:s15] =	ssyncset.done @!p0 $0x0;
	s26 =	smov.u32 s1;
	s10 =	smov.u32 @p2 s3  }
0x24: {  	[sflag:s15] =	ssyncadd.s32 @!p0 $0xFFFFF800;
	s27 =	smov.u32 s10;
	s11 =	smov.u32 @p3 s2  }
0x25: {  	s28 =	smov.u32 s11;
	s12 =	simm.s32 @p4 $0x0;
	s0 =	smov.u32 s30  }
0x26: {  	s29 =	smov.u32 s12;
	s31 =	sadd.s32 $0x1, s31;
	s30 =	smov.u32 s13  }
.LBB1_1:
0x27: {  	p0 =	sge.u32 s31, s6  }
0x28: {  	s11 =	smul.u32 @!p0 $0x31000, s30  }
0x29: {  	s1 =	sand.u32 @!p0 $0x1FFFFFF, s26;
	s12 =	smul.u32 @!p0 $0x18800, s29  }
0x2a: {  	s10 =	smulhi.u32 @!p0 $0x4924925, s1  }
0x2b: {  	s13 =	smul.u32 @!p0 $0xC400, s28  }
0x2c: {  	s17 =	sadd.s32 $0xFFFFFFFF, s31;
	s11 =	sadd.s32 @!p0 s4, s11;
	s10 =	smul.u32 @!p0 $0x38, s10  }
0x2d: {  	s15 =	sxor.u32 @!p0 $0xFFFFFFFF, s31;
	s11 =	sadd.s32 @!p0 s12, s11;
	s12 =	smul.u32 @!p0 $0x380, s27  }
0x2e: {  	s15 =	sshll.u32 @!p0 s15, $0xB;
	s1 =	ssub.s32 @!p0 s1, s10;
	s10 =	sadd.s32 @!p0 s13, s11  }
0x2f: {  	s11 =	sand.u32 @!p0 $0x800, s15;
	s1 =	sshll.u32 @!p0 s1, $0x4;
	s10 =	sadd.s32 @!p0 s12, s10  }
0x30: {  	s12 =	simm.s32 @!p0 $0xC4000;
	s1 =	sadd.s32 @!p0 s1, s10;
	s10 =	simm.s32 @!p0 $0x40  }
0x31: {  	[tilespmem:s11], [sflag:$0x1] =	stream.strided.gather @!p0 [hbm4b:s1+s10], $0x800, s12, s10, $0x38;
	[tilespmem:$0x2000] =	vst v63  }
0x32: {  	p0 =	sge.u32 s17, s6  }
.Ltmp2:
0x33: {  	_ = 	snop;
	(pc) =	sbr.rel @p0 .LBB1_7-.Ltmp2, $1  }
0x34: {  	_ =	sdelay $0x3  }
0x35: {  	s1 =	sshll.u32 s31, $0xB  }
0x36: {  	s1 =	sand.u32 $0x800, s1  }
0x37: {  	v0 =	vmov s1  }
0x38: {  	_ =	swait.ge [sflag:s14], $0x800  }
0x39: {  	[sflag:s14] =	ssyncset.done $0x0;
	s10 =	sor.u32 $0x1000, s1  }
0x3a: {  	s11 =	simm.s32 $0x0;
	[sflag:s14] =	ssyncadd.s32 $0xFFFFF800;
	v1 =	vmov s10  }
.LBB1_3:
0x3b: {  	s12 =	sshll.u32 s11, $0x7;
	p0 =	por $0x1, $0x1;
	s13 =	simm.s32 $0x0  }
.LBB1_4:
0x3c: {  	s13 =	sor.u32 s12, s13  }
0x3d: {  	v2 =	vld.idx.msk [tilespmem:v0+s13+$0x0 ss:$0x1], $0xffff;
	s15 =	sor.u32 $0x10, s13  }
0x3e: {  	s16 =	sor.u32 $0x20, s13;
	v3 =	vld.idx.msk [tilespmem:v0+s15+$0x0 ss:$0x1], $0xffff  }
0x3f: {  	s17 =	sor.u32 $0x30, s13;
	v4 =	vld.idx.msk [tilespmem:v0+s16+$0x0 ss:$0x1], $0xffff  }
0x40: {  	p1 =	por p0, p0;
	v5 =	vld.idx.msk [tilespmem:v0+s17+$0x0 ss:$0x1], $0xffff  }
.Ltmp3:
0x41: {  	_ = 	snop;
	(pc) =	sbr.rel @p1 .LBB1_4-.Ltmp3, $4  }
0x42: {  	[tilespmem:v1+s13+$0x0 ss:$0x1] =	vst.idx.msk $0xffff, v2  }
0x43: {  	[tilespmem:v1+s15+$0x0 ss:$0x1] =	vst.idx.msk $0xffff, v3  }
0x44: {  	[tilespmem:v1+s16+$0x0 ss:$0x1] =	vst.idx.msk $0xffff, v4  }
0x45: {  	p0 =	por $0x0, $0x0;
	s13 =	simm.s32 $0x40;
	[tilespmem:v1+s17+$0x0 ss:$0x1] =	vst.idx.msk $0xffff, v5  }
0x46: {  	s11 =	sadd.s32 $0x1, s11  }
0x47: {  	p0 =	sne.s32 s11, $0x10  }
.Ltmp4:
0x48: {  	_ = 	snop;
	(pc) =	sbr.rel @p0 .LBB1_3-.Ltmp4, $1  }
0x49: {  	_ =	sdelay $0x3  }
0x4a: {  	s0 =	smul.u32 $0x31000, s0  }
0x4b: {  	s7 =	smul.u32 $0x700, s7;
	_ =	sdelay $0x1  }
0x4c: {  	s5 =	smul.u32 $0xE00, s5;
	s12 =	rddreg [dreg:$0x2];
	s11 =	sadd.s32 s0, s7  }
0x4d: {  	s9 =	sshll.u32 s9, $0x4;
	s11 =	sadd.s32 s12, s11  }
0x4e: {  	s9 =	sand.u32 $0x10, s9;
	s11 =	sadd.s32 s5, s11  }
0x4f: {  	s8 =	sshll.u32 s8, $0x5;
	s11 =	sadd.s32 s9, s11  }
0x50: {  	s11 =	sadd.s32 s8, s11  }
0x51: {  	[hbm4b:s11+s24] =	stream.strided.scatter [tilespmem:s10], [sflag:$0x2], $0x80, s25, s24, $0x38;
	[tilespmem:$0x2000] =	vst v63  }
0x52: {  	s11 =	rddreg [dreg:$0x3]  }
0x53: {  	s10 =	sadd.s32 s0, s11  }
0x54: {  	s10 =	sadd.s32 s7, s10  }
0x55: {  	s10 =	sadd.s32 s5, s10  }
0x56: {  	s10 =	sadd.s32 s9, s10  }
0x57: {  	s13 =	rddreg [dreg:$0x4];
	s12 =	sadd.s32 $0x1080, s1;
	s10 =	sadd.s32 s8, s10  }
0x58: {  	[hbm4b:s10+s24] =	stream.strided.scatter [tilespmem:s12], [sflag:$0x2], $0x80, s25, s24, $0x38;
	[tilespmem:$0x2000] =	vst v63  }
0x59: {  	s10 =	sadd.s32 s0, s13  }
0x5a: {  	s10 =	sadd.s32 s7, s10  }
0x5b: {  	s10 =	sadd.s32 s5, s10  }
0x5c: {  	s10 =	sadd.s32 s9, s10  }
0x5d: {  	s15 =	sadd.s32 $0x1100, s1;
	s16 =	rddreg [dreg:$0x5];
	s10 =	sadd.s32 s8, s10  }
0x5e: {  	[hbm4b:s10+s24] =	stream.strided.scatter [tilespmem:s15], [sflag:$0x2], $0x80, s25, s24, $0x38;
	[tilespmem:$0x2000] =	vst v63  }
0x5f: {  	s10 =	sadd.s32 s0, s16  }
0x60: {  	s10 =	sadd.s32 s7, s10  }
0x61: {  	s10 =	sadd.s32 s5, s10  }
0x62: {  	s10 =	sadd.s32 s9, s10  }
0x63: {  	s17 =	sadd.s32 $0x1180, s1;
	s11 =	rddreg [dreg:$0x6];
	s10 =	sadd.s32 s8, s10  }
0x64: {  	[hbm4b:s10+s24] =	stream.strided.scatter [tilespmem:s17], [sflag:$0x2], $0x80, s25, s24, $0x38;
	[tilespmem:$0x2000] =	vst v63  }
0x65: {  	s10 =	sadd.s32 s0, s11  }
0x66: {  	s10 =	sadd.s32 s7, s10  }
0x67: {  	s10 =	sadd.s32 s5, s10  }
0x68: {  	s10 =	sadd.s32 s9, s10  }
0x69: {  	s12 =	sadd.s32 $0x1200, s1;
	s13 =	rddreg [dreg:$0x7];
	s10 =	sadd.s32 s8, s10  }
0x6a: {  	[hbm4b:s10+s24] =	stream.strided.scatter [tilespmem:s12], [sflag:$0x2], $0x80, s25, s24, $0x38;
	[tilespmem:$0x2000] =	vst v63  }
0x6b: {  	s10 =	sadd.s32 s0, s13  }
0x6c: {  	s10 =	sadd.s32 s7, s10  }
0x6d: {  	s10 =	sadd.s32 s5, s10  }
0x6e: {  	s10 =	sadd.s32 s9, s10  }
0x6f: {  	s15 =	sadd.s32 $0x1280, s1;
	s16 =	rddreg [dreg:$0x8];
	s10 =	sadd.s32 s8, s10  }
0x70: {  	[hbm4b:s10+s24] =	stream.strided.scatter [tilespmem:s15], [sflag:$0x2], $0x80, s25, s24, $0x38;
	[tilespmem:$0x2000] =	vst v63  }
0x71: {  	s10 =	sadd.s32 s0, s16  }
0x72: {  	s10 =	sadd.s32 s7, s10  }
0x73: {  	s10 =	sadd.s32 s5, s10  }
0x74: {  	s10 =	sadd.s32 s9, s10  }
0x75: {  	s17 =	sadd.s32 $0x1300, s1;
	s11 =	rddreg [dreg:$0x9];
	s10 =	sadd.s32 s8, s10  }
0x76: {  	[hbm4b:s10+s24] =	stream.strided.scatter [tilespmem:s17], [sflag:$0x2], $0x80, s25, s24, $0x38;
	[tilespmem:$0x2000] =	vst v63  }
0x77: {  	s10 =	sadd.s32 s0, s11  }
0x78: {  	s10 =	sadd.s32 s7, s10  }
0x79: {  	s10 =	sadd.s32 s5, s10  }
0x7a: {  	s10 =	sadd.s32 s9, s10  }
0x7b: {  	s12 =	sadd.s32 $0x1380, s1;
	s13 =	rddreg [dreg:$0xa];
	s10 =	sadd.s32 s8, s10  }
0x7c: {  	[hbm4b:s10+s24] =	stream.strided.scatter [tilespmem:s12], [sflag:$0x2], $0x80, s25, s24, $0x38;
	[tilespmem:$0x2000] =	vst v63  }
0x7d: {  	s10 =	sadd.s32 s0, s13  }
0x7e: {  	s10 =	sadd.s32 s7, s10  }
0x7f: {  	s10 =	sadd.s32 s5, s10  }
0x80: {  	s10 =	sadd.s32 s9, s10  }
0x81: {  	s15 =	sadd.s32 $0x1400, s1;
	s16 =	rddreg [dreg:$0xb];
	s10 =	sadd.s32 s8, s10  }
0x82: {  	[hbm4b:s10+s24] =	stream.strided.scatter [tilespmem:s15], [sflag:$0x2], $0x80, s25, s24, $0x38;
	[tilespmem:$0x2000] =	vst v63  }
0x83: {  	s10 =	sadd.s32 s0, s16  }
0x84: {  	s10 =	sadd.s32 s7, s10  }
0x85: {  	s10 =	sadd.s32 s5, s10  }
0x86: {  	s10 =	sadd.s32 s9, s10  }
0x87: {  	s17 =	sadd.s32 $0x1480, s1;
	s11 =	rddreg [dreg:$0xc];
	s10 =	sadd.s32 s8, s10  }
0x88: {  	[hbm4b:s10+s24] =	stream.strided.scatter [tilespmem:s17], [sflag:$0x2], $0x80, s25, s24, $0x38;
	[tilespmem:$0x2000] =	vst v63  }
0x89: {  	s10 =	sadd.s32 s0, s11  }
0x8a: {  	s10 =	sadd.s32 s7, s10  }
0x8b: {  	s10 =	sadd.s32 s5, s10  }
0x8c: {  	s10 =	sadd.s32 s9, s10  }
0x8d: {  	s12 =	sadd.s32 $0x1500, s1;
	s13 =	sadd.s32 s0, s18;
	s10 =	sadd.s32 s8, s10  }
0x8e: {  	[hbm4b:s10+s24] =	stream.strided.scatter [tilespmem:s12], [sflag:$0x2], $0x80, s25, s24, $0x38;
	[tilespmem:$0x2000] =	vst v63  }
0x8f: {  	s10 =	sadd.s32 s7, s13  }
0x90: {  	s10 =	sadd.s32 s5, s10  }
0x91: {  	s10 =	sadd.s32 s9, s10  }
0x92: {  	s15 =	sadd.s32 $0x1580, s1;
	s16 =	sadd.s32 s0, s19;
	s10 =	sadd.s32 s8, s10  }
0x93: {  	[hbm4b:s10+s24] =	stream.strided.scatter [tilespmem:s15], [sflag:$0x2], $0x80, s25, s24, $0x38;
	[tilespmem:$0x2000] =	vst v63  }
0x94: {  	s10 =	sadd.s32 s7, s16  }
0x95: {  	s10 =	sadd.s32 s5, s10  }
0x96: {  	s10 =	sadd.s32 s9, s10  }
0x97: {  	s17 =	sadd.s32 $0x1600, s1;
	s12 =	sadd.s32 s0, s20;
	s10 =	sadd.s32 s8, s10  }
0x98: {  	[hbm4b:s10+s24] =	stream.strided.scatter [tilespmem:s17], [sflag:$0x2], $0x80, s25, s24, $0x38;
	[tilespmem:$0x2000] =	vst v63  }
0x99: {  	s10 =	sadd.s32 s7, s12  }
0x9a: {  	s10 =	sadd.s32 s5, s10  }
0x9b: {  	s10 =	sadd.s32 s9, s10  }
0x9c: {  	s13 =	sadd.s32 $0x1680, s1;
	s15 =	sadd.s32 s0, s21;
	s10 =	sadd.s32 s8, s10  }
0x9d: {  	[hbm4b:s10+s24] =	stream.strided.scatter [tilespmem:s13], [sflag:$0x2], $0x80, s25, s24, $0x38;
	[tilespmem:$0x2000] =	vst v63  }
0x9e: {  	s0 =	sadd.s32 s0, s22;
	s10 =	sadd.s32 s7, s15  }
0x9f: {  	s0 =	sadd.s32 s7, s0;
	s10 =	sadd.s32 s5, s10  }
.Ltmp5:
0xa0: {  	s0 =	sadd.s32 s5, s0;
	s10 =	sadd.s32 s9, s10;
	(pc) =	sbr.rel .LBB1_7-.Ltmp5, $4  }
0xa1: {  	s16 =	sadd.s32 $0x1700, s1;
	s0 =	sadd.s32 s9, s0;
	s10 =	sadd.s32 s8, s10  }
0xa2: {  	[hbm4b:s10+s24] =	stream.strided.scatter [tilespmem:s16], [sflag:$0x2], $0x80, s25, s24, $0x38;
	[tilespmem:$0x2000] =	vst v63  }
0xa3: {  	s17 =	sadd.s32 $0x1780, s1;
	s0 =	sadd.s32 s8, s0  }
0xa4: {  	[hbm4b:s0+s24] =	stream.strided.scatter [tilespmem:s17], [sflag:$0x2], $0x80, s25, s24, $0x38;
	[tilespmem:$0x2000] =	vst v63  }
.LBB1_8:
0xa5: {  	_ =	sfence.sel $0x180000  }
0xa6: {  	s0 =	simm.s32 $0x1;
	[bflag:$0x0] =	sbarrier.arrive $0xFFFF  }
0xa7: {  	s30 =	simm.s32 $0x2;
	[sflag:s0] =	ssyncpa.u1 $0x1  }
0xa8: {  	[sflag:s30] =	ssyncpa.u1 $0x1  }
0xa9: {  	_ =	strace $0x9000004D  }
0xaa: {  	s31 =	stileid.u32;
	[bflag:$0x2] =	sbarrier.arrive $0xFFFF  }
0xab: {  	p0 =	sne.s32 s31, $0x0;
	s0 =	rddreg [dreg:$0x1]  }
0xac: {  	s0 =	sadd.s32 @!p0 $0x100000, s0  }
0xad: {  	[sflag:s0] =	ssyncadd.tile.s32 @!p0 $0x1;
	_ =	shalt  }
.Lfunc_end1:
_tile_overlayer_lowered:
.L_overlay_start_2:
0xae: {  	(tag) =	ssettag $0x2  }
0xaf: {  	s0 =	rddreg [dreg:$0x0];
	s2 =	stileid.u32  }
0xb0: {  	s1 =	rddreg [dreg:$0x1];
	p0 =	sne.s32 s2, $0x0  }
0xb1: {  	s3 =	rddreg [dreg:$0x2];
	[bflag:$0x3] =	sbarrier.arrive $0xFFFF;
	s2 =	simm.s32 @!p0 $0x1C01  }
0xb2: {  	[timem:s3], [sflag:s2] =	dma.local @!p0 [hbm:s0], s1  }
0xb3: {  	s0 =	simm.s32 @!p0 $0x1  }
0xb4: {  	_ =	swait.ge @!p0 [sflag:s0], s1  }
0xb5: {  	s1 =	ssub.s32 @!p0 $0x0, s1;
	[sflag:s0] =	ssyncset.done @!p0 $0x0  }
0xb6: {  	[sflag:s0] =	ssyncadd.s32 @!p0 s1  }
0xb7: {  	[bflag:$0x3] =	sbarrier.arrive $0xFFFF  }
0xb8: {  	_ =	shalt  }

</sc_bundles>
